<compile_context>
chip_gen: v7x
topology: tpu7x:2x2x1
jax: 0.10.2.dev20260603
libtpu: 0.0.44.dev20260713+nightly
codegen_flags: <defaults>
</compile_context>

<pallas_src>
import functools

import jax
import jax.numpy as jnp
from jax import lax
from jax.experimental import pallas as pl
from jax.experimental.pallas import tpu as pltpu
from jax.experimental.pallas import tpu_sc as plsc

_H = 16
_S = 2048
_MAXD = 128
_DLEN = 4224
_LEAD = 8
_GROUPS = _S // 2 // 8


def _bias_body(table_hbm, out_hbm, tab_v, d8_v, dummy_v, sem):
    core = lax.axis_index("c")
    sub = lax.axis_index("s")
    wid = sub * 2 + core
    h = wid // 2
    half = wid % 2
    i_base = half * (_S // 2)

    pltpu.sync_copy(table_hbm, tab_v)

    zeros = jnp.zeros((16,), jnp.int32)
    iota = lax.iota(jnp.int32, 16)
    hvec = zeros + h
    t0 = plsc.load_gather(tab_v, [zeros, hvec])
    t256 = plsc.load_gather(tab_v, [zeros + 2 * _MAXD, hvec])

    def fill_left(c, carry):
        d8_v[7, pl.ds(c * 16, 16)] = t0
        return carry

    lax.fori_loop(0, 120, fill_left, None, unroll=8)

    for c in range(16):
        d8_v[7, pl.ds(1920 + c * 16, 16)] = plsc.load_gather(
            tab_v, [iota + (1 + c * 16), hvec]
        )

    def fill_right(c, carry):
        d8_v[7, pl.ds(2176 + c * 16, 16)] = t256
        return carry

    lax.fori_loop(0, 128, fill_right, None, unroll=8)

    mbase = (1 - half) * 1024
    for t in range(7):
        s = 7 - t

        def shift(c, carry, s=s, t=t):
            o = mbase + c * 16
            d8_v[t, pl.ds(o, 16)] = d8_v[7, pl.ds(o + s, 16)]
            return carry

        lax.fori_loop(0, 192, shift, None, unroll=8)

    rg_base = half * (_S // 2 // 8)

    def group(g, carry):
        i0 = i_base + g * 8
        rg = rg_base + g
        start8 = 2040 - i0
        for ct in range(16):
            pltpu.make_async_copy(
                d8_v.at[:, pl.ds(start8 + ct * 128, 128)],
                out_hbm.at[h, rg, ct],
                sem,
            ).start()

        @pl.when(g >= _LEAD)
        def _drain():
            pltpu.make_async_copy(
                out_hbm.at[h, rg_base],
                dummy_v,
                sem,
            ).wait()

        return carry

    lax.fori_loop(0, _GROUPS, group, None)
    for _ in range(_LEAD):
        pltpu.make_async_copy(
            out_hbm.at[0, 0],
            dummy_v,
            sem,
        ).wait()


@jax.jit
def _bias_call(table):
    mesh = plsc.VectorSubcoreMesh(core_axis_name="c", subcore_axis_name="s")
    return pl.kernel(
        _bias_body,
        out_type=jax.ShapeDtypeStruct((_H, _S // 8, _S // 128, 8, 128), jnp.float32),
        mesh=mesh,
        scratch_types=[
            pltpu.VMEM((2 * _MAXD + 1, _H), jnp.float32),
            pltpu.VMEM((8, _DLEN), jnp.float32),
            pltpu.VMEM((_S // 128, 8, 128), jnp.float32),
            pltpu.SemaphoreType.DMA,
        ],
        compiler_params=pltpu.CompilerParams(
            use_tc_tiling_on_sc=False, needs_layout_passes=False
        ),
    )(table)


def kernel(seq_len, relative_bias):
    del seq_len
    out5 = _bias_call(relative_bias)
    return out5.transpose(0, 1, 3, 2, 4).reshape(_H, _S, _S)

# --- scband reference (transcript-rebuilt; emitter-appended) ---
"""Pipeline reference for scband-relative-positional-bias-64020782514789 (READ-ONLY COPY).

The authoritative reference and input builder live on the scoring server;
editing this copy changes nothing except your own understanding.
"""

import jax, jax.numpy as jnp
import numpy as np

NUM_HEADS = 16
MAX_DISTANCE = 128
SEQ_LEN = 2048

def setup_inputs(seed: int = 0):
    key = jax.random.key(seed)
    relative_bias = jax.random.normal(key, (2 * MAX_DISTANCE + 1, NUM_HEADS), dtype=jnp.float32)
    return {"seq_len": SEQ_LEN, "relative_bias": relative_bias}

def reference(seq_len, relative_bias):
    pos = jnp.arange(SEQ_LEN) + (seq_len - SEQ_LEN)
    rel_dist = pos[None, :] - pos[:, None]
    rel_dist = jnp.clip(rel_dist, -MAX_DISTANCE, MAX_DISTANCE)
    rel_dist = rel_dist + MAX_DISTANCE
    bias = jnp.take(relative_bias, rel_dist, axis=0)  # [S, S, H]
    return jnp.transpose(bias, (2, 0, 1))  # [H, S, S]

if __name__ == "__main__":
    import jax
    _d = setup_inputs()
    print(jax.jit(kernel)(*tuple(_d.values())))

</pallas_src>

<mosaic_0001>
#map = affine_map<(d0, d1) -> (0, 0)>
#map1 = affine_map<(d0, d1) -> (0, 0, 0, 0, 0)>
module attributes {stable_mosaic.version = 14 : i64} {
  func.func @_bias_body(%arg0: i32, %arg1: i32, %arg2: memref<257x16xf32, #tpu.memory_space<hbm>>, %arg3: memref<16x256x16x8x128xf32, #tpu.memory_space<hbm>>, %arg4: memref<257x16xf32, #tpu.memory_space<vmem>>, %arg5: memref<8x4224xf32, #tpu.memory_space<vmem>>, %arg6: memref<16x8x128xf32, #tpu.memory_space<vmem>>, %arg7: memref<!tpu.dma_semaphore, #tpu.memory_space<semaphore_mem>>) attributes {dimension_semantics = [#tpu.dimension_semantics<core_parallel>, #tpu.dimension_semantics<subcore_parallel>], iteration_bounds = array<i64: 2, 16>, scalar_prefetch = 0 : i64, scratch_operands = 4 : i64, tpu.core_type = #tpu.core_type<sc_vector_subcore>, window_params = [{transform_indices = #map}, {transform_indices = #map1}]} {
    %mul3A = arith.constant 2 : i32
    %mul3A_0 = arith.muli %arg1, %mul3A : i32
    %add3A = arith.addi %mul3A_0, %arg0 : i32
    %jit3A = arith.constant 2 : i32
    %div3A = arith.divsi %add3A, %jit3A : i32
    %sign3A = arith.constant 0 : i32
    %sign3A_1 = arith.cmpi sgt, %add3A, %sign3A : i32
    %sign3A_2 = arith.extui %sign3A_1 : i1 to i32
    %sign3A_3 = arith.constant 0 : i32
    %sign3A_4 = arith.cmpi slt, %add3A, %sign3A_3 : i32
    %sign3A_5 = arith.extui %sign3A_4 : i1 to i32
    %sign3A_6 = arith.subi %sign3A_2, %sign3A_5 : i32
    %sign3A_7 = arith.constant 0 : i32
    %sign3A_8 = arith.cmpi sgt, %jit3A, %sign3A_7 : i32
    %sign3A_9 = arith.extui %sign3A_8 : i1 to i32
    %sign3A_10 = arith.constant 0 : i32
    %sign3A_11 = arith.cmpi slt, %jit3A, %sign3A_10 : i32
    %sign3A_12 = arith.extui %sign3A_11 : i1 to i32
    %sign3A_13 = arith.subi %sign3A_9, %sign3A_12 : i32
    %ne3A = arith.cmpi ne, %sign3A_6, %sign3A_13 : i32
    %rem3A = arith.remsi %add3A, %jit3A : i32
    %ne3A_14 = arith.constant 0 : i32
    %ne3A_15 = arith.cmpi ne, %rem3A, %ne3A_14 : i32
    %and3A = arith.andi %ne3A, %ne3A_15 : i1
    %sub3A = arith.constant 1 : i32
    %sub3A_16 = arith.subi %div3A, %sub3A : i32
    %select_n3A = arith.select %and3A, %sub3A_16, %div3A : i32
    %jit3A_17 = arith.constant 2 : i32
    %eq3A = arith.constant 0 : i32
    %eq3A_18 = arith.cmpi eq, %jit3A_17, %eq3A : i32
    %jit3A_19 = arith.constant 1 : i32
    %select_n3A_20 = arith.select %eq3A_18, %jit3A_19, %jit3A_17 : i32
    %rem3A_21 = arith.remsi %add3A, %select_n3A_20 : i32
    %ne3A_22 = arith.constant 0 : i32
    %ne3A_23 = arith.cmpi ne, %rem3A_21, %ne3A_22 : i32
    %lt3A = arith.constant 0 : i32
    %lt3A_24 = arith.cmpi slt, %rem3A_21, %lt3A : i32
    %lt3A_25 = arith.constant 0 : i32
    %lt3A_26 = arith.cmpi slt, %select_n3A_20, %lt3A_25 : i32
    %ne3A_27 = arith.xori %lt3A_24, %lt3A_26 : i1
    %and3A_28 = arith.andi %ne3A_27, %ne3A_23 : i1
    %add3A_29 = arith.addi %rem3A_21, %select_n3A_20 : i32
    %select_n3A_30 = arith.select %and3A_28, %add3A_29, %rem3A_21 : i32
    %mul3A_31 = arith.constant 1024 : i32
    %mul3A_32 = arith.muli %select_n3A_30, %mul3A_31 : i32
    "tpu.region"() ({
      %run_scoped3A = tpu.sem_alloc : memref<!tpu.dma_semaphore, #tpu.memory_space<semaphore_mem>>
      tpu.enqueue_dma source(%arg2 : memref<257x16xf32, #tpu.memory_space<hbm>>) target(%arg4 : memref<257x16xf32, #tpu.memory_space<vmem>>) target_semaphore(%run_scoped3A : memref<!tpu.dma_semaphore, #tpu.memory_space<semaphore_mem>>)
      tpu.wait_dma2 semaphore(%run_scoped3A : memref<!tpu.dma_semaphore, #tpu.memory_space<semaphore_mem>>) src(%arg2 : memref<257x16xf32, #tpu.memory_space<hbm>>) dst(%arg4 : memref<257x16xf32, #tpu.memory_space<vmem>>)
      tpu.yield
    }) : () -> ()
    %broadcast_in_dim3A = arith.constant 0 : i32
    %broadcast_in_dim3A_33 = vector.broadcast %broadcast_in_dim3A : i32 to vector<16xi32>
    %iota3A = tpu.iota {dimensions = array<i32: 0>} : vector<16xi32>
    %add3A_34 = vector.broadcast %select_n3A : i32 to vector<16xi32>
    %add3A_35 = arith.addi %broadcast_in_dim3A_33, %add3A_34 : vector<16xi32>
    %gather3A = tpu.vector_load_idx %arg4[%broadcast_in_dim3A_33, %add3A_35] : memref<257x16xf32, #tpu.memory_space<vmem>>[vector<16xi32>, vector<16xi32>], vector<16xf32>,
    %add3A_36 = arith.constant 256 : i32
    %add3A_37 = vector.broadcast %add3A_36 : i32 to vector<16xi32>
    %add3A_38 = arith.addi %broadcast_in_dim3A_33, %add3A_37 : vector<16xi32>
    %gather3A_39 = tpu.vector_load_idx %arg4[%add3A_38, %add3A_35] : memref<257x16xf32, #tpu.memory_space<vmem>>[vector<16xi32>, vector<16xi32>], vector<16xf32>,
    %scan3A = arith.constant 0 : i32
    %scan3A_40 = arith.constant 120 : i32
    %scan3A_41 = arith.addi %scan3A, %scan3A_40 : i32
    %scan3A_42 = arith.constant 8 : i32
    scf.for %scan3A_317 = %scan3A to %scan3A_41 step %scan3A_42  : i32 {
      %mul3A_318 = arith.constant 16 : i32
      %mul3A_319 = arith.muli %scan3A_317, %mul3A_318 : i32
      %swap3A_320 = arith.constant 7 : i32
      %swap3A_321 = arith.index_cast %swap3A_320 : i32 to index
      %swap3A_322 = arith.index_cast %mul3A_319 : i32 to index
      %swap3A_323 = tpu.vector_load %arg5[%swap3A_321, %swap3A_322] {strides = array<i32>} : memref<8x4224xf32, #tpu.memory_space<vmem>>, vector<16xf32>,
      tpu.vector_store %arg5[%swap3A_321, %swap3A_322], %gather3A {strides = array<i32>} : memref<8x4224xf32, #tpu.memory_space<vmem>>, vector<16xf32>,
      %scan3A_324 = arith.constant 1 : i32
      %scan3A_325 = arith.addi %scan3A_317, %scan3A_324 : i32
      %mul3A_326 = arith.constant 16 : i32
      %mul3A_327 = arith.muli %scan3A_325, %mul3A_326 : i32
      %swap3A_328 = arith.constant 7 : i32
      %swap3A_329 = arith.index_cast %swap3A_328 : i32 to index
      %swap3A_330 = arith.index_cast %mul3A_327 : i32 to index
      %swap3A_331 = tpu.vector_load %arg5[%swap3A_329, %swap3A_330] {strides = array<i32>} : memref<8x4224xf32, #tpu.memory_space<vmem>>, vector<16xf32>,
      tpu.vector_store %arg5[%swap3A_329, %swap3A_330], %gather3A {strides = array<i32>} : memref<8x4224xf32, #tpu.memory_space<vmem>>, vector<16xf32>,
      %scan3A_332 = arith.constant 2 : i32
      %scan3A_333 = arith.addi %scan3A_317, %scan3A_332 : i32
      %mul3A_334 = arith.constant 16 : i32
      %mul3A_335 = arith.muli %scan3A_333, %mul3A_334 : i32
      %swap3A_336 = arith.constant 7 : i32
      %swap3A_337 = arith.index_cast %swap3A_336 : i32 to index
      %swap3A_338 = arith.index_cast %mul3A_335 : i32 to index
      %swap3A_339 = tpu.vector_load %arg5[%swap3A_337, %swap3A_338] {strides = array<i32>} : memref<8x4224xf32, #tpu.memory_space<vmem>>, vector<16xf32>,
      tpu.vector_store %arg5[%swap3A_337, %swap3A_338], %gather3A {strides = array<i32>} : memref<8x4224xf32, #tpu.memory_space<vmem>>, vector<16xf32>,
      %scan3A_340 = arith.constant 3 : i32
      %scan3A_341 = arith.addi %scan3A_317, %scan3A_340 : i32
      %mul3A_342 = arith.constant 16 : i32
      %mul3A_343 = arith.muli %scan3A_341, %mul3A_342 : i32
      %swap3A_344 = arith.constant 7 : i32
      %swap3A_345 = arith.index_cast %swap3A_344 : i32 to index
      %swap3A_346 = arith.index_cast %mul3A_343 : i32 to index
      %swap3A_347 = tpu.vector_load %arg5[%swap3A_345, %swap3A_346] {strides = array<i32>} : memref<8x4224xf32, #tpu.memory_space<vmem>>, vector<16xf32>,
      tpu.vector_store %arg5[%swap3A_345, %swap3A_346], %gather3A {strides = array<i32>} : memref<8x4224xf32, #tpu.memory_space<vmem>>, vector<16xf32>,
      %scan3A_348 = arith.constant 4 : i32
      %scan3A_349 = arith.addi %scan3A_317, %scan3A_348 : i32
      %mul3A_350 = arith.constant 16 : i32
      %mul3A_351 = arith.muli %scan3A_349, %mul3A_350 : i32
      %swap3A_352 = arith.constant 7 : i32
      %swap3A_353 = arith.index_cast %swap3A_352 : i32 to index
      %swap3A_354 = arith.index_cast %mul3A_351 : i32 to index
      %swap3A_355 = tpu.vector_load %arg5[%swap3A_353, %swap3A_354] {strides = array<i32>} : memref<8x4224xf32, #tpu.memory_space<vmem>>, vector<16xf32>,
      tpu.vector_store %arg5[%swap3A_353, %swap3A_354], %gather3A {strides = array<i32>} : memref<8x4224xf32, #tpu.memory_space<vmem>>, vector<16xf32>,
      %scan3A_356 = arith.constant 5 : i32
      %scan3A_357 = arith.addi %scan3A_317, %scan3A_356 : i32
      %mul3A_358 = arith.constant 16 : i32
      %mul3A_359 = arith.muli %scan3A_357, %mul3A_358 : i32
      %swap3A_360 = arith.constant 7 : i32
      %swap3A_361 = arith.index_cast %swap3A_360 : i32 to index
      %swap3A_362 = arith.index_cast %mul3A_359 : i32 to index
      %swap3A_363 = tpu.vector_load %arg5[%swap3A_361, %swap3A_362] {strides = array<i32>} : memref<8x4224xf32, #tpu.memory_space<vmem>>, vector<16xf32>,
      tpu.vector_store %arg5[%swap3A_361, %swap3A_362], %gather3A {strides = array<i32>} : memref<8x4224xf32, #tpu.memory_space<vmem>>, vector<16xf32>,
      %scan3A_364 = arith.constant 6 : i32
      %scan3A_365 = arith.addi %scan3A_317, %scan3A_364 : i32
      %mul3A_366 = arith.constant 16 : i32
      %mul3A_367 = arith.muli %scan3A_365, %mul3A_366 : i32
      %swap3A_368 = arith.constant 7 : i32
      %swap3A_369 = arith.index_cast %swap3A_368 : i32 to index
      %swap3A_370 = arith.index_cast %mul3A_367 : i32 to index
      %swap3A_371 = tpu.vector_load %arg5[%swap3A_369, %swap3A_370] {strides = array<i32>} : memref<8x4224xf32, #tpu.memory_space<vmem>>, vector<16xf32>,
      tpu.vector_store %arg5[%swap3A_369, %swap3A_370], %gather3A {strides = array<i32>} : memref<8x4224xf32, #tpu.memory_space<vmem>>, vector<16xf32>,
      %scan3A_372 = arith.constant 7 : i32
      %scan3A_373 = arith.addi %scan3A_317, %scan3A_372 : i32
      %mul3A_374 = arith.constant 16 : i32
      %mul3A_375 = arith.muli %scan3A_373, %mul3A_374 : i32
      %swap3A_376 = arith.constant 7 : i32
      %swap3A_377 = arith.index_cast %swap3A_376 : i32 to index
      %swap3A_378 = arith.index_cast %mul3A_375 : i32 to index
      %swap3A_379 = tpu.vector_load %arg5[%swap3A_377, %swap3A_378] {strides = array<i32>} : memref<8x4224xf32, #tpu.memory_space<vmem>>, vector<16xf32>,
      tpu.vector_store %arg5[%swap3A_377, %swap3A_378], %gather3A {strides = array<i32>} : memref<8x4224xf32, #tpu.memory_space<vmem>>, vector<16xf32>,
    }
    %scan3A_43 = arith.constant 120 : i32
    %add3A_44 = arith.constant 1 : i32
    %add3A_45 = vector.broadcast %add3A_44 : i32 to vector<16xi32>
    %add3A_46 = arith.addi %iota3A, %add3A_45 : vector<16xi32>
    %gather3A_47 = tpu.vector_load_idx %arg4[%add3A_46, %add3A_35] : memref<257x16xf32, #tpu.memory_space<vmem>>[vector<16xi32>, vector<16xi32>], vector<16xf32>,
    %swap3A = arith.constant 7 : i32
    %swap3A_48 = arith.index_cast %swap3A : i32 to index
    %swap3A_49 = arith.constant 1920 : index
    %swap3A_50 = tpu.vector_load %arg5[%swap3A_48, %swap3A_49] {strides = array<i32>} : memref<8x4224xf32, #tpu.memory_space<vmem>>, vector<16xf32>,
    tpu.vector_store %arg5[%swap3A_48, %swap3A_49], %gather3A_47 {strides = array<i32>} : memref<8x4224xf32, #tpu.memory_space<vmem>>, vector<16xf32>,
    %add3A_51 = arith.constant 17 : i32
    %add3A_52 = vector.broadcast %add3A_51 : i32 to vector<16xi32>
    %add3A_53 = arith.addi %iota3A, %add3A_52 : vector<16xi32>
    %gather3A_54 = tpu.vector_load_idx %arg4[%add3A_53, %add3A_35] : memref<257x16xf32, #tpu.memory_space<vmem>>[vector<16xi32>, vector<16xi32>], vector<16xf32>,
    %swap3A_55 = arith.constant 7 : i32
    %swap3A_56 = arith.index_cast %swap3A_55 : i32 to index
    %swap3A_57 = arith.constant 1936 : index
    %swap3A_58 = tpu.vector_load %arg5[%swap3A_56, %swap3A_57] {strides = array<i32>} : memref<8x4224xf32, #tpu.memory_space<vmem>>, vector<16xf32>,
    tpu.vector_store %arg5[%swap3A_56, %swap3A_57], %gather3A_54 {strides = array<i32>} : memref<8x4224xf32, #tpu.memory_space<vmem>>, vector<16xf32>,
    %add3A_59 = arith.constant 33 : i32
    %add3A_60 = vector.broadcast %add3A_59 : i32 to vector<16xi32>
    %add3A_61 = arith.addi %iota3A, %add3A_60 : vector<16xi32>
    %gather3A_62 = tpu.vector_load_idx %arg4[%add3A_61, %add3A_35] : memref<257x16xf32, #tpu.memory_space<vmem>>[vector<16xi32>, vector<16xi32>], vector<16xf32>,
    %swap3A_63 = arith.constant 7 : i32
    %swap3A_64 = arith.index_cast %swap3A_63 : i32 to index
    %swap3A_65 = arith.constant 1952 : index
    %swap3A_66 = tpu.vector_load %arg5[%swap3A_64, %swap3A_65] {strides = array<i32>} : memref<8x4224xf32, #tpu.memory_space<vmem>>, vector<16xf32>,
    tpu.vector_store %arg5[%swap3A_64, %swap3A_65], %gather3A_62 {strides = array<i32>} : memref<8x4224xf32, #tpu.memory_space<vmem>>, vector<16xf32>,
    %add3A_67 = arith.constant 49 : i32
    %add3A_68 = vector.broadcast %add3A_67 : i32 to vector<16xi32>
    %add3A_69 = arith.addi %iota3A, %add3A_68 : vector<16xi32>
    %gather3A_70 = tpu.vector_load_idx %arg4[%add3A_69, %add3A_35] : memref<257x16xf32, #tpu.memory_space<vmem>>[vector<16xi32>, vector<16xi32>], vector<16xf32>,
    %swap3A_71 = arith.constant 7 : i32
    %swap3A_72 = arith.index_cast %swap3A_71 : i32 to index
    %swap3A_73 = arith.constant 1968 : index
    %swap3A_74 = tpu.vector_load %arg5[%swap3A_72, %swap3A_73] {strides = array<i32>} : memref<8x4224xf32, #tpu.memory_space<vmem>>, vector<16xf32>,
    tpu.vector_store %arg5[%swap3A_72, %swap3A_73], %gather3A_70 {strides = array<i32>} : memref<8x4224xf32, #tpu.memory_space<vmem>>, vector<16xf32>,
    %add3A_75 = arith.constant 65 : i32
    %add3A_76 = vector.broadcast %add3A_75 : i32 to vector<16xi32>
    %add3A_77 = arith.addi %iota3A, %add3A_76 : vector<16xi32>
    %gather3A_78 = tpu.vector_load_idx %arg4[%add3A_77, %add3A_35] : memref<257x16xf32, #tpu.memory_space<vmem>>[vector<16xi32>, vector<16xi32>], vector<16xf32>,
    %swap3A_79 = arith.constant 7 : i32
    %swap3A_80 = arith.index_cast %swap3A_79 : i32 to index
    %swap3A_81 = arith.constant 1984 : index
    %swap3A_82 = tpu.vector_load %arg5[%swap3A_80, %swap3A_81] {strides = array<i32>} : memref<8x4224xf32, #tpu.memory_space<vmem>>, vector<16xf32>,
    tpu.vector_store %arg5[%swap3A_80, %swap3A_81], %gather3A_78 {strides = array<i32>} : memref<8x4224xf32, #tpu.memory_space<vmem>>, vector<16xf32>,
    %add3A_83 = arith.constant 81 : i32
    %add3A_84 = vector.broadcast %add3A_83 : i32 to vector<16xi32>
    %add3A_85 = arith.addi %iota3A, %add3A_84 : vector<16xi32>
    %gather3A_86 = tpu.vector_load_idx %arg4[%add3A_85, %add3A_35] : memref<257x16xf32, #tpu.memory_space<vmem>>[vector<16xi32>, vector<16xi32>], vector<16xf32>,
    %swap3A_87 = arith.constant 7 : i32
    %swap3A_88 = arith.index_cast %swap3A_87 : i32 to index
    %swap3A_89 = arith.constant 2000 : index
    %swap3A_90 = tpu.vector_load %arg5[%swap3A_88, %swap3A_89] {strides = array<i32>} : memref<8x4224xf32, #tpu.memory_space<vmem>>, vector<16xf32>,
    tpu.vector_store %arg5[%swap3A_88, %swap3A_89], %gather3A_86 {strides = array<i32>} : memref<8x4224xf32, #tpu.memory_space<vmem>>, vector<16xf32>,
    %add3A_91 = arith.constant 97 : i32
    %add3A_92 = vector.broadcast %add3A_91 : i32 to vector<16xi32>
    %add3A_93 = arith.addi %iota3A, %add3A_92 : vector<16xi32>
    %gather3A_94 = tpu.vector_load_idx %arg4[%add3A_93, %add3A_35] : memref<257x16xf32, #tpu.memory_space<vmem>>[vector<16xi32>, vector<16xi32>], vector<16xf32>,
    %swap3A_95 = arith.constant 7 : i32
    %swap3A_96 = arith.index_cast %swap3A_95 : i32 to index
    %swap3A_97 = arith.constant 2016 : index
    %swap3A_98 = tpu.vector_load %arg5[%swap3A_96, %swap3A_97] {strides = array<i32>} : memref<8x4224xf32, #tpu.memory_space<vmem>>, vector<16xf32>,
    tpu.vector_store %arg5[%swap3A_96, %swap3A_97], %gather3A_94 {strides = array<i32>} : memref<8x4224xf32, #tpu.memory_space<vmem>>, vector<16xf32>,
    %add3A_99 = arith.constant 113 : i32
    %add3A_100 = vector.broadcast %add3A_99 : i32 to vector<16xi32>
    %add3A_101 = arith.addi %iota3A, %add3A_100 : vector<16xi32>
    %gather3A_102 = tpu.vector_load_idx %arg4[%add3A_101, %add3A_35] : memref<257x16xf32, #tpu.memory_space<vmem>>[vector<16xi32>, vector<16xi32>], vector<16xf32>,
    %swap3A_103 = arith.constant 7 : i32
    %swap3A_104 = arith.index_cast %swap3A_103 : i32 to index
    %swap3A_105 = arith.constant 2032 : index
    %swap3A_106 = tpu.vector_load %arg5[%swap3A_104, %swap3A_105] {strides = array<i32>} : memref<8x4224xf32, #tpu.memory_space<vmem>>, vector<16xf32>,
    tpu.vector_store %arg5[%swap3A_104, %swap3A_105], %gather3A_102 {strides = array<i32>} : memref<8x4224xf32, #tpu.memory_space<vmem>>, vector<16xf32>,
    %add3A_107 = arith.constant 129 : i32
    %add3A_108 = vector.broadcast %add3A_107 : i32 to vector<16xi32>
    %add3A_109 = arith.addi %iota3A, %add3A_108 : vector<16xi32>
    %gather3A_110 = tpu.vector_load_idx %arg4[%add3A_109, %add3A_35] : memref<257x16xf32, #tpu.memory_space<vmem>>[vector<16xi32>, vector<16xi32>], vector<16xf32>,
    %swap3A_111 = arith.constant 7 : i32
    %swap3A_112 = arith.index_cast %swap3A_111 : i32 to index
    %swap3A_113 = arith.constant 2048 : index
    %swap3A_114 = tpu.vector_load %arg5[%swap3A_112, %swap3A_113] {strides = array<i32>} : memref<8x4224xf32, #tpu.memory_space<vmem>>, vector<16xf32>,
    tpu.vector_store %arg5[%swap3A_112, %swap3A_113], %gather3A_110 {strides = array<i32>} : memref<8x4224xf32, #tpu.memory_space<vmem>>, vector<16xf32>,
    %add3A_115 = arith.constant 145 : i32
    %add3A_116 = vector.broadcast %add3A_115 : i32 to vector<16xi32>
    %add3A_117 = arith.addi %iota3A, %add3A_116 : vector<16xi32>
    %gather3A_118 = tpu.vector_load_idx %arg4[%add3A_117, %add3A_35] : memref<257x16xf32, #tpu.memory_space<vmem>>[vector<16xi32>, vector<16xi32>], vector<16xf32>,
    %swap3A_119 = arith.constant 7 : i32
    %swap3A_120 = arith.index_cast %swap3A_119 : i32 to index
    %swap3A_121 = arith.constant 2064 : index
    %swap3A_122 = tpu.vector_load %arg5[%swap3A_120, %swap3A_121] {strides = array<i32>} : memref<8x4224xf32, #tpu.memory_space<vmem>>, vector<16xf32>,
    tpu.vector_store %arg5[%swap3A_120, %swap3A_121], %gather3A_118 {strides = array<i32>} : memref<8x4224xf32, #tpu.memory_space<vmem>>, vector<16xf32>,
    %add3A_123 = arith.constant 161 : i32
    %add3A_124 = vector.broadcast %add3A_123 : i32 to vector<16xi32>
    %add3A_125 = arith.addi %iota3A, %add3A_124 : vector<16xi32>
    %gather3A_126 = tpu.vector_load_idx %arg4[%add3A_125, %add3A_35] : memref<257x16xf32, #tpu.memory_space<vmem>>[vector<16xi32>, vector<16xi32>], vector<16xf32>,
    %swap3A_127 = arith.constant 7 : i32
    %swap3A_128 = arith.index_cast %swap3A_127 : i32 to index
    %swap3A_129 = arith.constant 2080 : index
    %swap3A_130 = tpu.vector_load %arg5[%swap3A_128, %swap3A_129] {strides = array<i32>} : memref<8x4224xf32, #tpu.memory_space<vmem>>, vector<16xf32>,
    tpu.vector_store %arg5[%swap3A_128, %swap3A_129], %gather3A_126 {strides = array<i32>} : memref<8x4224xf32, #tpu.memory_space<vmem>>, vector<16xf32>,
    %add3A_131 = arith.constant 177 : i32
    %add3A_132 = vector.broadcast %add3A_131 : i32 to vector<16xi32>
    %add3A_133 = arith.addi %iota3A, %add3A_132 : vector<16xi32>
    %gather3A_134 = tpu.vector_load_idx %arg4[%add3A_133, %add3A_35] : memref<257x16xf32, #tpu.memory_space<vmem>>[vector<16xi32>, vector<16xi32>], vector<16xf32>,
    %swap3A_135 = arith.constant 7 : i32
    %swap3A_136 = arith.index_cast %swap3A_135 : i32 to index
    %swap3A_137 = arith.constant 2096 : index
    %swap3A_138 = tpu.vector_load %arg5[%swap3A_136, %swap3A_137] {strides = array<i32>} : memref<8x4224xf32, #tpu.memory_space<vmem>>, vector<16xf32>,
    tpu.vector_store %arg5[%swap3A_136, %swap3A_137], %gather3A_134 {strides = array<i32>} : memref<8x4224xf32, #tpu.memory_space<vmem>>, vector<16xf32>,
    %add3A_139 = arith.constant 193 : i32
    %add3A_140 = vector.broadcast %add3A_139 : i32 to vector<16xi32>
    %add3A_141 = arith.addi %iota3A, %add3A_140 : vector<16xi32>
    %gather3A_142 = tpu.vector_load_idx %arg4[%add3A_141, %add3A_35] : memref<257x16xf32, #tpu.memory_space<vmem>>[vector<16xi32>, vector<16xi32>], vector<16xf32>,
    %swap3A_143 = arith.constant 7 : i32
    %swap3A_144 = arith.index_cast %swap3A_143 : i32 to index
    %swap3A_145 = arith.constant 2112 : index
    %swap3A_146 = tpu.vector_load %arg5[%swap3A_144, %swap3A_145] {strides = array<i32>} : memref<8x4224xf32, #tpu.memory_space<vmem>>, vector<16xf32>,
    tpu.vector_store %arg5[%swap3A_144, %swap3A_145], %gather3A_142 {strides = array<i32>} : memref<8x4224xf32, #tpu.memory_space<vmem>>, vector<16xf32>,
    %add3A_147 = arith.constant 209 : i32
    %add3A_148 = vector.broadcast %add3A_147 : i32 to vector<16xi32>
    %add3A_149 = arith.addi %iota3A, %add3A_148 : vector<16xi32>
    %gather3A_150 = tpu.vector_load_idx %arg4[%add3A_149, %add3A_35] : memref<257x16xf32, #tpu.memory_space<vmem>>[vector<16xi32>, vector<16xi32>], vector<16xf32>,
    %swap3A_151 = arith.constant 7 : i32
    %swap3A_152 = arith.index_cast %swap3A_151 : i32 to index
    %swap3A_153 = arith.constant 2128 : index
    %swap3A_154 = tpu.vector_load %arg5[%swap3A_152, %swap3A_153] {strides = array<i32>} : memref<8x4224xf32, #tpu.memory_space<vmem>>, vector<16xf32>,
    tpu.vector_store %arg5[%swap3A_152, %swap3A_153], %gather3A_150 {strides = array<i32>} : memref<8x4224xf32, #tpu.memory_space<vmem>>, vector<16xf32>,
    %add3A_155 = arith.constant 225 : i32
    %add3A_156 = vector.broadcast %add3A_155 : i32 to vector<16xi32>
    %add3A_157 = arith.addi %iota3A, %add3A_156 : vector<16xi32>
    %gather3A_158 = tpu.vector_load_idx %arg4[%add3A_157, %add3A_35] : memref<257x16xf32, #tpu.memory_space<vmem>>[vector<16xi32>, vector<16xi32>], vector<16xf32>,
    %swap3A_159 = arith.constant 7 : i32
    %swap3A_160 = arith.index_cast %swap3A_159 : i32 to index
    %swap3A_161 = arith.constant 2144 : index
    %swap3A_162 = tpu.vector_load %arg5[%swap3A_160, %swap3A_161] {strides = array<i32>} : memref<8x4224xf32, #tpu.memory_space<vmem>>, vector<16xf32>,
    tpu.vector_store %arg5[%swap3A_160, %swap3A_161], %gather3A_158 {strides = array<i32>} : memref<8x4224xf32, #tpu.memory_space<vmem>>, vector<16xf32>,
    %add3A_163 = arith.constant 241 : i32
    %add3A_164 = vector.broadcast %add3A_163 : i32 to vector<16xi32>
    %add3A_165 = arith.addi %iota3A, %add3A_164 : vector<16xi32>
    %gather3A_166 = tpu.vector_load_idx %arg4[%add3A_165, %add3A_35] : memref<257x16xf32, #tpu.memory_space<vmem>>[vector<16xi32>, vector<16xi32>], vector<16xf32>,
    %swap3A_167 = arith.constant 7 : i32
    %swap3A_168 = arith.index_cast %swap3A_167 : i32 to index
    %swap3A_169 = arith.constant 2160 : index
    %swap3A_170 = tpu.vector_load %arg5[%swap3A_168, %swap3A_169] {strides = array<i32>} : memref<8x4224xf32, #tpu.memory_space<vmem>>, vector<16xf32>,
    tpu.vector_store %arg5[%swap3A_168, %swap3A_169], %gather3A_166 {strides = array<i32>} : memref<8x4224xf32, #tpu.memory_space<vmem>>, vector<16xf32>,
    %scan3A_171 = arith.constant 0 : i32
    %scan3A_172 = arith.constant 128 : i32
    %scan3A_173 = arith.addi %scan3A_171, %scan3A_172 : i32
    %scan3A_174 = arith.constant 8 : i32
    scf.for %scan3A_317 = %scan3A_171 to %scan3A_173 step %scan3A_174  : i32 {
      %mul3A_318 = arith.constant 16 : i32
      %mul3A_319 = arith.muli %scan3A_317, %mul3A_318 : i32
      %add3A_320 = arith.constant 2176 : i32
      %add3A_321 = arith.addi %add3A_320, %mul3A_319 : i32
      %swap3A_322 = arith.constant 7 : i32
      %swap3A_323 = arith.index_cast %swap3A_322 : i32 to index
      %swap3A_324 = arith.index_cast %add3A_321 : i32 to index
      %swap3A_325 = tpu.vector_load %arg5[%swap3A_323, %swap3A_324] {strides = array<i32>} : memref<8x4224xf32, #tpu.memory_space<vmem>>, vector<16xf32>,
      tpu.vector_store %arg5[%swap3A_323, %swap3A_324], %gather3A_39 {strides = array<i32>} : memref<8x4224xf32, #tpu.memory_space<vmem>>, vector<16xf32>,
      %scan3A_326 = arith.constant 1 : i32
      %scan3A_327 = arith.addi %scan3A_317, %scan3A_326 : i32
      %mul3A_328 = arith.constant 16 : i32
      %mul3A_329 = arith.muli %scan3A_327, %mul3A_328 : i32
      %add3A_330 = arith.constant 2176 : i32
      %add3A_331 = arith.addi %add3A_330, %mul3A_329 : i32
      %swap3A_332 = arith.constant 7 : i32
      %swap3A_333 = arith.index_cast %swap3A_332 : i32 to index
      %swap3A_334 = arith.index_cast %add3A_331 : i32 to index
      %swap3A_335 = tpu.vector_load %arg5[%swap3A_333, %swap3A_334] {strides = array<i32>} : memref<8x4224xf32, #tpu.memory_space<vmem>>, vector<16xf32>,
      tpu.vector_store %arg5[%swap3A_333, %swap3A_334], %gather3A_39 {strides = array<i32>} : memref<8x4224xf32, #tpu.memory_space<vmem>>, vector<16xf32>,
      %scan3A_336 = arith.constant 2 : i32
      %scan3A_337 = arith.addi %scan3A_317, %scan3A_336 : i32
      %mul3A_338 = arith.constant 16 : i32
      %mul3A_339 = arith.muli %scan3A_337, %mul3A_338 : i32
      %add3A_340 = arith.constant 2176 : i32
      %add3A_341 = arith.addi %add3A_340, %mul3A_339 : i32
      %swap3A_342 = arith.constant 7 : i32
      %swap3A_343 = arith.index_cast %swap3A_342 : i32 to index
      %swap3A_344 = arith.index_cast %add3A_341 : i32 to index
      %swap3A_345 = tpu.vector_load %arg5[%swap3A_343, %swap3A_344] {strides = array<i32>} : memref<8x4224xf32, #tpu.memory_space<vmem>>, vector<16xf32>,
      tpu.vector_store %arg5[%swap3A_343, %swap3A_344], %gather3A_39 {strides = array<i32>} : memref<8x4224xf32, #tpu.memory_space<vmem>>, vector<16xf32>,
      %scan3A_346 = arith.constant 3 : i32
      %scan3A_347 = arith.addi %scan3A_317, %scan3A_346 : i32
      %mul3A_348 = arith.constant 16 : i32
      %mul3A_349 = arith.muli %scan3A_347, %mul3A_348 : i32
      %add3A_350 = arith.constant 2176 : i32
      %add3A_351 = arith.addi %add3A_350, %mul3A_349 : i32
      %swap3A_352 = arith.constant 7 : i32
      %swap3A_353 = arith.index_cast %swap3A_352 : i32 to index
      %swap3A_354 = arith.index_cast %add3A_351 : i32 to index
      %swap3A_355 = tpu.vector_load %arg5[%swap3A_353, %swap3A_354] {strides = array<i32>} : memref<8x4224xf32, #tpu.memory_space<vmem>>, vector<16xf32>,
      tpu.vector_store %arg5[%swap3A_353, %swap3A_354], %gather3A_39 {strides = array<i32>} : memref<8x4224xf32, #tpu.memory_space<vmem>>, vector<16xf32>,
      %scan3A_356 = arith.constant 4 : i32
      %scan3A_357 = arith.addi %scan3A_317, %scan3A_356 : i32
      %mul3A_358 = arith.constant 16 : i32
      %mul3A_359 = arith.muli %scan3A_357, %mul3A_358 : i32
      %add3A_360 = arith.constant 2176 : i32
      %add3A_361 = arith.addi %add3A_360, %mul3A_359 : i32
      %swap3A_362 = arith.constant 7 : i32
      %swap3A_363 = arith.index_cast %swap3A_362 : i32 to index
      %swap3A_364 = arith.index_cast %add3A_361 : i32 to index
      %swap3A_365 = tpu.vector_load %arg5[%swap3A_363, %swap3A_364] {strides = array<i32>} : memref<8x4224xf32, #tpu.memory_space<vmem>>, vector<16xf32>,
      tpu.vector_store %arg5[%swap3A_363, %swap3A_364], %gather3A_39 {strides = array<i32>} : memref<8x4224xf32, #tpu.memory_space<vmem>>, vector<16xf32>,
      %scan3A_366 = arith.constant 5 : i32
      %scan3A_367 = arith.addi %scan3A_317, %scan3A_366 : i32
      %mul3A_368 = arith.constant 16 : i32
      %mul3A_369 = arith.muli %scan3A_367, %mul3A_368 : i32
      %add3A_370 = arith.constant 2176 : i32
      %add3A_371 = arith.addi %add3A_370, %mul3A_369 : i32
      %swap3A_372 = arith.constant 7 : i32
      %swap3A_373 = arith.index_cast %swap3A_372 : i32 to index
      %swap3A_374 = arith.index_cast %add3A_371 : i32 to index
      %swap3A_375 = tpu.vector_load %arg5[%swap3A_373, %swap3A_374] {strides = array<i32>} : memref<8x4224xf32, #tpu.memory_space<vmem>>, vector<16xf32>,
      tpu.vector_store %arg5[%swap3A_373, %swap3A_374], %gather3A_39 {strides = array<i32>} : memref<8x4224xf32, #tpu.memory_space<vmem>>, vector<16xf32>,
      %scan3A_376 = arith.constant 6 : i32
      %scan3A_377 = arith.addi %scan3A_317, %scan3A_376 : i32
      %mul3A_378 = arith.constant 16 : i32
      %mul3A_379 = arith.muli %scan3A_377, %mul3A_378 : i32
      %add3A_380 = arith.constant 2176 : i32
      %add3A_381 = arith.addi %add3A_380, %mul3A_379 : i32
      %swap3A_382 = arith.constant 7 : i32
      %swap3A_383 = arith.index_cast %swap3A_382 : i32 to index
      %swap3A_384 = arith.index_cast %add3A_381 : i32 to index
      %swap3A_385 = tpu.vector_load %arg5[%swap3A_383, %swap3A_384] {strides = array<i32>} : memref<8x4224xf32, #tpu.memory_space<vmem>>, vector<16xf32>,
      tpu.vector_store %arg5[%swap3A_383, %swap3A_384], %gather3A_39 {strides = array<i32>} : memref<8x4224xf32, #tpu.memory_space<vmem>>, vector<16xf32>,
      %scan3A_386 = arith.constant 7 : i32
      %scan3A_387 = arith.addi %scan3A_317, %scan3A_386 : i32
      %mul3A_388 = arith.constant 16 : i32
      %mul3A_389 = arith.muli %scan3A_387, %mul3A_388 : i32
      %add3A_390 = arith.constant 2176 : i32
      %add3A_391 = arith.addi %add3A_390, %mul3A_389 : i32
      %swap3A_392 = arith.constant 7 : i32
      %swap3A_393 = arith.index_cast %swap3A_392 : i32 to index
      %swap3A_394 = arith.index_cast %add3A_391 : i32 to index
      %swap3A_395 = tpu.vector_load %arg5[%swap3A_393, %swap3A_394] {strides = array<i32>} : memref<8x4224xf32, #tpu.memory_space<vmem>>, vector<16xf32>,
      tpu.vector_store %arg5[%swap3A_393, %swap3A_394], %gather3A_39 {strides = array<i32>} : memref<8x4224xf32, #tpu.memory_space<vmem>>, vector<16xf32>,
    }
    %scan3A_175 = arith.constant 128 : i32
    %sub3A_176 = arith.constant 1 : i32
    %sub3A_177 = arith.subi %sub3A_176, %select_n3A_30 : i32
    %mul3A_178 = arith.constant 1024 : i32
    %mul3A_179 = arith.muli %sub3A_177, %mul3A_178 : i32
    %scan3A_180 = arith.constant 0 : i32
    %scan3A_181 = arith.constant 192 : i32
    %scan3A_182 = arith.addi %scan3A_180, %scan3A_181 : i32
    %scan3A_183 = arith.constant 8 : i32
    scf.for %scan3A_317 = %scan3A_180 to %scan3A_182 step %scan3A_183  : i32 {
      %mul3A_318 = arith.constant 16 : i32
      %mul3A_319 = arith.muli %scan3A_317, %mul3A_318 : i32
      %add3A_320 = arith.addi %mul3A_179, %mul3A_319 : i32
      %add3A_321 = arith.constant 7 : i32
      %add3A_322 = arith.addi %add3A_320, %add3A_321 : i32
      %get3A = arith.constant 7 : i32
      %get3A_323 = arith.index_cast %get3A : i32 to index
      %get3A_324 = arith.index_cast %add3A_322 : i32 to index
      %get3A_325 = tpu.vector_load %arg5[%get3A_323, %get3A_324] {strides = array<i32>} : memref<8x4224xf32, #tpu.memory_space<vmem>>, vector<16xf32>,
      %swap3A_326 = arith.constant 0 : i32
      %swap3A_327 = arith.index_cast %swap3A_326 : i32 to index
      %swap3A_328 = arith.index_cast %add3A_320 : i32 to index
      %swap3A_329 = tpu.vector_load %arg5[%swap3A_327, %swap3A_328] {strides = array<i32>} : memref<8x4224xf32, #tpu.memory_space<vmem>>, vector<16xf32>,
      tpu.vector_store %arg5[%swap3A_327, %swap3A_328], %get3A_325 {strides = array<i32>} : memref<8x4224xf32, #tpu.memory_space<vmem>>, vector<16xf32>,
      %scan3A_330 = arith.constant 1 : i32
      %scan3A_331 = arith.addi %scan3A_317, %scan3A_330 : i32
      %mul3A_332 = arith.constant 16 : i32
      %mul3A_333 = arith.muli %scan3A_331, %mul3A_332 : i32
      %add3A_334 = arith.addi %mul3A_179, %mul3A_333 : i32
      %add3A_335 = arith.constant 7 : i32
      %add3A_336 = arith.addi %add3A_334, %add3A_335 : i32
      %get3A_337 = arith.constant 7 : i32
      %get3A_338 = arith.index_cast %get3A_337 : i32 to index
      %get3A_339 = arith.index_cast %add3A_336 : i32 to index
      %get3A_340 = tpu.vector_load %arg5[%get3A_338, %get3A_339] {strides = array<i32>} : memref<8x4224xf32, #tpu.memory_space<vmem>>, vector<16xf32>,
      %swap3A_341 = arith.constant 0 : i32
      %swap3A_342 = arith.index_cast %swap3A_341 : i32 to index
      %swap3A_343 = arith.index_cast %add3A_334 : i32 to index
      %swap3A_344 = tpu.vector_load %arg5[%swap3A_342, %swap3A_343] {strides = array<i32>} : memref<8x4224xf32, #tpu.memory_space<vmem>>, vector<16xf32>,
      tpu.vector_store %arg5[%swap3A_342, %swap3A_343], %get3A_340 {strides = array<i32>} : memref<8x4224xf32, #tpu.memory_space<vmem>>, vector<16xf32>,
      %scan3A_345 = arith.constant 2 : i32
      %scan3A_346 = arith.addi %scan3A_317, %scan3A_345 : i32
      %mul3A_347 = arith.constant 16 : i32
      %mul3A_348 = arith.muli %scan3A_346, %mul3A_347 : i32
      %add3A_349 = arith.addi %mul3A_179, %mul3A_348 : i32
      %add3A_350 = arith.constant 7 : i32
      %add3A_351 = arith.addi %add3A_349, %add3A_350 : i32
      %get3A_352 = arith.constant 7 : i32
      %get3A_353 = arith.index_cast %get3A_352 : i32 to index
      %get3A_354 = arith.index_cast %add3A_351 : i32 to index
      %get3A_355 = tpu.vector_load %arg5[%get3A_353, %get3A_354] {strides = array<i32>} : memref<8x4224xf32, #tpu.memory_space<vmem>>, vector<16xf32>,
      %swap3A_356 = arith.constant 0 : i32
      %swap3A_357 = arith.index_cast %swap3A_356 : i32 to index
      %swap3A_358 = arith.index_cast %add3A_349 : i32 to index
      %swap3A_359 = tpu.vector_load %arg5[%swap3A_357, %swap3A_358] {strides = array<i32>} : memref<8x4224xf32, #tpu.memory_space<vmem>>, vector<16xf32>,
      tpu.vector_store %arg5[%swap3A_357, %swap3A_358], %get3A_355 {strides = array<i32>} : memref<8x4224xf32, #tpu.memory_space<vmem>>, vector<16xf32>,
      %scan3A_360 = arith.constant 3 : i32
      %scan3A_361 = arith.addi %scan3A_317, %scan3A_360 : i32
      %mul3A_362 = arith.constant 16 : i32
      %mul3A_363 = arith.muli %scan3A_361, %mul3A_362 : i32
      %add3A_364 = arith.addi %mul3A_179, %mul3A_363 : i32
      %add3A_365 = arith.constant 7 : i32
      %add3A_366 = arith.addi %add3A_364, %add3A_365 : i32
      %get3A_367 = arith.constant 7 : i32
      %get3A_368 = arith.index_cast %get3A_367 : i32 to index
      %get3A_369 = arith.index_cast %add3A_366 : i32 to index
      %get3A_370 = tpu.vector_load %arg5[%get3A_368, %get3A_369] {strides = array<i32>} : memref<8x4224xf32, #tpu.memory_space<vmem>>, vector<16xf32>,
      %swap3A_371 = arith.constant 0 : i32
      %swap3A_372 = arith.index_cast %swap3A_371 : i32 to index
      %swap3A_373 = arith.index_cast %add3A_364 : i32 to index
      %swap3A_374 = tpu.vector_load %arg5[%swap3A_372, %swap3A_373] {strides = array<i32>} : memref<8x4224xf32, #tpu.memory_space<vmem>>, vector<16xf32>,
      tpu.vector_store %arg5[%swap3A_372, %swap3A_373], %get3A_370 {strides = array<i32>} : memref<8x4224xf32, #tpu.memory_space<vmem>>, vector<16xf32>,
      %scan3A_375 = arith.constant 4 : i32
      %scan3A_376 = arith.addi %scan3A_317, %scan3A_375 : i32
      %mul3A_377 = arith.constant 16 : i32
      %mul3A_378 = arith.muli %scan3A_376, %mul3A_377 : i32
      %add3A_379 = arith.addi %mul3A_179, %mul3A_378 : i32
      %add3A_380 = arith.constant 7 : i32
      %add3A_381 = arith.addi %add3A_379, %add3A_380 : i32
      %get3A_382 = arith.constant 7 : i32
      %get3A_383 = arith.index_cast %get3A_382 : i32 to index
      %get3A_384 = arith.index_cast %add3A_381 : i32 to index
      %get3A_385 = tpu.vector_load %arg5[%get3A_383, %get3A_384] {strides = array<i32>} : memref<8x4224xf32, #tpu.memory_space<vmem>>, vector<16xf32>,
      %swap3A_386 = arith.constant 0 : i32
      %swap3A_387 = arith.index_cast %swap3A_386 : i32 to index
      %swap3A_388 = arith.index_cast %add3A_379 : i32 to index
      %swap3A_389 = tpu.vector_load %arg5[%swap3A_387, %swap3A_388] {strides = array<i32>} : memref<8x4224xf32, #tpu.memory_space<vmem>>, vector<16xf32>,
      tpu.vector_store %arg5[%swap3A_387, %swap3A_388], %get3A_385 {strides = array<i32>} : memref<8x4224xf32, #tpu.memory_space<vmem>>, vector<16xf32>,
      %scan3A_390 = arith.constant 5 : i32
      %scan3A_391 = arith.addi %scan3A_317, %scan3A_390 : i32
      %mul3A_392 = arith.constant 16 : i32
      %mul3A_393 = arith.muli %scan3A_391, %mul3A_392 : i32
      %add3A_394 = arith.addi %mul3A_179, %mul3A_393 : i32
      %add3A_395 = arith.constant 7 : i32
      %add3A_396 = arith.addi %add3A_394, %add3A_395 : i32
      %get3A_397 = arith.constant 7 : i32
      %get3A_398 = arith.index_cast %get3A_397 : i32 to index
      %get3A_399 = arith.index_cast %add3A_396 : i32 to index
      %get3A_400 = tpu.vector_load %arg5[%get3A_398, %get3A_399] {strides = array<i32>} : memref<8x4224xf32, #tpu.memory_space<vmem>>, vector<16xf32>,
      %swap3A_401 = arith.constant 0 : i32
      %swap3A_402 = arith.index_cast %swap3A_401 : i32 to index
      %swap3A_403 = arith.index_cast %add3A_394 : i32 to index
      %swap3A_404 = tpu.vector_load %arg5[%swap3A_402, %swap3A_403] {strides = array<i32>} : memref<8x4224xf32, #tpu.memory_space<vmem>>, vector<16xf32>,
      tpu.vector_store %arg5[%swap3A_402, %swap3A_403], %get3A_400 {strides = array<i32>} : memref<8x4224xf32, #tpu.memory_space<vmem>>, vector<16xf32>,
      %scan3A_405 = arith.constant 6 : i32
      %scan3A_406 = arith.addi %scan3A_317, %scan3A_405 : i32
      %mul3A_407 = arith.constant 16 : i32
      %mul3A_408 = arith.muli %scan3A_406, %mul3A_407 : i32
      %add3A_409 = arith.addi %mul3A_179, %mul3A_408 : i32
      %add3A_410 = arith.constant 7 : i32
      %add3A_411 = arith.addi %add3A_409, %add3A_410 : i32
      %get3A_412 = arith.constant 7 : i32
      %get3A_413 = arith.index_cast %get3A_412 : i32 to index
      %get3A_414 = arith.index_cast %add3A_411 : i32 to index
      %get3A_415 = tpu.vector_load %arg5[%get3A_413, %get3A_414] {strides = array<i32>} : memref<8x4224xf32, #tpu.memory_space<vmem>>, vector<16xf32>,
      %swap3A_416 = arith.constant 0 : i32
      %swap3A_417 = arith.index_cast %swap3A_416 : i32 to index
      %swap3A_418 = arith.index_cast %add3A_409 : i32 to index
      %swap3A_419 = tpu.vector_load %arg5[%swap3A_417, %swap3A_418] {strides = array<i32>} : memref<8x4224xf32, #tpu.memory_space<vmem>>, vector<16xf32>,
      tpu.vector_store %arg5[%swap3A_417, %swap3A_418], %get3A_415 {strides = array<i32>} : memref<8x4224xf32, #tpu.memory_space<vmem>>, vector<16xf32>,
      %scan3A_420 = arith.constant 7 : i32
      %scan3A_421 = arith.addi %scan3A_317, %scan3A_420 : i32
      %mul3A_422 = arith.constant 16 : i32
      %mul3A_423 = arith.muli %scan3A_421, %mul3A_422 : i32
      %add3A_424 = arith.addi %mul3A_179, %mul3A_423 : i32
      %add3A_425 = arith.constant 7 : i32
      %add3A_426 = arith.addi %add3A_424, %add3A_425 : i32
      %get3A_427 = arith.constant 7 : i32
      %get3A_428 = arith.index_cast %get3A_427 : i32 to index
      %get3A_429 = arith.index_cast %add3A_426 : i32 to index
      %get3A_430 = tpu.vector_load %arg5[%get3A_428, %get3A_429] {strides = array<i32>} : memref<8x4224xf32, #tpu.memory_space<vmem>>, vector<16xf32>,
      %swap3A_431 = arith.constant 0 : i32
      %swap3A_432 = arith.index_cast %swap3A_431 : i32 to index
      %swap3A_433 = arith.index_cast %add3A_424 : i32 to index
      %swap3A_434 = tpu.vector_load %arg5[%swap3A_432, %swap3A_433] {strides = array<i32>} : memref<8x4224xf32, #tpu.memory_space<vmem>>, vector<16xf32>,
      tpu.vector_store %arg5[%swap3A_432, %swap3A_433], %get3A_430 {strides = array<i32>} : memref<8x4224xf32, #tpu.memory_space<vmem>>, vector<16xf32>,
    }
    %scan3A_184 = arith.constant 192 : i32
    %scan3A_185 = arith.constant 0 : i32
    %scan3A_186 = arith.constant 192 : i32
    %scan3A_187 = arith.addi %scan3A_185, %scan3A_186 : i32
    %scan3A_188 = arith.constant 8 : i32
    scf.for %scan3A_317 = %scan3A_185 to %scan3A_187 step %scan3A_188  : i32 {
      %mul3A_318 = arith.constant 16 : i32
      %mul3A_319 = arith.muli %scan3A_317, %mul3A_318 : i32
      %add3A_320 = arith.addi %mul3A_179, %mul3A_319 : i32
      %add3A_321 = arith.constant 6 : i32
      %add3A_322 = arith.addi %add3A_320, %add3A_321 : i32
      %get3A = arith.constant 7 : i32
      %get3A_323 = arith.index_cast %get3A : i32 to index
      %get3A_324 = arith.index_cast %add3A_322 : i32 to index
      %get3A_325 = tpu.vector_load %arg5[%get3A_323, %get3A_324] {strides = array<i32>} : memref<8x4224xf32, #tpu.memory_space<vmem>>, vector<16xf32>,
      %swap3A_326 = arith.constant 1 : i32
      %swap3A_327 = arith.index_cast %swap3A_326 : i32 to index
      %swap3A_328 = arith.index_cast %add3A_320 : i32 to index
      %swap3A_329 = tpu.vector_load %arg5[%swap3A_327, %swap3A_328] {strides = array<i32>} : memref<8x4224xf32, #tpu.memory_space<vmem>>, vector<16xf32>,
      tpu.vector_store %arg5[%swap3A_327, %swap3A_328], %get3A_325 {strides = array<i32>} : memref<8x4224xf32, #tpu.memory_space<vmem>>, vector<16xf32>,
      %scan3A_330 = arith.constant 1 : i32
      %scan3A_331 = arith.addi %scan3A_317, %scan3A_330 : i32
      %mul3A_332 = arith.constant 16 : i32
      %mul3A_333 = arith.muli %scan3A_331, %mul3A_332 : i32
      %add3A_334 = arith.addi %mul3A_179, %mul3A_333 : i32
      %add3A_335 = arith.constant 6 : i32
      %add3A_336 = arith.addi %add3A_334, %add3A_335 : i32
      %get3A_337 = arith.constant 7 : i32
      %get3A_338 = arith.index_cast %get3A_337 : i32 to index
      %get3A_339 = arith.index_cast %add3A_336 : i32 to index
      %get3A_340 = tpu.vector_load %arg5[%get3A_338, %get3A_339] {strides = array<i32>} : memref<8x4224xf32, #tpu.memory_space<vmem>>, vector<16xf32>,
      %swap3A_341 = arith.constant 1 : i32
      %swap3A_342 = arith.index_cast %swap3A_341 : i32 to index
      %swap3A_343 = arith.index_cast %add3A_334 : i32 to index
      %swap3A_344 = tpu.vector_load %arg5[%swap3A_342, %swap3A_343] {strides = array<i32>} : memref<8x4224xf32, #tpu.memory_space<vmem>>, vector<16xf32>,
      tpu.vector_store %arg5[%swap3A_342, %swap3A_343], %get3A_340 {strides = array<i32>} : memref<8x4224xf32, #tpu.memory_space<vmem>>, vector<16xf32>,
      %scan3A_345 = arith.constant 2 : i32
      %scan3A_346 = arith.addi %scan3A_317, %scan3A_345 : i32
      %mul3A_347 = arith.constant 16 : i32
      %mul3A_348 = arith.muli %scan3A_346, %mul3A_347 : i32
      %add3A_349 = arith.addi %mul3A_179, %mul3A_348 : i32
      %add3A_350 = arith.constant 6 : i32
      %add3A_351 = arith.addi %add3A_349, %add3A_350 : i32
      %get3A_352 = arith.constant 7 : i32
      %get3A_353 = arith.index_cast %get3A_352 : i32 to index
      %get3A_354 = arith.index_cast %add3A_351 : i32 to index
      %get3A_355 = tpu.vector_load %arg5[%get3A_353, %get3A_354] {strides = array<i32>} : memref<8x4224xf32, #tpu.memory_space<vmem>>, vector<16xf32>,
      %swap3A_356 = arith.constant 1 : i32
      %swap3A_357 = arith.index_cast %swap3A_356 : i32 to index
      %swap3A_358 = arith.index_cast %add3A_349 : i32 to index
      %swap3A_359 = tpu.vector_load %arg5[%swap3A_357, %swap3A_358] {strides = array<i32>} : memref<8x4224xf32, #tpu.memory_space<vmem>>, vector<16xf32>,
      tpu.vector_store %arg5[%swap3A_357, %swap3A_358], %get3A_355 {strides = array<i32>} : memref<8x4224xf32, #tpu.memory_space<vmem>>, vector<16xf32>,
      %scan3A_360 = arith.constant 3 : i32
      %scan3A_361 = arith.addi %scan3A_317, %scan3A_360 : i32
      %mul3A_362 = arith.constant 16 : i32
      %mul3A_363 = arith.muli %scan3A_361, %mul3A_362 : i32
      %add3A_364 = arith.addi %mul3A_179, %mul3A_363 : i32
      %add3A_365 = arith.constant 6 : i32
      %add3A_366 = arith.addi %add3A_364, %add3A_365 : i32
      %get3A_367 = arith.constant 7 : i32
      %get3A_368 = arith.index_cast %get3A_367 : i32 to index
      %get3A_369 = arith.index_cast %add3A_366 : i32 to index
      %get3A_370 = tpu.vector_load %arg5[%get3A_368, %get3A_369] {strides = array<i32>} : memref<8x4224xf32, #tpu.memory_space<vmem>>, vector<16xf32>,
      %swap3A_371 = arith.constant 1 : i32
      %swap3A_372 = arith.index_cast %swap3A_371 : i32 to index
      %swap3A_373 = arith.index_cast %add3A_364 : i32 to index
      %swap3A_374 = tpu.vector_load %arg5[%swap3A_372, %swap3A_373] {strides = array<i32>} : memref<8x4224xf32, #tpu.memory_space<vmem>>, vector<16xf32>,
      tpu.vector_store %arg5[%swap3A_372, %swap3A_373], %get3A_370 {strides = array<i32>} : memref<8x4224xf32, #tpu.memory_space<vmem>>, vector<16xf32>,
      %scan3A_375 = arith.constant 4 : i32
      %scan3A_376 = arith.addi %scan3A_317, %scan3A_375 : i32
      %mul3A_377 = arith.constant 16 : i32
      %mul3A_378 = arith.muli %scan3A_376, %mul3A_377 : i32
      %add3A_379 = arith.addi %mul3A_179, %mul3A_378 : i32
      %add3A_380 = arith.constant 6 : i32
      %add3A_381 = arith.addi %add3A_379, %add3A_380 : i32
      %get3A_382 = arith.constant 7 : i32
      %get3A_383 = arith.index_cast %get3A_382 : i32 to index
      %get3A_384 = arith.index_cast %add3A_381 : i32 to index
      %get3A_385 = tpu.vector_load %arg5[%get3A_383, %get3A_384] {strides = array<i32>} : memref<8x4224xf32, #tpu.memory_space<vmem>>, vector<16xf32>,
      %swap3A_386 = arith.constant 1 : i32
      %swap3A_387 = arith.index_cast %swap3A_386 : i32 to index
      %swap3A_388 = arith.index_cast %add3A_379 : i32 to index
      %swap3A_389 = tpu.vector_load %arg5[%swap3A_387, %swap3A_388] {strides = array<i32>} : memref<8x4224xf32, #tpu.memory_space<vmem>>, vector<16xf32>,
      tpu.vector_store %arg5[%swap3A_387, %swap3A_388], %get3A_385 {strides = array<i32>} : memref<8x4224xf32, #tpu.memory_space<vmem>>, vector<16xf32>,
      %scan3A_390 = arith.constant 5 : i32
      %scan3A_391 = arith.addi %scan3A_317, %scan3A_390 : i32
      %mul3A_392 = arith.constant 16 : i32
      %mul3A_393 = arith.muli %scan3A_391, %mul3A_392 : i32
      %add3A_394 = arith.addi %mul3A_179, %mul3A_393 : i32
      %add3A_395 = arith.constant 6 : i32
      %add3A_396 = arith.addi %add3A_394, %add3A_395 : i32
      %get3A_397 = arith.constant 7 : i32
      %get3A_398 = arith.index_cast %get3A_397 : i32 to index
      %get3A_399 = arith.index_cast %add3A_396 : i32 to index
      %get3A_400 = tpu.vector_load %arg5[%get3A_398, %get3A_399] {strides = array<i32>} : memref<8x4224xf32, #tpu.memory_space<vmem>>, vector<16xf32>,
      %swap3A_401 = arith.constant 1 : i32
      %swap3A_402 = arith.index_cast %swap3A_401 : i32 to index
      %swap3A_403 = arith.index_cast %add3A_394 : i32 to index
      %swap3A_404 = tpu.vector_load %arg5[%swap3A_402, %swap3A_403] {strides = array<i32>} : memref<8x4224xf32, #tpu.memory_space<vmem>>, vector<16xf32>,
      tpu.vector_store %arg5[%swap3A_402, %swap3A_403], %get3A_400 {strides = array<i32>} : memref<8x4224xf32, #tpu.memory_space<vmem>>, vector<16xf32>,
      %scan3A_405 = arith.constant 6 : i32
      %scan3A_406 = arith.addi %scan3A_317, %scan3A_405 : i32
      %mul3A_407 = arith.constant 16 : i32
      %mul3A_408 = arith.muli %scan3A_406, %mul3A_407 : i32
      %add3A_409 = arith.addi %mul3A_179, %mul3A_408 : i32
      %add3A_410 = arith.constant 6 : i32
      %add3A_411 = arith.addi %add3A_409, %add3A_410 : i32
      %get3A_412 = arith.constant 7 : i32
      %get3A_413 = arith.index_cast %get3A_412 : i32 to index
      %get3A_414 = arith.index_cast %add3A_411 : i32 to index
      %get3A_415 = tpu.vector_load %arg5[%get3A_413, %get3A_414] {strides = array<i32>} : memref<8x4224xf32, #tpu.memory_space<vmem>>, vector<16xf32>,
      %swap3A_416 = arith.constant 1 : i32
      %swap3A_417 = arith.index_cast %swap3A_416 : i32 to index
      %swap3A_418 = arith.index_cast %add3A_409 : i32 to index
      %swap3A_419 = tpu.vector_load %arg5[%swap3A_417, %swap3A_418] {strides = array<i32>} : memref<8x4224xf32, #tpu.memory_space<vmem>>, vector<16xf32>,
      tpu.vector_store %arg5[%swap3A_417, %swap3A_418], %get3A_415 {strides = array<i32>} : memref<8x4224xf32, #tpu.memory_space<vmem>>, vector<16xf32>,
      %scan3A_420 = arith.constant 7 : i32
      %scan3A_421 = arith.addi %scan3A_317, %scan3A_420 : i32
      %mul3A_422 = arith.constant 16 : i32
      %mul3A_423 = arith.muli %scan3A_421, %mul3A_422 : i32
      %add3A_424 = arith.addi %mul3A_179, %mul3A_423 : i32
      %add3A_425 = arith.constant 6 : i32
      %add3A_426 = arith.addi %add3A_424, %add3A_425 : i32
      %get3A_427 = arith.constant 7 : i32
      %get3A_428 = arith.index_cast %get3A_427 : i32 to index
      %get3A_429 = arith.index_cast %add3A_426 : i32 to index
      %get3A_430 = tpu.vector_load %arg5[%get3A_428, %get3A_429] {strides = array<i32>} : memref<8x4224xf32, #tpu.memory_space<vmem>>, vector<16xf32>,
      %swap3A_431 = arith.constant 1 : i32
      %swap3A_432 = arith.index_cast %swap3A_431 : i32 to index
      %swap3A_433 = arith.index_cast %add3A_424 : i32 to index
      %swap3A_434 = tpu.vector_load %arg5[%swap3A_432, %swap3A_433] {strides = array<i32>} : memref<8x4224xf32, #tpu.memory_space<vmem>>, vector<16xf32>,
      tpu.vector_store %arg5[%swap3A_432, %swap3A_433], %get3A_430 {strides = array<i32>} : memref<8x4224xf32, #tpu.memory_space<vmem>>, vector<16xf32>,
    }
    %scan3A_189 = arith.constant 192 : i32
    %scan3A_190 = arith.constant 0 : i32
    %scan3A_191 = arith.constant 192 : i32
    %scan3A_192 = arith.addi %scan3A_190, %scan3A_191 : i32
    %scan3A_193 = arith.constant 8 : i32
    scf.for %scan3A_317 = %scan3A_190 to %scan3A_192 step %scan3A_193  : i32 {
      %mul3A_318 = arith.constant 16 : i32
      %mul3A_319 = arith.muli %scan3A_317, %mul3A_318 : i32
      %add3A_320 = arith.addi %mul3A_179, %mul3A_319 : i32
      %add3A_321 = arith.constant 5 : i32
      %add3A_322 = arith.addi %add3A_320, %add3A_321 : i32
      %get3A = arith.constant 7 : i32
      %get3A_323 = arith.index_cast %get3A : i32 to index
      %get3A_324 = arith.index_cast %add3A_322 : i32 to index
      %get3A_325 = tpu.vector_load %arg5[%get3A_323, %get3A_324] {strides = array<i32>} : memref<8x4224xf32, #tpu.memory_space<vmem>>, vector<16xf32>,
      %swap3A_326 = arith.constant 2 : i32
      %swap3A_327 = arith.index_cast %swap3A_326 : i32 to index
      %swap3A_328 = arith.index_cast %add3A_320 : i32 to index
      %swap3A_329 = tpu.vector_load %arg5[%swap3A_327, %swap3A_328] {strides = array<i32>} : memref<8x4224xf32, #tpu.memory_space<vmem>>, vector<16xf32>,
      tpu.vector_store %arg5[%swap3A_327, %swap3A_328], %get3A_325 {strides = array<i32>} : memref<8x4224xf32, #tpu.memory_space<vmem>>, vector<16xf32>,
      %scan3A_330 = arith.constant 1 : i32
      %scan3A_331 = arith.addi %scan3A_317, %scan3A_330 : i32
      %mul3A_332 = arith.constant 16 : i32
      %mul3A_333 = arith.muli %scan3A_331, %mul3A_332 : i32
      %add3A_334 = arith.addi %mul3A_179, %mul3A_333 : i32
      %add3A_335 = arith.constant 5 : i32
      %add3A_336 = arith.addi %add3A_334, %add3A_335 : i32
      %get3A_337 = arith.constant 7 : i32
      %get3A_338 = arith.index_cast %get3A_337 : i32 to index
      %get3A_339 = arith.index_cast %add3A_336 : i32 to index
      %get3A_340 = tpu.vector_load %arg5[%get3A_338, %get3A_339] {strides = array<i32>} : memref<8x4224xf32, #tpu.memory_space<vmem>>, vector<16xf32>,
      %swap3A_341 = arith.constant 2 : i32
      %swap3A_342 = arith.index_cast %swap3A_341 : i32 to index
      %swap3A_343 = arith.index_cast %add3A_334 : i32 to index
      %swap3A_344 = tpu.vector_load %arg5[%swap3A_342, %swap3A_343] {strides = array<i32>} : memref<8x4224xf32, #tpu.memory_space<vmem>>, vector<16xf32>,
      tpu.vector_store %arg5[%swap3A_342, %swap3A_343], %get3A_340 {strides = array<i32>} : memref<8x4224xf32, #tpu.memory_space<vmem>>, vector<16xf32>,
      %scan3A_345 = arith.constant 2 : i32
      %scan3A_346 = arith.addi %scan3A_317, %scan3A_345 : i32
      %mul3A_347 = arith.constant 16 : i32
      %mul3A_348 = arith.muli %scan3A_346, %mul3A_347 : i32
      %add3A_349 = arith.addi %mul3A_179, %mul3A_348 : i32
      %add3A_350 = arith.constant 5 : i32
      %add3A_351 = arith.addi %add3A_349, %add3A_350 : i32
      %get3A_352 = arith.constant 7 : i32
      %get3A_353 = arith.index_cast %get3A_352 : i32 to index
      %get3A_354 = arith.index_cast %add3A_351 : i32 to index
      %get3A_355 = tpu.vector_load %arg5[%get3A_353, %get3A_354] {strides = array<i32>} : memref<8x4224xf32, #tpu.memory_space<vmem>>, vector<16xf32>,
      %swap3A_356 = arith.constant 2 : i32
      %swap3A_357 = arith.index_cast %swap3A_356 : i32 to index
      %swap3A_358 = arith.index_cast %add3A_349 : i32 to index
      %swap3A_359 = tpu.vector_load %arg5[%swap3A_357, %swap3A_358] {strides = array<i32>} : memref<8x4224xf32, #tpu.memory_space<vmem>>, vector<16xf32>,
      tpu.vector_store %arg5[%swap3A_357, %swap3A_358], %get3A_355 {strides = array<i32>} : memref<8x4224xf32, #tpu.memory_space<vmem>>, vector<16xf32>,
      %scan3A_360 = arith.constant 3 : i32
      %scan3A_361 = arith.addi %scan3A_317, %scan3A_360 : i32
      %mul3A_362 = arith.constant 16 : i32
      %mul3A_363 = arith.muli %scan3A_361, %mul3A_362 : i32
      %add3A_364 = arith.addi %mul3A_179, %mul3A_363 : i32
      %add3A_365 = arith.constant 5 : i32
      %add3A_366 = arith.addi %add3A_364, %add3A_365 : i32
      %get3A_367 = arith.constant 7 : i32
      %get3A_368 = arith.index_cast %get3A_367 : i32 to index
      %get3A_369 = arith.index_cast %add3A_366 : i32 to index
      %get3A_370 = tpu.vector_load %arg5[%get3A_368, %get3A_369] {strides = array<i32>} : memref<8x4224xf32, #tpu.memory_space<vmem>>, vector<16xf32>,
      %swap3A_371 = arith.constant 2 : i32
      %swap3A_372 = arith.index_cast %swap3A_371 : i32 to index
      %swap3A_373 = arith.index_cast %add3A_364 : i32 to index
      %swap3A_374 = tpu.vector_load %arg5[%swap3A_372, %swap3A_373] {strides = array<i32>} : memref<8x4224xf32, #tpu.memory_space<vmem>>, vector<16xf32>,
      tpu.vector_store %arg5[%swap3A_372, %swap3A_373], %get3A_370 {strides = array<i32>} : memref<8x4224xf32, #tpu.memory_space<vmem>>, vector<16xf32>,
      %scan3A_375 = arith.constant 4 : i32
      %scan3A_376 = arith.addi %scan3A_317, %scan3A_375 : i32
      %mul3A_377 = arith.constant 16 : i32
      %mul3A_378 = arith.muli %scan3A_376, %mul3A_377 : i32
      %add3A_379 = arith.addi %mul3A_179, %mul3A_378 : i32
      %add3A_380 = arith.constant 5 : i32
      %add3A_381 = arith.addi %add3A_379, %add3A_380 : i32
      %get3A_382 = arith.constant 7 : i32
      %get3A_383 = arith.index_cast %get3A_382 : i32 to index
      %get3A_384 = arith.index_cast %add3A_381 : i32 to index
      %get3A_385 = tpu.vector_load %arg5[%get3A_383, %get3A_384] {strides = array<i32>} : memref<8x4224xf32, #tpu.memory_space<vmem>>, vector<16xf32>,
      %swap3A_386 = arith.constant 2 : i32
      %swap3A_387 = arith.index_cast %swap3A_386 : i32 to index
      %swap3A_388 = arith.index_cast %add3A_379 : i32 to index
      %swap3A_389 = tpu.vector_load %arg5[%swap3A_387, %swap3A_388] {strides = array<i32>} : memref<8x4224xf32, #tpu.memory_space<vmem>>, vector<16xf32>,
      tpu.vector_store %arg5[%swap3A_387, %swap3A_388], %get3A_385 {strides = array<i32>} : memref<8x4224xf32, #tpu.memory_space<vmem>>, vector<16xf32>,
      %scan3A_390 = arith.constant 5 : i32
      %scan3A_391 = arith.addi %scan3A_317, %scan3A_390 : i32
      %mul3A_392 = arith.constant 16 : i32
      %mul3A_393 = arith.muli %scan3A_391, %mul3A_392 : i32
      %add3A_394 = arith.addi %mul3A_179, %mul3A_393 : i32
      %add3A_395 = arith.constant 5 : i32
      %add3A_396 = arith.addi %add3A_394, %add3A_395 : i32
      %get3A_397 = arith.constant 7 : i32
      %get3A_398 = arith.index_cast %get3A_397 : i32 to index
      %get3A_399 = arith.index_cast %add3A_396 : i32 to index
      %get3A_400 = tpu.vector_load %arg5[%get3A_398, %get3A_399] {strides = array<i32>} : memref<8x4224xf32, #tpu.memory_space<vmem>>, vector<16xf32>,
      %swap3A_401 = arith.constant 2 : i32
      %swap3A_402 = arith.index_cast %swap3A_401 : i32 to index
      %swap3A_403 = arith.index_cast %add3A_394 : i32 to index
      %swap3A_404 = tpu.vector_load %arg5[%swap3A_402, %swap3A_403] {strides = array<i32>} : memref<8x4224xf32, #tpu.memory_space<vmem>>, vector<16xf32>,
      tpu.vector_store %arg5[%swap3A_402, %swap3A_403], %get3A_400 {strides = array<i32>} : memref<8x4224xf32, #tpu.memory_space<vmem>>, vector<16xf32>,
      %scan3A_405 = arith.constant 6 : i32
      %scan3A_406 = arith.addi %scan3A_317, %scan3A_405 : i32
      %mul3A_407 = arith.constant 16 : i32
      %mul3A_408 = arith.muli %scan3A_406, %mul3A_407 : i32
      %add3A_409 = arith.addi %mul3A_179, %mul3A_408 : i32
      %add3A_410 = arith.constant 5 : i32
      %add3A_411 = arith.addi %add3A_409, %add3A_410 : i32
      %get3A_412 = arith.constant 7 : i32
      %get3A_413 = arith.index_cast %get3A_412 : i32 to index
      %get3A_414 = arith.index_cast %add3A_411 : i32 to index
      %get3A_415 = tpu.vector_load %arg5[%get3A_413, %get3A_414] {strides = array<i32>} : memref<8x4224xf32, #tpu.memory_space<vmem>>, vector<16xf32>,
      %swap3A_416 = arith.constant 2 : i32
      %swap3A_417 = arith.index_cast %swap3A_416 : i32 to index
      %swap3A_418 = arith.index_cast %add3A_409 : i32 to index
      %swap3A_419 = tpu.vector_load %arg5[%swap3A_417, %swap3A_418] {strides = array<i32>} : memref<8x4224xf32, #tpu.memory_space<vmem>>, vector<16xf32>,
      tpu.vector_store %arg5[%swap3A_417, %swap3A_418], %get3A_415 {strides = array<i32>} : memref<8x4224xf32, #tpu.memory_space<vmem>>, vector<16xf32>,
      %scan3A_420 = arith.constant 7 : i32
      %scan3A_421 = arith.addi %scan3A_317, %scan3A_420 : i32
      %mul3A_422 = arith.constant 16 : i32
      %mul3A_423 = arith.muli %scan3A_421, %mul3A_422 : i32
      %add3A_424 = arith.addi %mul3A_179, %mul3A_423 : i32
      %add3A_425 = arith.constant 5 : i32
      %add3A_426 = arith.addi %add3A_424, %add3A_425 : i32
      %get3A_427 = arith.constant 7 : i32
      %get3A_428 = arith.index_cast %get3A_427 : i32 to index
      %get3A_429 = arith.index_cast %add3A_426 : i32 to index
      %get3A_430 = tpu.vector_load %arg5[%get3A_428, %get3A_429] {strides = array<i32>} : memref<8x4224xf32, #tpu.memory_space<vmem>>, vector<16xf32>,
      %swap3A_431 = arith.constant 2 : i32
      %swap3A_432 = arith.index_cast %swap3A_431 : i32 to index
      %swap3A_433 = arith.index_cast %add3A_424 : i32 to index
      %swap3A_434 = tpu.vector_load %arg5[%swap3A_432, %swap3A_433] {strides = array<i32>} : memref<8x4224xf32, #tpu.memory_space<vmem>>, vector<16xf32>,
      tpu.vector_store %arg5[%swap3A_432, %swap3A_433], %get3A_430 {strides = array<i32>} : memref<8x4224xf32, #tpu.memory_space<vmem>>, vector<16xf32>,
    }
    %scan3A_194 = arith.constant 192 : i32
    %scan3A_195 = arith.constant 0 : i32
    %scan3A_196 = arith.constant 192 : i32
    %scan3A_197 = arith.addi %scan3A_195, %scan3A_196 : i32
    %scan3A_198 = arith.constant 8 : i32
    scf.for %scan3A_317 = %scan3A_195 to %scan3A_197 step %scan3A_198  : i32 {
      %mul3A_318 = arith.constant 16 : i32
      %mul3A_319 = arith.muli %scan3A_317, %mul3A_318 : i32
      %add3A_320 = arith.addi %mul3A_179, %mul3A_319 : i32
      %add3A_321 = arith.constant 4 : i32
      %add3A_322 = arith.addi %add3A_320, %add3A_321 : i32
      %get3A = arith.constant 7 : i32
      %get3A_323 = arith.index_cast %get3A : i32 to index
      %get3A_324 = arith.index_cast %add3A_322 : i32 to index
      %get3A_325 = tpu.vector_load %arg5[%get3A_323, %get3A_324] {strides = array<i32>} : memref<8x4224xf32, #tpu.memory_space<vmem>>, vector<16xf32>,
      %swap3A_326 = arith.constant 3 : i32
      %swap3A_327 = arith.index_cast %swap3A_326 : i32 to index
      %swap3A_328 = arith.index_cast %add3A_320 : i32 to index
      %swap3A_329 = tpu.vector_load %arg5[%swap3A_327, %swap3A_328] {strides = array<i32>} : memref<8x4224xf32, #tpu.memory_space<vmem>>, vector<16xf32>,
      tpu.vector_store %arg5[%swap3A_327, %swap3A_328], %get3A_325 {strides = array<i32>} : memref<8x4224xf32, #tpu.memory_space<vmem>>, vector<16xf32>,
      %scan3A_330 = arith.constant 1 : i32
      %scan3A_331 = arith.addi %scan3A_317, %scan3A_330 : i32
      %mul3A_332 = arith.constant 16 : i32
      %mul3A_333 = arith.muli %scan3A_331, %mul3A_332 : i32
      %add3A_334 = arith.addi %mul3A_179, %mul3A_333 : i32
      %add3A_335 = arith.constant 4 : i32
      %add3A_336 = arith.addi %add3A_334, %add3A_335 : i32
      %get3A_337 = arith.constant 7 : i32
      %get3A_338 = arith.index_cast %get3A_337 : i32 to index
      %get3A_339 = arith.index_cast %add3A_336 : i32 to index
      %get3A_340 = tpu.vector_load %arg5[%get3A_338, %get3A_339] {strides = array<i32>} : memref<8x4224xf32, #tpu.memory_space<vmem>>, vector<16xf32>,
      %swap3A_341 = arith.constant 3 : i32
      %swap3A_342 = arith.index_cast %swap3A_341 : i32 to index
      %swap3A_343 = arith.index_cast %add3A_334 : i32 to index
      %swap3A_344 = tpu.vector_load %arg5[%swap3A_342, %swap3A_343] {strides = array<i32>} : memref<8x4224xf32, #tpu.memory_space<vmem>>, vector<16xf32>,
      tpu.vector_store %arg5[%swap3A_342, %swap3A_343], %get3A_340 {strides = array<i32>} : memref<8x4224xf32, #tpu.memory_space<vmem>>, vector<16xf32>,
      %scan3A_345 = arith.constant 2 : i32
      %scan3A_346 = arith.addi %scan3A_317, %scan3A_345 : i32
      %mul3A_347 = arith.constant 16 : i32
      %mul3A_348 = arith.muli %scan3A_346, %mul3A_347 : i32
      %add3A_349 = arith.addi %mul3A_179, %mul3A_348 : i32
      %add3A_350 = arith.constant 4 : i32
      %add3A_351 = arith.addi %add3A_349, %add3A_350 : i32
      %get3A_352 = arith.constant 7 : i32
      %get3A_353 = arith.index_cast %get3A_352 : i32 to index
      %get3A_354 = arith.index_cast %add3A_351 : i32 to index
      %get3A_355 = tpu.vector_load %arg5[%get3A_353, %get3A_354] {strides = array<i32>} : memref<8x4224xf32, #tpu.memory_space<vmem>>, vector<16xf32>,
      %swap3A_356 = arith.constant 3 : i32
      %swap3A_357 = arith.index_cast %swap3A_356 : i32 to index
      %swap3A_358 = arith.index_cast %add3A_349 : i32 to index
      %swap3A_359 = tpu.vector_load %arg5[%swap3A_357, %swap3A_358] {strides = array<i32>} : memref<8x4224xf32, #tpu.memory_space<vmem>>, vector<16xf32>,
      tpu.vector_store %arg5[%swap3A_357, %swap3A_358], %get3A_355 {strides = array<i32>} : memref<8x4224xf32, #tpu.memory_space<vmem>>, vector<16xf32>,
      %scan3A_360 = arith.constant 3 : i32
      %scan3A_361 = arith.addi %scan3A_317, %scan3A_360 : i32
      %mul3A_362 = arith.constant 16 : i32
      %mul3A_363 = arith.muli %scan3A_361, %mul3A_362 : i32
      %add3A_364 = arith.addi %mul3A_179, %mul3A_363 : i32
      %add3A_365 = arith.constant 4 : i32
      %add3A_366 = arith.addi %add3A_364, %add3A_365 : i32
      %get3A_367 = arith.constant 7 : i32
      %get3A_368 = arith.index_cast %get3A_367 : i32 to index
      %get3A_369 = arith.index_cast %add3A_366 : i32 to index
      %get3A_370 = tpu.vector_load %arg5[%get3A_368, %get3A_369] {strides = array<i32>} : memref<8x4224xf32, #tpu.memory_space<vmem>>, vector<16xf32>,
      %swap3A_371 = arith.constant 3 : i32
      %swap3A_372 = arith.index_cast %swap3A_371 : i32 to index
      %swap3A_373 = arith.index_cast %add3A_364 : i32 to index
      %swap3A_374 = tpu.vector_load %arg5[%swap3A_372, %swap3A_373] {strides = array<i32>} : memref<8x4224xf32, #tpu.memory_space<vmem>>, vector<16xf32>,
      tpu.vector_store %arg5[%swap3A_372, %swap3A_373], %get3A_370 {strides = array<i32>} : memref<8x4224xf32, #tpu.memory_space<vmem>>, vector<16xf32>,
      %scan3A_375 = arith.constant 4 : i32
      %scan3A_376 = arith.addi %scan3A_317, %scan3A_375 : i32
      %mul3A_377 = arith.constant 16 : i32
      %mul3A_378 = arith.muli %scan3A_376, %mul3A_377 : i32
      %add3A_379 = arith.addi %mul3A_179, %mul3A_378 : i32
      %add3A_380 = arith.constant 4 : i32
      %add3A_381 = arith.addi %add3A_379, %add3A_380 : i32
      %get3A_382 = arith.constant 7 : i32
      %get3A_383 = arith.index_cast %get3A_382 : i32 to index
      %get3A_384 = arith.index_cast %add3A_381 : i32 to index
      %get3A_385 = tpu.vector_load %arg5[%get3A_383, %get3A_384] {strides = array<i32>} : memref<8x4224xf32, #tpu.memory_space<vmem>>, vector<16xf32>,
      %swap3A_386 = arith.constant 3 : i32
      %swap3A_387 = arith.index_cast %swap3A_386 : i32 to index
      %swap3A_388 = arith.index_cast %add3A_379 : i32 to index
      %swap3A_389 = tpu.vector_load %arg5[%swap3A_387, %swap3A_388] {strides = array<i32>} : memref<8x4224xf32, #tpu.memory_space<vmem>>, vector<16xf32>,
      tpu.vector_store %arg5[%swap3A_387, %swap3A_388], %get3A_385 {strides = array<i32>} : memref<8x4224xf32, #tpu.memory_space<vmem>>, vector<16xf32>,
      %scan3A_390 = arith.constant 5 : i32
      %scan3A_391 = arith.addi %scan3A_317, %scan3A_390 : i32
      %mul3A_392 = arith.constant 16 : i32
      %mul3A_393 = arith.muli %scan3A_391, %mul3A_392 : i32
      %add3A_394 = arith.addi %mul3A_179, %mul3A_393 : i32
      %add3A_395 = arith.constant 4 : i32
      %add3A_396 = arith.addi %add3A_394, %add3A_395 : i32
      %get3A_397 = arith.constant 7 : i32
      %get3A_398 = arith.index_cast %get3A_397 : i32 to index
      %get3A_399 = arith.index_cast %add3A_396 : i32 to index
      %get3A_400 = tpu.vector_load %arg5[%get3A_398, %get3A_399] {strides = array<i32>} : memref<8x4224xf32, #tpu.memory_space<vmem>>, vector<16xf32>,
      %swap3A_401 = arith.constant 3 : i32
      %swap3A_402 = arith.index_cast %swap3A_401 : i32 to index
      %swap3A_403 = arith.index_cast %add3A_394 : i32 to index
      %swap3A_404 = tpu.vector_load %arg5[%swap3A_402, %swap3A_403] {strides = array<i32>} : memref<8x4224xf32, #tpu.memory_space<vmem>>, vector<16xf32>,
      tpu.vector_store %arg5[%swap3A_402, %swap3A_403], %get3A_400 {strides = array<i32>} : memref<8x4224xf32, #tpu.memory_space<vmem>>, vector<16xf32>,
      %scan3A_405 = arith.constant 6 : i32
      %scan3A_406 = arith.addi %scan3A_317, %scan3A_405 : i32
      %mul3A_407 = arith.constant 16 : i32
      %mul3A_408 = arith.muli %scan3A_406, %mul3A_407 : i32
      %add3A_409 = arith.addi %mul3A_179, %mul3A_408 : i32
      %add3A_410 = arith.constant 4 : i32
      %add3A_411 = arith.addi %add3A_409, %add3A_410 : i32
      %get3A_412 = arith.constant 7 : i32
      %get3A_413 = arith.index_cast %get3A_412 : i32 to index
      %get3A_414 = arith.index_cast %add3A_411 : i32 to index
      %get3A_415 = tpu.vector_load %arg5[%get3A_413, %get3A_414] {strides = array<i32>} : memref<8x4224xf32, #tpu.memory_space<vmem>>, vector<16xf32>,
      %swap3A_416 = arith.constant 3 : i32
      %swap3A_417 = arith.index_cast %swap3A_416 : i32 to index
      %swap3A_418 = arith.index_cast %add3A_409 : i32 to index
      %swap3A_419 = tpu.vector_load %arg5[%swap3A_417, %swap3A_418] {strides = array<i32>} : memref<8x4224xf32, #tpu.memory_space<vmem>>, vector<16xf32>,
      tpu.vector_store %arg5[%swap3A_417, %swap3A_418], %get3A_415 {strides = array<i32>} : memref<8x4224xf32, #tpu.memory_space<vmem>>, vector<16xf32>,
      %scan3A_420 = arith.constant 7 : i32
      %scan3A_421 = arith.addi %scan3A_317, %scan3A_420 : i32
      %mul3A_422 = arith.constant 16 : i32
      %mul3A_423 = arith.muli %scan3A_421, %mul3A_422 : i32
      %add3A_424 = arith.addi %mul3A_179, %mul3A_423 : i32
      %add3A_425 = arith.constant 4 : i32
      %add3A_426 = arith.addi %add3A_424, %add3A_425 : i32
      %get3A_427 = arith.constant 7 : i32
      %get3A_428 = arith.index_cast %get3A_427 : i32 to index
      %get3A_429 = arith.index_cast %add3A_426 : i32 to index
      %get3A_430 = tpu.vector_load %arg5[%get3A_428, %get3A_429] {strides = array<i32>} : memref<8x4224xf32, #tpu.memory_space<vmem>>, vector<16xf32>,
      %swap3A_431 = arith.constant 3 : i32
      %swap3A_432 = arith.index_cast %swap3A_431 : i32 to index
      %swap3A_433 = arith.index_cast %add3A_424 : i32 to index
      %swap3A_434 = tpu.vector_load %arg5[%swap3A_432, %swap3A_433] {strides = array<i32>} : memref<8x4224xf32, #tpu.memory_space<vmem>>, vector<16xf32>,
      tpu.vector_store %arg5[%swap3A_432, %swap3A_433], %get3A_430 {strides = array<i32>} : memref<8x4224xf32, #tpu.memory_space<vmem>>, vector<16xf32>,
    }
    %scan3A_199 = arith.constant 192 : i32
    %scan3A_200 = arith.constant 0 : i32
    %scan3A_201 = arith.constant 192 : i32
    %scan3A_202 = arith.addi %scan3A_200, %scan3A_201 : i32
    %scan3A_203 = arith.constant 8 : i32
    scf.for %scan3A_317 = %scan3A_200 to %scan3A_202 step %scan3A_203  : i32 {
      %mul3A_318 = arith.constant 16 : i32
      %mul3A_319 = arith.muli %scan3A_317, %mul3A_318 : i32
      %add3A_320 = arith.addi %mul3A_179, %mul3A_319 : i32
      %add3A_321 = arith.constant 3 : i32
      %add3A_322 = arith.addi %add3A_320, %add3A_321 : i32
      %get3A = arith.constant 7 : i32
      %get3A_323 = arith.index_cast %get3A : i32 to index
      %get3A_324 = arith.index_cast %add3A_322 : i32 to index
      %get3A_325 = tpu.vector_load %arg5[%get3A_323, %get3A_324] {strides = array<i32>} : memref<8x4224xf32, #tpu.memory_space<vmem>>, vector<16xf32>,
      %swap3A_326 = arith.constant 4 : i32
      %swap3A_327 = arith.index_cast %swap3A_326 : i32 to index
      %swap3A_328 = arith.index_cast %add3A_320 : i32 to index
      %swap3A_329 = tpu.vector_load %arg5[%swap3A_327, %swap3A_328] {strides = array<i32>} : memref<8x4224xf32, #tpu.memory_space<vmem>>, vector<16xf32>,
      tpu.vector_store %arg5[%swap3A_327, %swap3A_328], %get3A_325 {strides = array<i32>} : memref<8x4224xf32, #tpu.memory_space<vmem>>, vector<16xf32>,
      %scan3A_330 = arith.constant 1 : i32
      %scan3A_331 = arith.addi %scan3A_317, %scan3A_330 : i32
      %mul3A_332 = arith.constant 16 : i32
      %mul3A_333 = arith.muli %scan3A_331, %mul3A_332 : i32
      %add3A_334 = arith.addi %mul3A_179, %mul3A_333 : i32
      %add3A_335 = arith.constant 3 : i32
      %add3A_336 = arith.addi %add3A_334, %add3A_335 : i32
      %get3A_337 = arith.constant 7 : i32
      %get3A_338 = arith.index_cast %get3A_337 : i32 to index
      %get3A_339 = arith.index_cast %add3A_336 : i32 to index
      %get3A_340 = tpu.vector_load %arg5[%get3A_338, %get3A_339] {strides = array<i32>} : memref<8x4224xf32, #tpu.memory_space<vmem>>, vector<16xf32>,
      %swap3A_341 = arith.constant 4 : i32
      %swap3A_342 = arith.index_cast %swap3A_341 : i32 to index
      %swap3A_343 = arith.index_cast %add3A_334 : i32 to index
      %swap3A_344 = tpu.vector_load %arg5[%swap3A_342, %swap3A_343] {strides = array<i32>} : memref<8x4224xf32, #tpu.memory_space<vmem>>, vector<16xf32>,
      tpu.vector_store %arg5[%swap3A_342, %swap3A_343], %get3A_340 {strides = array<i32>} : memref<8x4224xf32, #tpu.memory_space<vmem>>, vector<16xf32>,
      %scan3A_345 = arith.constant 2 : i32
      %scan3A_346 = arith.addi %scan3A_317, %scan3A_345 : i32
      %mul3A_347 = arith.constant 16 : i32
      %mul3A_348 = arith.muli %scan3A_346, %mul3A_347 : i32
      %add3A_349 = arith.addi %mul3A_179, %mul3A_348 : i32
      %add3A_350 = arith.constant 3 : i32
      %add3A_351 = arith.addi %add3A_349, %add3A_350 : i32
      %get3A_352 = arith.constant 7 : i32
      %get3A_353 = arith.index_cast %get3A_352 : i32 to index
      %get3A_354 = arith.index_cast %add3A_351 : i32 to index
      %get3A_355 = tpu.vector_load %arg5[%get3A_353, %get3A_354] {strides = array<i32>} : memref<8x4224xf32, #tpu.memory_space<vmem>>, vector<16xf32>,
      %swap3A_356 = arith.constant 4 : i32
      %swap3A_357 = arith.index_cast %swap3A_356 : i32 to index
      %swap3A_358 = arith.index_cast %add3A_349 : i32 to index
      %swap3A_359 = tpu.vector_load %arg5[%swap3A_357, %swap3A_358] {strides = array<i32>} : memref<8x4224xf32, #tpu.memory_space<vmem>>, vector<16xf32>,
      tpu.vector_store %arg5[%swap3A_357, %swap3A_358], %get3A_355 {strides = array<i32>} : memref<8x4224xf32, #tpu.memory_space<vmem>>, vector<16xf32>,
      %scan3A_360 = arith.constant 3 : i32
      %scan3A_361 = arith.addi %scan3A_317, %scan3A_360 : i32
      %mul3A_362 = arith.constant 16 : i32
      %mul3A_363 = arith.muli %scan3A_361, %mul3A_362 : i32
      %add3A_364 = arith.addi %mul3A_179, %mul3A_363 : i32
      %add3A_365 = arith.constant 3 : i32
      %add3A_366 = arith.addi %add3A_364, %add3A_365 : i32
      %get3A_367 = arith.constant 7 : i32
      %get3A_368 = arith.index_cast %get3A_367 : i32 to index
      %get3A_369 = arith.index_cast %add3A_366 : i32 to index
      %get3A_370 = tpu.vector_load %arg5[%get3A_368, %get3A_369] {strides = array<i32>} : memref<8x4224xf32, #tpu.memory_space<vmem>>, vector<16xf32>,
      %swap3A_371 = arith.constant 4 : i32
      %swap3A_372 = arith.index_cast %swap3A_371 : i32 to index
      %swap3A_373 = arith.index_cast %add3A_364 : i32 to index
      %swap3A_374 = tpu.vector_load %arg5[%swap3A_372, %swap3A_373] {strides = array<i32>} : memref<8x4224xf32, #tpu.memory_space<vmem>>, vector<16xf32>,
      tpu.vector_store %arg5[%swap3A_372, %swap3A_373], %get3A_370 {strides = array<i32>} : memref<8x4224xf32, #tpu.memory_space<vmem>>, vector<16xf32>,
      %scan3A_375 = arith.constant 4 : i32
      %scan3A_376 = arith.addi %scan3A_317, %scan3A_375 : i32
      %mul3A_377 = arith.constant 16 : i32
      %mul3A_378 = arith.muli %scan3A_376, %mul3A_377 : i32
      %add3A_379 = arith.addi %mul3A_179, %mul3A_378 : i32
      %add3A_380 = arith.constant 3 : i32
      %add3A_381 = arith.addi %add3A_379, %add3A_380 : i32
      %get3A_382 = arith.constant 7 : i32
      %get3A_383 = arith.index_cast %get3A_382 : i32 to index
      %get3A_384 = arith.index_cast %add3A_381 : i32 to index
      %get3A_385 = tpu.vector_load %arg5[%get3A_383, %get3A_384] {strides = array<i32>} : memref<8x4224xf32, #tpu.memory_space<vmem>>, vector<16xf32>,
      %swap3A_386 = arith.constant 4 : i32
      %swap3A_387 = arith.index_cast %swap3A_386 : i32 to index
      %swap3A_388 = arith.index_cast %add3A_379 : i32 to index
      %swap3A_389 = tpu.vector_load %arg5[%swap3A_387, %swap3A_388] {strides = array<i32>} : memref<8x4224xf32, #tpu.memory_space<vmem>>, vector<16xf32>,
      tpu.vector_store %arg5[%swap3A_387, %swap3A_388], %get3A_385 {strides = array<i32>} : memref<8x4224xf32, #tpu.memory_space<vmem>>, vector<16xf32>,
      %scan3A_390 = arith.constant 5 : i32
      %scan3A_391 = arith.addi %scan3A_317, %scan3A_390 : i32
      %mul3A_392 = arith.constant 16 : i32
      %mul3A_393 = arith.muli %scan3A_391, %mul3A_392 : i32
      %add3A_394 = arith.addi %mul3A_179, %mul3A_393 : i32
      %add3A_395 = arith.constant 3 : i32
      %add3A_396 = arith.addi %add3A_394, %add3A_395 : i32
      %get3A_397 = arith.constant 7 : i32
      %get3A_398 = arith.index_cast %get3A_397 : i32 to index
      %get3A_399 = arith.index_cast %add3A_396 : i32 to index
      %get3A_400 = tpu.vector_load %arg5[%get3A_398, %get3A_399] {strides = array<i32>} : memref<8x4224xf32, #tpu.memory_space<vmem>>, vector<16xf32>,
      %swap3A_401 = arith.constant 4 : i32
      %swap3A_402 = arith.index_cast %swap3A_401 : i32 to index
      %swap3A_403 = arith.index_cast %add3A_394 : i32 to index
      %swap3A_404 = tpu.vector_load %arg5[%swap3A_402, %swap3A_403] {strides = array<i32>} : memref<8x4224xf32, #tpu.memory_space<vmem>>, vector<16xf32>,
      tpu.vector_store %arg5[%swap3A_402, %swap3A_403], %get3A_400 {strides = array<i32>} : memref<8x4224xf32, #tpu.memory_space<vmem>>, vector<16xf32>,
      %scan3A_405 = arith.constant 6 : i32
      %scan3A_406 = arith.addi %scan3A_317, %scan3A_405 : i32
      %mul3A_407 = arith.constant 16 : i32
      %mul3A_408 = arith.muli %scan3A_406, %mul3A_407 : i32
      %add3A_409 = arith.addi %mul3A_179, %mul3A_408 : i32
      %add3A_410 = arith.constant 3 : i32
      %add3A_411 = arith.addi %add3A_409, %add3A_410 : i32
      %get3A_412 = arith.constant 7 : i32
      %get3A_413 = arith.index_cast %get3A_412 : i32 to index
      %get3A_414 = arith.index_cast %add3A_411 : i32 to index
      %get3A_415 = tpu.vector_load %arg5[%get3A_413, %get3A_414] {strides = array<i32>} : memref<8x4224xf32, #tpu.memory_space<vmem>>, vector<16xf32>,
      %swap3A_416 = arith.constant 4 : i32
      %swap3A_417 = arith.index_cast %swap3A_416 : i32 to index
      %swap3A_418 = arith.index_cast %add3A_409 : i32 to index
      %swap3A_419 = tpu.vector_load %arg5[%swap3A_417, %swap3A_418] {strides = array<i32>} : memref<8x4224xf32, #tpu.memory_space<vmem>>, vector<16xf32>,
      tpu.vector_store %arg5[%swap3A_417, %swap3A_418], %get3A_415 {strides = array<i32>} : memref<8x4224xf32, #tpu.memory_space<vmem>>, vector<16xf32>,
      %scan3A_420 = arith.constant 7 : i32
      %scan3A_421 = arith.addi %scan3A_317, %scan3A_420 : i32
      %mul3A_422 = arith.constant 16 : i32
      %mul3A_423 = arith.muli %scan3A_421, %mul3A_422 : i32
      %add3A_424 = arith.addi %mul3A_179, %mul3A_423 : i32
      %add3A_425 = arith.constant 3 : i32
      %add3A_426 = arith.addi %add3A_424, %add3A_425 : i32
      %get3A_427 = arith.constant 7 : i32
      %get3A_428 = arith.index_cast %get3A_427 : i32 to index
      %get3A_429 = arith.index_cast %add3A_426 : i32 to index
      %get3A_430 = tpu.vector_load %arg5[%get3A_428, %get3A_429] {strides = array<i32>} : memref<8x4224xf32, #tpu.memory_space<vmem>>, vector<16xf32>,
      %swap3A_431 = arith.constant 4 : i32
      %swap3A_432 = arith.index_cast %swap3A_431 : i32 to index
      %swap3A_433 = arith.index_cast %add3A_424 : i32 to index
      %swap3A_434 = tpu.vector_load %arg5[%swap3A_432, %swap3A_433] {strides = array<i32>} : memref<8x4224xf32, #tpu.memory_space<vmem>>, vector<16xf32>,
      tpu.vector_store %arg5[%swap3A_432, %swap3A_433], %get3A_430 {strides = array<i32>} : memref<8x4224xf32, #tpu.memory_space<vmem>>, vector<16xf32>,
    }
    %scan3A_204 = arith.constant 192 : i32
    %scan3A_205 = arith.constant 0 : i32
    %scan3A_206 = arith.constant 192 : i32
    %scan3A_207 = arith.addi %scan3A_205, %scan3A_206 : i32
    %scan3A_208 = arith.constant 8 : i32
    scf.for %scan3A_317 = %scan3A_205 to %scan3A_207 step %scan3A_208  : i32 {
      %mul3A_318 = arith.constant 16 : i32
      %mul3A_319 = arith.muli %scan3A_317, %mul3A_318 : i32
      %add3A_320 = arith.addi %mul3A_179, %mul3A_319 : i32
      %add3A_321 = arith.constant 2 : i32
      %add3A_322 = arith.addi %add3A_320, %add3A_321 : i32
      %get3A = arith.constant 7 : i32
      %get3A_323 = arith.index_cast %get3A : i32 to index
      %get3A_324 = arith.index_cast %add3A_322 : i32 to index
      %get3A_325 = tpu.vector_load %arg5[%get3A_323, %get3A_324] {strides = array<i32>} : memref<8x4224xf32, #tpu.memory_space<vmem>>, vector<16xf32>,
      %swap3A_326 = arith.constant 5 : i32
      %swap3A_327 = arith.index_cast %swap3A_326 : i32 to index
      %swap3A_328 = arith.index_cast %add3A_320 : i32 to index
      %swap3A_329 = tpu.vector_load %arg5[%swap3A_327, %swap3A_328] {strides = array<i32>} : memref<8x4224xf32, #tpu.memory_space<vmem>>, vector<16xf32>,
      tpu.vector_store %arg5[%swap3A_327, %swap3A_328], %get3A_325 {strides = array<i32>} : memref<8x4224xf32, #tpu.memory_space<vmem>>, vector<16xf32>,
      %scan3A_330 = arith.constant 1 : i32
      %scan3A_331 = arith.addi %scan3A_317, %scan3A_330 : i32
      %mul3A_332 = arith.constant 16 : i32
      %mul3A_333 = arith.muli %scan3A_331, %mul3A_332 : i32
      %add3A_334 = arith.addi %mul3A_179, %mul3A_333 : i32
      %add3A_335 = arith.constant 2 : i32
      %add3A_336 = arith.addi %add3A_334, %add3A_335 : i32
      %get3A_337 = arith.constant 7 : i32
      %get3A_338 = arith.index_cast %get3A_337 : i32 to index
      %get3A_339 = arith.index_cast %add3A_336 : i32 to index
      %get3A_340 = tpu.vector_load %arg5[%get3A_338, %get3A_339] {strides = array<i32>} : memref<8x4224xf32, #tpu.memory_space<vmem>>, vector<16xf32>,
      %swap3A_341 = arith.constant 5 : i32
      %swap3A_342 = arith.index_cast %swap3A_341 : i32 to index
      %swap3A_343 = arith.index_cast %add3A_334 : i32 to index
      %swap3A_344 = tpu.vector_load %arg5[%swap3A_342, %swap3A_343] {strides = array<i32>} : memref<8x4224xf32, #tpu.memory_space<vmem>>, vector<16xf32>,
      tpu.vector_store %arg5[%swap3A_342, %swap3A_343], %get3A_340 {strides = array<i32>} : memref<8x4224xf32, #tpu.memory_space<vmem>>, vector<16xf32>,
      %scan3A_345 = arith.constant 2 : i32
      %scan3A_346 = arith.addi %scan3A_317, %scan3A_345 : i32
      %mul3A_347 = arith.constant 16 : i32
      %mul3A_348 = arith.muli %scan3A_346, %mul3A_347 : i32
      %add3A_349 = arith.addi %mul3A_179, %mul3A_348 : i32
      %add3A_350 = arith.constant 2 : i32
      %add3A_351 = arith.addi %add3A_349, %add3A_350 : i32
      %get3A_352 = arith.constant 7 : i32
      %get3A_353 = arith.index_cast %get3A_352 : i32 to index
      %get3A_354 = arith.index_cast %add3A_351 : i32 to index
      %get3A_355 = tpu.vector_load %arg5[%get3A_353, %get3A_354] {strides = array<i32>} : memref<8x4224xf32, #tpu.memory_space<vmem>>, vector<16xf32>,
      %swap3A_356 = arith.constant 5 : i32
      %swap3A_357 = arith.index_cast %swap3A_356 : i32 to index
      %swap3A_358 = arith.index_cast %add3A_349 : i32 to index
      %swap3A_359 = tpu.vector_load %arg5[%swap3A_357, %swap3A_358] {strides = array<i32>} : memref<8x4224xf32, #tpu.memory_space<vmem>>, vector<16xf32>,
      tpu.vector_store %arg5[%swap3A_357, %swap3A_358], %get3A_355 {strides = array<i32>} : memref<8x4224xf32, #tpu.memory_space<vmem>>, vector<16xf32>,
      %scan3A_360 = arith.constant 3 : i32
      %scan3A_361 = arith.addi %scan3A_317, %scan3A_360 : i32
      %mul3A_362 = arith.constant 16 : i32
      %mul3A_363 = arith.muli %scan3A_361, %mul3A_362 : i32
      %add3A_364 = arith.addi %mul3A_179, %mul3A_363 : i32
      %add3A_365 = arith.constant 2 : i32
      %add3A_366 = arith.addi %add3A_364, %add3A_365 : i32
      %get3A_367 = arith.constant 7 : i32
      %get3A_368 = arith.index_cast %get3A_367 : i32 to index
      %get3A_369 = arith.index_cast %add3A_366 : i32 to index
      %get3A_370 = tpu.vector_load %arg5[%get3A_368, %get3A_369] {strides = array<i32>} : memref<8x4224xf32, #tpu.memory_space<vmem>>, vector<16xf32>,
      %swap3A_371 = arith.constant 5 : i32
      %swap3A_372 = arith.index_cast %swap3A_371 : i32 to index
      %swap3A_373 = arith.index_cast %add3A_364 : i32 to index
      %swap3A_374 = tpu.vector_load %arg5[%swap3A_372, %swap3A_373] {strides = array<i32>} : memref<8x4224xf32, #tpu.memory_space<vmem>>, vector<16xf32>,
      tpu.vector_store %arg5[%swap3A_372, %swap3A_373], %get3A_370 {strides = array<i32>} : memref<8x4224xf32, #tpu.memory_space<vmem>>, vector<16xf32>,
      %scan3A_375 = arith.constant 4 : i32
      %scan3A_376 = arith.addi %scan3A_317, %scan3A_375 : i32
      %mul3A_377 = arith.constant 16 : i32
      %mul3A_378 = arith.muli %scan3A_376, %mul3A_377 : i32
      %add3A_379 = arith.addi %mul3A_179, %mul3A_378 : i32
      %add3A_380 = arith.constant 2 : i32
      %add3A_381 = arith.addi %add3A_379, %add3A_380 : i32
      %get3A_382 = arith.constant 7 : i32
      %get3A_383 = arith.index_cast %get3A_382 : i32 to index
      %get3A_384 = arith.index_cast %add3A_381 : i32 to index
      %get3A_385 = tpu.vector_load %arg5[%get3A_383, %get3A_384] {strides = array<i32>} : memref<8x4224xf32, #tpu.memory_space<vmem>>, vector<16xf32>,
      %swap3A_386 = arith.constant 5 : i32
      %swap3A_387 = arith.index_cast %swap3A_386 : i32 to index
      %swap3A_388 = arith.index_cast %add3A_379 : i32 to index
      %swap3A_389 = tpu.vector_load %arg5[%swap3A_387, %swap3A_388] {strides = array<i32>} : memref<8x4224xf32, #tpu.memory_space<vmem>>, vector<16xf32>,
      tpu.vector_store %arg5[%swap3A_387, %swap3A_388], %get3A_385 {strides = array<i32>} : memref<8x4224xf32, #tpu.memory_space<vmem>>, vector<16xf32>,
      %scan3A_390 = arith.constant 5 : i32
      %scan3A_391 = arith.addi %scan3A_317, %scan3A_390 : i32
      %mul3A_392 = arith.constant 16 : i32
      %mul3A_393 = arith.muli %scan3A_391, %mul3A_392 : i32
      %add3A_394 = arith.addi %mul3A_179, %mul3A_393 : i32
      %add3A_395 = arith.constant 2 : i32
      %add3A_396 = arith.addi %add3A_394, %add3A_395 : i32
      %get3A_397 = arith.constant 7 : i32
      %get3A_398 = arith.index_cast %get3A_397 : i32 to index
      %get3A_399 = arith.index_cast %add3A_396 : i32 to index
      %get3A_400 = tpu.vector_load %arg5[%get3A_398, %get3A_399] {strides = array<i32>} : memref<8x4224xf32, #tpu.memory_space<vmem>>, vector<16xf32>,
      %swap3A_401 = arith.constant 5 : i32
      %swap3A_402 = arith.index_cast %swap3A_401 : i32 to index
      %swap3A_403 = arith.index_cast %add3A_394 : i32 to index
      %swap3A_404 = tpu.vector_load %arg5[%swap3A_402, %swap3A_403] {strides = array<i32>} : memref<8x4224xf32, #tpu.memory_space<vmem>>, vector<16xf32>,
      tpu.vector_store %arg5[%swap3A_402, %swap3A_403], %get3A_400 {strides = array<i32>} : memref<8x4224xf32, #tpu.memory_space<vmem>>, vector<16xf32>,
      %scan3A_405 = arith.constant 6 : i32
      %scan3A_406 = arith.addi %scan3A_317, %scan3A_405 : i32
      %mul3A_407 = arith.constant 16 : i32
      %mul3A_408 = arith.muli %scan3A_406, %mul3A_407 : i32
      %add3A_409 = arith.addi %mul3A_179, %mul3A_408 : i32
      %add3A_410 = arith.constant 2 : i32
      %add3A_411 = arith.addi %add3A_409, %add3A_410 : i32
      %get3A_412 = arith.constant 7 : i32
      %get3A_413 = arith.index_cast %get3A_412 : i32 to index
      %get3A_414 = arith.index_cast %add3A_411 : i32 to index
      %get3A_415 = tpu.vector_load %arg5[%get3A_413, %get3A_414] {strides = array<i32>} : memref<8x4224xf32, #tpu.memory_space<vmem>>, vector<16xf32>,
      %swap3A_416 = arith.constant 5 : i32
      %swap3A_417 = arith.index_cast %swap3A_416 : i32 to index
      %swap3A_418 = arith.index_cast %add3A_409 : i32 to index
      %swap3A_419 = tpu.vector_load %arg5[%swap3A_417, %swap3A_418] {strides = array<i32>} : memref<8x4224xf32, #tpu.memory_space<vmem>>, vector<16xf32>,
      tpu.vector_store %arg5[%swap3A_417, %swap3A_418], %get3A_415 {strides = array<i32>} : memref<8x4224xf32, #tpu.memory_space<vmem>>, vector<16xf32>,
      %scan3A_420 = arith.constant 7 : i32
      %scan3A_421 = arith.addi %scan3A_317, %scan3A_420 : i32
      %mul3A_422 = arith.constant 16 : i32
      %mul3A_423 = arith.muli %scan3A_421, %mul3A_422 : i32
      %add3A_424 = arith.addi %mul3A_179, %mul3A_423 : i32
      %add3A_425 = arith.constant 2 : i32
      %add3A_426 = arith.addi %add3A_424, %add3A_425 : i32
      %get3A_427 = arith.constant 7 : i32
      %get3A_428 = arith.index_cast %get3A_427 : i32 to index
      %get3A_429 = arith.index_cast %add3A_426 : i32 to index
      %get3A_430 = tpu.vector_load %arg5[%get3A_428, %get3A_429] {strides = array<i32>} : memref<8x4224xf32, #tpu.memory_space<vmem>>, vector<16xf32>,
      %swap3A_431 = arith.constant 5 : i32
      %swap3A_432 = arith.index_cast %swap3A_431 : i32 to index
      %swap3A_433 = arith.index_cast %add3A_424 : i32 to index
      %swap3A_434 = tpu.vector_load %arg5[%swap3A_432, %swap3A_433] {strides = array<i32>} : memref<8x4224xf32, #tpu.memory_space<vmem>>, vector<16xf32>,
      tpu.vector_store %arg5[%swap3A_432, %swap3A_433], %get3A_430 {strides = array<i32>} : memref<8x4224xf32, #tpu.memory_space<vmem>>, vector<16xf32>,
    }
    %scan3A_209 = arith.constant 192 : i32
    %scan3A_210 = arith.constant 0 : i32
    %scan3A_211 = arith.constant 192 : i32
    %scan3A_212 = arith.addi %scan3A_210, %scan3A_211 : i32
    %scan3A_213 = arith.constant 8 : i32
    scf.for %scan3A_317 = %scan3A_210 to %scan3A_212 step %scan3A_213  : i32 {
      %mul3A_318 = arith.constant 16 : i32
      %mul3A_319 = arith.muli %scan3A_317, %mul3A_318 : i32
      %add3A_320 = arith.addi %mul3A_179, %mul3A_319 : i32
      %add3A_321 = arith.constant 1 : i32
      %add3A_322 = arith.addi %add3A_320, %add3A_321 : i32
      %get3A = arith.constant 7 : i32
      %get3A_323 = arith.index_cast %get3A : i32 to index
      %get3A_324 = arith.index_cast %add3A_322 : i32 to index
      %get3A_325 = tpu.vector_load %arg5[%get3A_323, %get3A_324] {strides = array<i32>} : memref<8x4224xf32, #tpu.memory_space<vmem>>, vector<16xf32>,
      %swap3A_326 = arith.constant 6 : i32
      %swap3A_327 = arith.index_cast %swap3A_326 : i32 to index
      %swap3A_328 = arith.index_cast %add3A_320 : i32 to index
      %swap3A_329 = tpu.vector_load %arg5[%swap3A_327, %swap3A_328] {strides = array<i32>} : memref<8x4224xf32, #tpu.memory_space<vmem>>, vector<16xf32>,
      tpu.vector_store %arg5[%swap3A_327, %swap3A_328], %get3A_325 {strides = array<i32>} : memref<8x4224xf32, #tpu.memory_space<vmem>>, vector<16xf32>,
      %scan3A_330 = arith.constant 1 : i32
      %scan3A_331 = arith.addi %scan3A_317, %scan3A_330 : i32
      %mul3A_332 = arith.constant 16 : i32
      %mul3A_333 = arith.muli %scan3A_331, %mul3A_332 : i32
      %add3A_334 = arith.addi %mul3A_179, %mul3A_333 : i32
      %add3A_335 = arith.constant 1 : i32
      %add3A_336 = arith.addi %add3A_334, %add3A_335 : i32
      %get3A_337 = arith.constant 7 : i32
      %get3A_338 = arith.index_cast %get3A_337 : i32 to index
      %get3A_339 = arith.index_cast %add3A_336 : i32 to index
      %get3A_340 = tpu.vector_load %arg5[%get3A_338, %get3A_339] {strides = array<i32>} : memref<8x4224xf32, #tpu.memory_space<vmem>>, vector<16xf32>,
      %swap3A_341 = arith.constant 6 : i32
      %swap3A_342 = arith.index_cast %swap3A_341 : i32 to index
      %swap3A_343 = arith.index_cast %add3A_334 : i32 to index
      %swap3A_344 = tpu.vector_load %arg5[%swap3A_342, %swap3A_343] {strides = array<i32>} : memref<8x4224xf32, #tpu.memory_space<vmem>>, vector<16xf32>,
      tpu.vector_store %arg5[%swap3A_342, %swap3A_343], %get3A_340 {strides = array<i32>} : memref<8x4224xf32, #tpu.memory_space<vmem>>, vector<16xf32>,
      %scan3A_345 = arith.constant 2 : i32
      %scan3A_346 = arith.addi %scan3A_317, %scan3A_345 : i32
      %mul3A_347 = arith.constant 16 : i32
      %mul3A_348 = arith.muli %scan3A_346, %mul3A_347 : i32
      %add3A_349 = arith.addi %mul3A_179, %mul3A_348 : i32
      %add3A_350 = arith.constant 1 : i32
      %add3A_351 = arith.addi %add3A_349, %add3A_350 : i32
      %get3A_352 = arith.constant 7 : i32
      %get3A_353 = arith.index_cast %get3A_352 : i32 to index
      %get3A_354 = arith.index_cast %add3A_351 : i32 to index
      %get3A_355 = tpu.vector_load %arg5[%get3A_353, %get3A_354] {strides = array<i32>} : memref<8x4224xf32, #tpu.memory_space<vmem>>, vector<16xf32>,
      %swap3A_356 = arith.constant 6 : i32
      %swap3A_357 = arith.index_cast %swap3A_356 : i32 to index
      %swap3A_358 = arith.index_cast %add3A_349 : i32 to index
      %swap3A_359 = tpu.vector_load %arg5[%swap3A_357, %swap3A_358] {strides = array<i32>} : memref<8x4224xf32, #tpu.memory_space<vmem>>, vector<16xf32>,
      tpu.vector_store %arg5[%swap3A_357, %swap3A_358], %get3A_355 {strides = array<i32>} : memref<8x4224xf32, #tpu.memory_space<vmem>>, vector<16xf32>,
      %scan3A_360 = arith.constant 3 : i32
      %scan3A_361 = arith.addi %scan3A_317, %scan3A_360 : i32
      %mul3A_362 = arith.constant 16 : i32
      %mul3A_363 = arith.muli %scan3A_361, %mul3A_362 : i32
      %add3A_364 = arith.addi %mul3A_179, %mul3A_363 : i32
      %add3A_365 = arith.constant 1 : i32
      %add3A_366 = arith.addi %add3A_364, %add3A_365 : i32
      %get3A_367 = arith.constant 7 : i32
      %get3A_368 = arith.index_cast %get3A_367 : i32 to index
      %get3A_369 = arith.index_cast %add3A_366 : i32 to index
      %get3A_370 = tpu.vector_load %arg5[%get3A_368, %get3A_369] {strides = array<i32>} : memref<8x4224xf32, #tpu.memory_space<vmem>>, vector<16xf32>,
      %swap3A_371 = arith.constant 6 : i32
      %swap3A_372 = arith.index_cast %swap3A_371 : i32 to index
      %swap3A_373 = arith.index_cast %add3A_364 : i32 to index
      %swap3A_374 = tpu.vector_load %arg5[%swap3A_372, %swap3A_373] {strides = array<i32>} : memref<8x4224xf32, #tpu.memory_space<vmem>>, vector<16xf32>,
      tpu.vector_store %arg5[%swap3A_372, %swap3A_373], %get3A_370 {strides = array<i32>} : memref<8x4224xf32, #tpu.memory_space<vmem>>, vector<16xf32>,
      %scan3A_375 = arith.constant 4 : i32
      %scan3A_376 = arith.addi %scan3A_317, %scan3A_375 : i32
      %mul3A_377 = arith.constant 16 : i32
      %mul3A_378 = arith.muli %scan3A_376, %mul3A_377 : i32
      %add3A_379 = arith.addi %mul3A_179, %mul3A_378 : i32
      %add3A_380 = arith.constant 1 : i32
      %add3A_381 = arith.addi %add3A_379, %add3A_380 : i32
      %get3A_382 = arith.constant 7 : i32
      %get3A_383 = arith.index_cast %get3A_382 : i32 to index
      %get3A_384 = arith.index_cast %add3A_381 : i32 to index
      %get3A_385 = tpu.vector_load %arg5[%get3A_383, %get3A_384] {strides = array<i32>} : memref<8x4224xf32, #tpu.memory_space<vmem>>, vector<16xf32>,
      %swap3A_386 = arith.constant 6 : i32
      %swap3A_387 = arith.index_cast %swap3A_386 : i32 to index
      %swap3A_388 = arith.index_cast %add3A_379 : i32 to index
      %swap3A_389 = tpu.vector_load %arg5[%swap3A_387, %swap3A_388] {strides = array<i32>} : memref<8x4224xf32, #tpu.memory_space<vmem>>, vector<16xf32>,
      tpu.vector_store %arg5[%swap3A_387, %swap3A_388], %get3A_385 {strides = array<i32>} : memref<8x4224xf32, #tpu.memory_space<vmem>>, vector<16xf32>,
      %scan3A_390 = arith.constant 5 : i32
      %scan3A_391 = arith.addi %scan3A_317, %scan3A_390 : i32
      %mul3A_392 = arith.constant 16 : i32
      %mul3A_393 = arith.muli %scan3A_391, %mul3A_392 : i32
      %add3A_394 = arith.addi %mul3A_179, %mul3A_393 : i32
      %add3A_395 = arith.constant 1 : i32
      %add3A_396 = arith.addi %add3A_394, %add3A_395 : i32
      %get3A_397 = arith.constant 7 : i32
      %get3A_398 = arith.index_cast %get3A_397 : i32 to index
      %get3A_399 = arith.index_cast %add3A_396 : i32 to index
      %get3A_400 = tpu.vector_load %arg5[%get3A_398, %get3A_399] {strides = array<i32>} : memref<8x4224xf32, #tpu.memory_space<vmem>>, vector<16xf32>,
      %swap3A_401 = arith.constant 6 : i32
      %swap3A_402 = arith.index_cast %swap3A_401 : i32 to index
      %swap3A_403 = arith.index_cast %add3A_394 : i32 to index
      %swap3A_404 = tpu.vector_load %arg5[%swap3A_402, %swap3A_403] {strides = array<i32>} : memref<8x4224xf32, #tpu.memory_space<vmem>>, vector<16xf32>,
      tpu.vector_store %arg5[%swap3A_402, %swap3A_403], %get3A_400 {strides = array<i32>} : memref<8x4224xf32, #tpu.memory_space<vmem>>, vector<16xf32>,
      %scan3A_405 = arith.constant 6 : i32
      %scan3A_406 = arith.addi %scan3A_317, %scan3A_405 : i32
      %mul3A_407 = arith.constant 16 : i32
      %mul3A_408 = arith.muli %scan3A_406, %mul3A_407 : i32
      %add3A_409 = arith.addi %mul3A_179, %mul3A_408 : i32
      %add3A_410 = arith.constant 1 : i32
      %add3A_411 = arith.addi %add3A_409, %add3A_410 : i32
      %get3A_412 = arith.constant 7 : i32
      %get3A_413 = arith.index_cast %get3A_412 : i32 to index
      %get3A_414 = arith.index_cast %add3A_411 : i32 to index
      %get3A_415 = tpu.vector_load %arg5[%get3A_413, %get3A_414] {strides = array<i32>} : memref<8x4224xf32, #tpu.memory_space<vmem>>, vector<16xf32>,
      %swap3A_416 = arith.constant 6 : i32
      %swap3A_417 = arith.index_cast %swap3A_416 : i32 to index
      %swap3A_418 = arith.index_cast %add3A_409 : i32 to index
      %swap3A_419 = tpu.vector_load %arg5[%swap3A_417, %swap3A_418] {strides = array<i32>} : memref<8x4224xf32, #tpu.memory_space<vmem>>, vector<16xf32>,
      tpu.vector_store %arg5[%swap3A_417, %swap3A_418], %get3A_415 {strides = array<i32>} : memref<8x4224xf32, #tpu.memory_space<vmem>>, vector<16xf32>,
      %scan3A_420 = arith.constant 7 : i32
      %scan3A_421 = arith.addi %scan3A_317, %scan3A_420 : i32
      %mul3A_422 = arith.constant 16 : i32
      %mul3A_423 = arith.muli %scan3A_421, %mul3A_422 : i32
      %add3A_424 = arith.addi %mul3A_179, %mul3A_423 : i32
      %add3A_425 = arith.constant 1 : i32
      %add3A_426 = arith.addi %add3A_424, %add3A_425 : i32
      %get3A_427 = arith.constant 7 : i32
      %get3A_428 = arith.index_cast %get3A_427 : i32 to index
      %get3A_429 = arith.index_cast %add3A_426 : i32 to index
      %get3A_430 = tpu.vector_load %arg5[%get3A_428, %get3A_429] {strides = array<i32>} : memref<8x4224xf32, #tpu.memory_space<vmem>>, vector<16xf32>,
      %swap3A_431 = arith.constant 6 : i32
      %swap3A_432 = arith.index_cast %swap3A_431 : i32 to index
      %swap3A_433 = arith.index_cast %add3A_424 : i32 to index
      %swap3A_434 = tpu.vector_load %arg5[%swap3A_432, %swap3A_433] {strides = array<i32>} : memref<8x4224xf32, #tpu.memory_space<vmem>>, vector<16xf32>,
      tpu.vector_store %arg5[%swap3A_432, %swap3A_433], %get3A_430 {strides = array<i32>} : memref<8x4224xf32, #tpu.memory_space<vmem>>, vector<16xf32>,
    }
    %scan3A_214 = arith.constant 192 : i32
    %mul3A_215 = arith.constant 128 : i32
    %mul3A_216 = arith.muli %select_n3A_30, %mul3A_215 : i32
    %scan3A_217 = arith.constant 0 : i32
    %scan3A_218 = arith.constant 128 : i32
    %scan3A_219 = arith.addi %scan3A_217, %scan3A_218 : i32
    %scan3A_220 = arith.constant 1 : i32
    scf.for %scan3A_317 = %scan3A_217 to %scan3A_219 step %scan3A_220  : i32 {
      %mul3A_318 = arith.constant 8 : i32
      %mul3A_319 = arith.muli %scan3A_317, %mul3A_318 : i32
      %add3A_320 = arith.addi %mul3A_32, %mul3A_319 : i32
      %add3A_321 = arith.addi %mul3A_216, %scan3A_317 : i32
      %sub3A_322 = arith.constant 2040 : i32
      %sub3A_323 = arith.subi %sub3A_322, %add3A_320 : i32
      %add3A_324 = arith.constant 0 : i32
      %add3A_325 = arith.addi %sub3A_323, %add3A_324 : i32
      %dma_start3A = arith.constant 0 : i32
      %dma_start3A_326 = arith.constant 0 : i32
      %dma_start3A_327 = tpu.memref_slice %arg5[%dma_start3A_326, %add3A_325] : memref<8x4224xf32, #tpu.memory_space<vmem>> -> memref<8x128xf32, #tpu.memory_space<vmem>>
      %dma_start3A_328 = arith.constant 0 : i32
      %dma_start3A_329 = arith.constant 0 : i32
      %dma_start3A_330 = tpu.memref_slice %arg3[%select_n3A, %add3A_321, %dma_start3A, %dma_start3A_328, %dma_start3A_329] : memref<16x256x16x8x128xf32, #tpu.memory_space<hbm>> -> memref<1x1x1x8x128xf32, #tpu.memory_space<hbm>>
      %dma_start3A_331 = tpu.memref_squeeze %dma_start3A_330 : memref<1x1x1x8x128xf32, #tpu.memory_space<hbm>> -> memref<8x128xf32, #tpu.memory_space<hbm>>
      %dma_start3A_332 = arith.constant 0 : i32
      %dma_start3A_333 = arith.constant 0 : i32
      %dma_start3A_334 = tpu.memref_slice %arg3[%select_n3A, %add3A_321, %dma_start3A, %dma_start3A_332, %dma_start3A_333] : memref<16x256x16x8x128xf32, #tpu.memory_space<hbm>> -> memref<1x1x1x8x128xf32, #tpu.memory_space<hbm>>
      %dma_start3A_335 = tpu.memref_squeeze %dma_start3A_334 : memref<1x1x1x8x128xf32, #tpu.memory_space<hbm>> -> memref<8x128xf32, #tpu.memory_space<hbm>>
      %dma_start3A_336 = arith.constant 0 : i32
      %dma_start3A_337 = tpu.memref_slice %arg5[%dma_start3A_336, %add3A_325] : memref<8x4224xf32, #tpu.memory_space<vmem>> -> memref<8x128xf32, #tpu.memory_space<vmem>>
      tpu.enqueue_dma source(%dma_start3A_337 : memref<8x128xf32, #tpu.memory_space<vmem>>) target(%dma_start3A_335 : memref<8x128xf32, #tpu.memory_space<hbm>>) target_semaphore(%arg7 : memref<!tpu.dma_semaphore, #tpu.memory_space<semaphore_mem>>)
      %add3A_338 = arith.constant 128 : i32
      %add3A_339 = arith.addi %sub3A_323, %add3A_338 : i32
      %dma_start3A_340 = arith.constant 1 : i32
      %dma_start3A_341 = arith.constant 0 : i32
      %dma_start3A_342 = tpu.memref_slice %arg5[%dma_start3A_341, %add3A_339] : memref<8x4224xf32, #tpu.memory_space<vmem>> -> memref<8x128xf32, #tpu.memory_space<vmem>>
      %dma_start3A_343 = arith.constant 0 : i32
      %dma_start3A_344 = arith.constant 0 : i32
      %dma_start3A_345 = tpu.memref_slice %arg3[%select_n3A, %add3A_321, %dma_start3A_340, %dma_start3A_343, %dma_start3A_344] : memref<16x256x16x8x128xf32, #tpu.memory_space<hbm>> -> memref<1x1x1x8x128xf32, #tpu.memory_space<hbm>>
      %dma_start3A_346 = tpu.memref_squeeze %dma_start3A_345 : memref<1x1x1x8x128xf32, #tpu.memory_space<hbm>> -> memref<8x128xf32, #tpu.memory_space<hbm>>
      %dma_start3A_347 = arith.constant 0 : i32
      %dma_start3A_348 = arith.constant 0 : i32
      %dma_start3A_349 = tpu.memref_slice %arg3[%select_n3A, %add3A_321, %dma_start3A_340, %dma_start3A_347, %dma_start3A_348] : memref<16x256x16x8x128xf32, #tpu.memory_space<hbm>> -> memref<1x1x1x8x128xf32, #tpu.memory_space<hbm>>
      %dma_start3A_350 = tpu.memref_squeeze %dma_start3A_349 : memref<1x1x1x8x128xf32, #tpu.memory_space<hbm>> -> memref<8x128xf32, #tpu.memory_space<hbm>>
      %dma_start3A_351 = arith.constant 0 : i32
      %dma_start3A_352 = tpu.memref_slice %arg5[%dma_start3A_351, %add3A_339] : memref<8x4224xf32, #tpu.memory_space<vmem>> -> memref<8x128xf32, #tpu.memory_space<vmem>>
      tpu.enqueue_dma source(%dma_start3A_352 : memref<8x128xf32, #tpu.memory_space<vmem>>) target(%dma_start3A_350 : memref<8x128xf32, #tpu.memory_space<hbm>>) target_semaphore(%arg7 : memref<!tpu.dma_semaphore, #tpu.memory_space<semaphore_mem>>)
      %add3A_353 = arith.constant 256 : i32
      %add3A_354 = arith.addi %sub3A_323, %add3A_353 : i32
      %dma_start3A_355 = arith.constant 2 : i32
      %dma_start3A_356 = arith.constant 0 : i32
      %dma_start3A_357 = tpu.memref_slice %arg5[%dma_start3A_356, %add3A_354] : memref<8x4224xf32, #tpu.memory_space<vmem>> -> memref<8x128xf32, #tpu.memory_space<vmem>>
      %dma_start3A_358 = arith.constant 0 : i32
      %dma_start3A_359 = arith.constant 0 : i32
      %dma_start3A_360 = tpu.memref_slice %arg3[%select_n3A, %add3A_321, %dma_start3A_355, %dma_start3A_358, %dma_start3A_359] : memref<16x256x16x8x128xf32, #tpu.memory_space<hbm>> -> memref<1x1x1x8x128xf32, #tpu.memory_space<hbm>>
      %dma_start3A_361 = tpu.memref_squeeze %dma_start3A_360 : memref<1x1x1x8x128xf32, #tpu.memory_space<hbm>> -> memref<8x128xf32, #tpu.memory_space<hbm>>
      %dma_start3A_362 = arith.constant 0 : i32
      %dma_start3A_363 = arith.constant 0 : i32
      %dma_start3A_364 = tpu.memref_slice %arg3[%select_n3A, %add3A_321, %dma_start3A_355, %dma_start3A_362, %dma_start3A_363] : memref<16x256x16x8x128xf32, #tpu.memory_space<hbm>> -> memref<1x1x1x8x128xf32, #tpu.memory_space<hbm>>
      %dma_start3A_365 = tpu.memref_squeeze %dma_start3A_364 : memref<1x1x1x8x128xf32, #tpu.memory_space<hbm>> -> memref<8x128xf32, #tpu.memory_space<hbm>>
      %dma_start3A_366 = arith.constant 0 : i32
      %dma_start3A_367 = tpu.memref_slice %arg5[%dma_start3A_366, %add3A_354] : memref<8x4224xf32, #tpu.memory_space<vmem>> -> memref<8x128xf32, #tpu.memory_space<vmem>>
      tpu.enqueue_dma source(%dma_start3A_367 : memref<8x128xf32, #tpu.memory_space<vmem>>) target(%dma_start3A_365 : memref<8x128xf32, #tpu.memory_space<hbm>>) target_semaphore(%arg7 : memref<!tpu.dma_semaphore, #tpu.memory_space<semaphore_mem>>)
      %add3A_368 = arith.constant 384 : i32
      %add3A_369 = arith.addi %sub3A_323, %add3A_368 : i32
      %dma_start3A_370 = arith.constant 3 : i32
      %dma_start3A_371 = arith.constant 0 : i32
      %dma_start3A_372 = tpu.memref_slice %arg5[%dma_start3A_371, %add3A_369] : memref<8x4224xf32, #tpu.memory_space<vmem>> -> memref<8x128xf32, #tpu.memory_space<vmem>>
      %dma_start3A_373 = arith.constant 0 : i32
      %dma_start3A_374 = arith.constant 0 : i32
      %dma_start3A_375 = tpu.memref_slice %arg3[%select_n3A, %add3A_321, %dma_start3A_370, %dma_start3A_373, %dma_start3A_374] : memref<16x256x16x8x128xf32, #tpu.memory_space<hbm>> -> memref<1x1x1x8x128xf32, #tpu.memory_space<hbm>>
      %dma_start3A_376 = tpu.memref_squeeze %dma_start3A_375 : memref<1x1x1x8x128xf32, #tpu.memory_space<hbm>> -> memref<8x128xf32, #tpu.memory_space<hbm>>
      %dma_start3A_377 = arith.constant 0 : i32
      %dma_start3A_378 = arith.constant 0 : i32
      %dma_start3A_379 = tpu.memref_slice %arg3[%select_n3A, %add3A_321, %dma_start3A_370, %dma_start3A_377, %dma_start3A_378] : memref<16x256x16x8x128xf32, #tpu.memory_space<hbm>> -> memref<1x1x1x8x128xf32, #tpu.memory_space<hbm>>
      %dma_start3A_380 = tpu.memref_squeeze %dma_start3A_379 : memref<1x1x1x8x128xf32, #tpu.memory_space<hbm>> -> memref<8x128xf32, #tpu.memory_space<hbm>>
      %dma_start3A_381 = arith.constant 0 : i32
      %dma_start3A_382 = tpu.memref_slice %arg5[%dma_start3A_381, %add3A_369] : memref<8x4224xf32, #tpu.memory_space<vmem>> -> memref<8x128xf32, #tpu.memory_space<vmem>>
      tpu.enqueue_dma source(%dma_start3A_382 : memref<8x128xf32, #tpu.memory_space<vmem>>) target(%dma_start3A_380 : memref<8x128xf32, #tpu.memory_space<hbm>>) target_semaphore(%arg7 : memref<!tpu.dma_semaphore, #tpu.memory_space<semaphore_mem>>)
      %add3A_383 = arith.constant 512 : i32
      %add3A_384 = arith.addi %sub3A_323, %add3A_383 : i32
      %dma_start3A_385 = arith.constant 4 : i32
      %dma_start3A_386 = arith.constant 0 : i32
      %dma_start3A_387 = tpu.memref_slice %arg5[%dma_start3A_386, %add3A_384] : memref<8x4224xf32, #tpu.memory_space<vmem>> -> memref<8x128xf32, #tpu.memory_space<vmem>>
      %dma_start3A_388 = arith.constant 0 : i32
      %dma_start3A_389 = arith.constant 0 : i32
      %dma_start3A_390 = tpu.memref_slice %arg3[%select_n3A, %add3A_321, %dma_start3A_385, %dma_start3A_388, %dma_start3A_389] : memref<16x256x16x8x128xf32, #tpu.memory_space<hbm>> -> memref<1x1x1x8x128xf32, #tpu.memory_space<hbm>>
      %dma_start3A_391 = tpu.memref_squeeze %dma_start3A_390 : memref<1x1x1x8x128xf32, #tpu.memory_space<hbm>> -> memref<8x128xf32, #tpu.memory_space<hbm>>
      %dma_start3A_392 = arith.constant 0 : i32
      %dma_start3A_393 = arith.constant 0 : i32
      %dma_start3A_394 = tpu.memref_slice %arg3[%select_n3A, %add3A_321, %dma_start3A_385, %dma_start3A_392, %dma_start3A_393] : memref<16x256x16x8x128xf32, #tpu.memory_space<hbm>> -> memref<1x1x1x8x128xf32, #tpu.memory_space<hbm>>
      %dma_start3A_395 = tpu.memref_squeeze %dma_start3A_394 : memref<1x1x1x8x128xf32, #tpu.memory_space<hbm>> -> memref<8x128xf32, #tpu.memory_space<hbm>>
      %dma_start3A_396 = arith.constant 0 : i32
      %dma_start3A_397 = tpu.memref_slice %arg5[%dma_start3A_396, %add3A_384] : memref<8x4224xf32, #tpu.memory_space<vmem>> -> memref<8x128xf32, #tpu.memory_space<vmem>>
      tpu.enqueue_dma source(%dma_start3A_397 : memref<8x128xf32, #tpu.memory_space<vmem>>) target(%dma_start3A_395 : memref<8x128xf32, #tpu.memory_space<hbm>>) target_semaphore(%arg7 : memref<!tpu.dma_semaphore, #tpu.memory_space<semaphore_mem>>)
      %add3A_398 = arith.constant 640 : i32
      %add3A_399 = arith.addi %sub3A_323, %add3A_398 : i32
      %dma_start3A_400 = arith.constant 5 : i32
      %dma_start3A_401 = arith.constant 0 : i32
      %dma_start3A_402 = tpu.memref_slice %arg5[%dma_start3A_401, %add3A_399] : memref<8x4224xf32, #tpu.memory_space<vmem>> -> memref<8x128xf32, #tpu.memory_space<vmem>>
      %dma_start3A_403 = arith.constant 0 : i32
      %dma_start3A_404 = arith.constant 0 : i32
      %dma_start3A_405 = tpu.memref_slice %arg3[%select_n3A, %add3A_321, %dma_start3A_400, %dma_start3A_403, %dma_start3A_404] : memref<16x256x16x8x128xf32, #tpu.memory_space<hbm>> -> memref<1x1x1x8x128xf32, #tpu.memory_space<hbm>>
      %dma_start3A_406 = tpu.memref_squeeze %dma_start3A_405 : memref<1x1x1x8x128xf32, #tpu.memory_space<hbm>> -> memref<8x128xf32, #tpu.memory_space<hbm>>
      %dma_start3A_407 = arith.constant 0 : i32
      %dma_start3A_408 = arith.constant 0 : i32
      %dma_start3A_409 = tpu.memref_slice %arg3[%select_n3A, %add3A_321, %dma_start3A_400, %dma_start3A_407, %dma_start3A_408] : memref<16x256x16x8x128xf32, #tpu.memory_space<hbm>> -> memref<1x1x1x8x128xf32, #tpu.memory_space<hbm>>
      %dma_start3A_410 = tpu.memref_squeeze %dma_start3A_409 : memref<1x1x1x8x128xf32, #tpu.memory_space<hbm>> -> memref<8x128xf32, #tpu.memory_space<hbm>>
      %dma_start3A_411 = arith.constant 0 : i32
      %dma_start3A_412 = tpu.memref_slice %arg5[%dma_start3A_411, %add3A_399] : memref<8x4224xf32, #tpu.memory_space<vmem>> -> memref<8x128xf32, #tpu.memory_space<vmem>>
      tpu.enqueue_dma source(%dma_start3A_412 : memref<8x128xf32, #tpu.memory_space<vmem>>) target(%dma_start3A_410 : memref<8x128xf32, #tpu.memory_space<hbm>>) target_semaphore(%arg7 : memref<!tpu.dma_semaphore, #tpu.memory_space<semaphore_mem>>)
      %add3A_413 = arith.constant 768 : i32
      %add3A_414 = arith.addi %sub3A_323, %add3A_413 : i32
      %dma_start3A_415 = arith.constant 6 : i32
      %dma_start3A_416 = arith.constant 0 : i32
      %dma_start3A_417 = tpu.memref_slice %arg5[%dma_start3A_416, %add3A_414] : memref<8x4224xf32, #tpu.memory_space<vmem>> -> memref<8x128xf32, #tpu.memory_space<vmem>>
      %dma_start3A_418 = arith.constant 0 : i32
      %dma_start3A_419 = arith.constant 0 : i32
      %dma_start3A_420 = tpu.memref_slice %arg3[%select_n3A, %add3A_321, %dma_start3A_415, %dma_start3A_418, %dma_start3A_419] : memref<16x256x16x8x128xf32, #tpu.memory_space<hbm>> -> memref<1x1x1x8x128xf32, #tpu.memory_space<hbm>>
      %dma_start3A_421 = tpu.memref_squeeze %dma_start3A_420 : memref<1x1x1x8x128xf32, #tpu.memory_space<hbm>> -> memref<8x128xf32, #tpu.memory_space<hbm>>
      %dma_start3A_422 = arith.constant 0 : i32
      %dma_start3A_423 = arith.constant 0 : i32
      %dma_start3A_424 = tpu.memref_slice %arg3[%select_n3A, %add3A_321, %dma_start3A_415, %dma_start3A_422, %dma_start3A_423] : memref<16x256x16x8x128xf32, #tpu.memory_space<hbm>> -> memref<1x1x1x8x128xf32, #tpu.memory_space<hbm>>
      %dma_start3A_425 = tpu.memref_squeeze %dma_start3A_424 : memref<1x1x1x8x128xf32, #tpu.memory_space<hbm>> -> memref<8x128xf32, #tpu.memory_space<hbm>>
      %dma_start3A_426 = arith.constant 0 : i32
      %dma_start3A_427 = tpu.memref_slice %arg5[%dma_start3A_426, %add3A_414] : memref<8x4224xf32, #tpu.memory_space<vmem>> -> memref<8x128xf32, #tpu.memory_space<vmem>>
      tpu.enqueue_dma source(%dma_start3A_427 : memref<8x128xf32, #tpu.memory_space<vmem>>) target(%dma_start3A_425 : memref<8x128xf32, #tpu.memory_space<hbm>>) target_semaphore(%arg7 : memref<!tpu.dma_semaphore, #tpu.memory_space<semaphore_mem>>)
      %add3A_428 = arith.constant 896 : i32
      %add3A_429 = arith.addi %sub3A_323, %add3A_428 : i32
      %dma_start3A_430 = arith.constant 7 : i32
      %dma_start3A_431 = arith.constant 0 : i32
      %dma_start3A_432 = tpu.memref_slice %arg5[%dma_start3A_431, %add3A_429] : memref<8x4224xf32, #tpu.memory_space<vmem>> -> memref<8x128xf32, #tpu.memory_space<vmem>>
      %dma_start3A_433 = arith.constant 0 : i32
      %dma_start3A_434 = arith.constant 0 : i32
      %dma_start3A_435 = tpu.memref_slice %arg3[%select_n3A, %add3A_321, %dma_start3A_430, %dma_start3A_433, %dma_start3A_434] : memref<16x256x16x8x128xf32, #tpu.memory_space<hbm>> -> memref<1x1x1x8x128xf32, #tpu.memory_space<hbm>>
      %dma_start3A_436 = tpu.memref_squeeze %dma_start3A_435 : memref<1x1x1x8x128xf32, #tpu.memory_space<hbm>> -> memref<8x128xf32, #tpu.memory_space<hbm>>
      %dma_start3A_437 = arith.constant 0 : i32
      %dma_start3A_438 = arith.constant 0 : i32
      %dma_start3A_439 = tpu.memref_slice %arg3[%select_n3A, %add3A_321, %dma_start3A_430, %dma_start3A_437, %dma_start3A_438] : memref<16x256x16x8x128xf32, #tpu.memory_space<hbm>> -> memref<1x1x1x8x128xf32, #tpu.memory_space<hbm>>
      %dma_start3A_440 = tpu.memref_squeeze %dma_start3A_439 : memref<1x1x1x8x128xf32, #tpu.memory_space<hbm>> -> memref<8x128xf32, #tpu.memory_space<hbm>>
      %dma_start3A_441 = arith.constant 0 : i32
      %dma_start3A_442 = tpu.memref_slice %arg5[%dma_start3A_441, %add3A_429] : memref<8x4224xf32, #tpu.memory_space<vmem>> -> memref<8x128xf32, #tpu.memory_space<vmem>>
      tpu.enqueue_dma source(%dma_start3A_442 : memref<8x128xf32, #tpu.memory_space<vmem>>) target(%dma_start3A_440 : memref<8x128xf32, #tpu.memory_space<hbm>>) target_semaphore(%arg7 : memref<!tpu.dma_semaphore, #tpu.memory_space<semaphore_mem>>)
      %add3A_443 = arith.constant 1024 : i32
      %add3A_444 = arith.addi %sub3A_323, %add3A_443 : i32
      %dma_start3A_445 = arith.constant 8 : i32
      %dma_start3A_446 = arith.constant 0 : i32
      %dma_start3A_447 = tpu.memref_slice %arg5[%dma_start3A_446, %add3A_444] : memref<8x4224xf32, #tpu.memory_space<vmem>> -> memref<8x128xf32, #tpu.memory_space<vmem>>
      %dma_start3A_448 = arith.constant 0 : i32
      %dma_start3A_449 = arith.constant 0 : i32
      %dma_start3A_450 = tpu.memref_slice %arg3[%select_n3A, %add3A_321, %dma_start3A_445, %dma_start3A_448, %dma_start3A_449] : memref<16x256x16x8x128xf32, #tpu.memory_space<hbm>> -> memref<1x1x1x8x128xf32, #tpu.memory_space<hbm>>
      %dma_start3A_451 = tpu.memref_squeeze %dma_start3A_450 : memref<1x1x1x8x128xf32, #tpu.memory_space<hbm>> -> memref<8x128xf32, #tpu.memory_space<hbm>>
      %dma_start3A_452 = arith.constant 0 : i32
      %dma_start3A_453 = arith.constant 0 : i32
      %dma_start3A_454 = tpu.memref_slice %arg3[%select_n3A, %add3A_321, %dma_start3A_445, %dma_start3A_452, %dma_start3A_453] : memref<16x256x16x8x128xf32, #tpu.memory_space<hbm>> -> memref<1x1x1x8x128xf32, #tpu.memory_space<hbm>>
      %dma_start3A_455 = tpu.memref_squeeze %dma_start3A_454 : memref<1x1x1x8x128xf32, #tpu.memory_space<hbm>> -> memref<8x128xf32, #tpu.memory_space<hbm>>
      %dma_start3A_456 = arith.constant 0 : i32
      %dma_start3A_457 = tpu.memref_slice %arg5[%dma_start3A_456, %add3A_444] : memref<8x4224xf32, #tpu.memory_space<vmem>> -> memref<8x128xf32, #tpu.memory_space<vmem>>
      tpu.enqueue_dma source(%dma_start3A_457 : memref<8x128xf32, #tpu.memory_space<vmem>>) target(%dma_start3A_455 : memref<8x128xf32, #tpu.memory_space<hbm>>) target_semaphore(%arg7 : memref<!tpu.dma_semaphore, #tpu.memory_space<semaphore_mem>>)
      %add3A_458 = arith.constant 1152 : i32
      %add3A_459 = arith.addi %sub3A_323, %add3A_458 : i32
      %dma_start3A_460 = arith.constant 9 : i32
      %dma_start3A_461 = arith.constant 0 : i32
      %dma_start3A_462 = tpu.memref_slice %arg5[%dma_start3A_461, %add3A_459] : memref<8x4224xf32, #tpu.memory_space<vmem>> -> memref<8x128xf32, #tpu.memory_space<vmem>>
      %dma_start3A_463 = arith.constant 0 : i32
      %dma_start3A_464 = arith.constant 0 : i32
      %dma_start3A_465 = tpu.memref_slice %arg3[%select_n3A, %add3A_321, %dma_start3A_460, %dma_start3A_463, %dma_start3A_464] : memref<16x256x16x8x128xf32, #tpu.memory_space<hbm>> -> memref<1x1x1x8x128xf32, #tpu.memory_space<hbm>>
      %dma_start3A_466 = tpu.memref_squeeze %dma_start3A_465 : memref<1x1x1x8x128xf32, #tpu.memory_space<hbm>> -> memref<8x128xf32, #tpu.memory_space<hbm>>
      %dma_start3A_467 = arith.constant 0 : i32
      %dma_start3A_468 = arith.constant 0 : i32
      %dma_start3A_469 = tpu.memref_slice %arg3[%select_n3A, %add3A_321, %dma_start3A_460, %dma_start3A_467, %dma_start3A_468] : memref<16x256x16x8x128xf32, #tpu.memory_space<hbm>> -> memref<1x1x1x8x128xf32, #tpu.memory_space<hbm>>
      %dma_start3A_470 = tpu.memref_squeeze %dma_start3A_469 : memref<1x1x1x8x128xf32, #tpu.memory_space<hbm>> -> memref<8x128xf32, #tpu.memory_space<hbm>>
      %dma_start3A_471 = arith.constant 0 : i32
      %dma_start3A_472 = tpu.memref_slice %arg5[%dma_start3A_471, %add3A_459] : memref<8x4224xf32, #tpu.memory_space<vmem>> -> memref<8x128xf32, #tpu.memory_space<vmem>>
      tpu.enqueue_dma source(%dma_start3A_472 : memref<8x128xf32, #tpu.memory_space<vmem>>) target(%dma_start3A_470 : memref<8x128xf32, #tpu.memory_space<hbm>>) target_semaphore(%arg7 : memref<!tpu.dma_semaphore, #tpu.memory_space<semaphore_mem>>)
      %add3A_473 = arith.constant 1280 : i32
      %add3A_474 = arith.addi %sub3A_323, %add3A_473 : i32
      %dma_start3A_475 = arith.constant 10 : i32
      %dma_start3A_476 = arith.constant 0 : i32
      %dma_start3A_477 = tpu.memref_slice %arg5[%dma_start3A_476, %add3A_474] : memref<8x4224xf32, #tpu.memory_space<vmem>> -> memref<8x128xf32, #tpu.memory_space<vmem>>
      %dma_start3A_478 = arith.constant 0 : i32
      %dma_start3A_479 = arith.constant 0 : i32
      %dma_start3A_480 = tpu.memref_slice %arg3[%select_n3A, %add3A_321, %dma_start3A_475, %dma_start3A_478, %dma_start3A_479] : memref<16x256x16x8x128xf32, #tpu.memory_space<hbm>> -> memref<1x1x1x8x128xf32, #tpu.memory_space<hbm>>
      %dma_start3A_481 = tpu.memref_squeeze %dma_start3A_480 : memref<1x1x1x8x128xf32, #tpu.memory_space<hbm>> -> memref<8x128xf32, #tpu.memory_space<hbm>>
      %dma_start3A_482 = arith.constant 0 : i32
      %dma_start3A_483 = arith.constant 0 : i32
      %dma_start3A_484 = tpu.memref_slice %arg3[%select_n3A, %add3A_321, %dma_start3A_475, %dma_start3A_482, %dma_start3A_483] : memref<16x256x16x8x128xf32, #tpu.memory_space<hbm>> -> memref<1x1x1x8x128xf32, #tpu.memory_space<hbm>>
      %dma_start3A_485 = tpu.memref_squeeze %dma_start3A_484 : memref<1x1x1x8x128xf32, #tpu.memory_space<hbm>> -> memref<8x128xf32, #tpu.memory_space<hbm>>
      %dma_start3A_486 = arith.constant 0 : i32
      %dma_start3A_487 = tpu.memref_slice %arg5[%dma_start3A_486, %add3A_474] : memref<8x4224xf32, #tpu.memory_space<vmem>> -> memref<8x128xf32, #tpu.memory_space<vmem>>
      tpu.enqueue_dma source(%dma_start3A_487 : memref<8x128xf32, #tpu.memory_space<vmem>>) target(%dma_start3A_485 : memref<8x128xf32, #tpu.memory_space<hbm>>) target_semaphore(%arg7 : memref<!tpu.dma_semaphore, #tpu.memory_space<semaphore_mem>>)
      %add3A_488 = arith.constant 1408 : i32
      %add3A_489 = arith.addi %sub3A_323, %add3A_488 : i32
      %dma_start3A_490 = arith.constant 11 : i32
      %dma_start3A_491 = arith.constant 0 : i32
      %dma_start3A_492 = tpu.memref_slice %arg5[%dma_start3A_491, %add3A_489] : memref<8x4224xf32, #tpu.memory_space<vmem>> -> memref<8x128xf32, #tpu.memory_space<vmem>>
      %dma_start3A_493 = arith.constant 0 : i32
      %dma_start3A_494 = arith.constant 0 : i32
      %dma_start3A_495 = tpu.memref_slice %arg3[%select_n3A, %add3A_321, %dma_start3A_490, %dma_start3A_493, %dma_start3A_494] : memref<16x256x16x8x128xf32, #tpu.memory_space<hbm>> -> memref<1x1x1x8x128xf32, #tpu.memory_space<hbm>>
      %dma_start3A_496 = tpu.memref_squeeze %dma_start3A_495 : memref<1x1x1x8x128xf32, #tpu.memory_space<hbm>> -> memref<8x128xf32, #tpu.memory_space<hbm>>
      %dma_start3A_497 = arith.constant 0 : i32
      %dma_start3A_498 = arith.constant 0 : i32
      %dma_start3A_499 = tpu.memref_slice %arg3[%select_n3A, %add3A_321, %dma_start3A_490, %dma_start3A_497, %dma_start3A_498] : memref<16x256x16x8x128xf32, #tpu.memory_space<hbm>> -> memref<1x1x1x8x128xf32, #tpu.memory_space<hbm>>
      %dma_start3A_500 = tpu.memref_squeeze %dma_start3A_499 : memref<1x1x1x8x128xf32, #tpu.memory_space<hbm>> -> memref<8x128xf32, #tpu.memory_space<hbm>>
      %dma_start3A_501 = arith.constant 0 : i32
      %dma_start3A_502 = tpu.memref_slice %arg5[%dma_start3A_501, %add3A_489] : memref<8x4224xf32, #tpu.memory_space<vmem>> -> memref<8x128xf32, #tpu.memory_space<vmem>>
      tpu.enqueue_dma source(%dma_start3A_502 : memref<8x128xf32, #tpu.memory_space<vmem>>) target(%dma_start3A_500 : memref<8x128xf32, #tpu.memory_space<hbm>>) target_semaphore(%arg7 : memref<!tpu.dma_semaphore, #tpu.memory_space<semaphore_mem>>)
      %add3A_503 = arith.constant 1536 : i32
      %add3A_504 = arith.addi %sub3A_323, %add3A_503 : i32
      %dma_start3A_505 = arith.constant 12 : i32
      %dma_start3A_506 = arith.constant 0 : i32
      %dma_start3A_507 = tpu.memref_slice %arg5[%dma_start3A_506, %add3A_504] : memref<8x4224xf32, #tpu.memory_space<vmem>> -> memref<8x128xf32, #tpu.memory_space<vmem>>
      %dma_start3A_508 = arith.constant 0 : i32
      %dma_start3A_509 = arith.constant 0 : i32
      %dma_start3A_510 = tpu.memref_slice %arg3[%select_n3A, %add3A_321, %dma_start3A_505, %dma_start3A_508, %dma_start3A_509] : memref<16x256x16x8x128xf32, #tpu.memory_space<hbm>> -> memref<1x1x1x8x128xf32, #tpu.memory_space<hbm>>
      %dma_start3A_511 = tpu.memref_squeeze %dma_start3A_510 : memref<1x1x1x8x128xf32, #tpu.memory_space<hbm>> -> memref<8x128xf32, #tpu.memory_space<hbm>>
      %dma_start3A_512 = arith.constant 0 : i32
      %dma_start3A_513 = arith.constant 0 : i32
      %dma_start3A_514 = tpu.memref_slice %arg3[%select_n3A, %add3A_321, %dma_start3A_505, %dma_start3A_512, %dma_start3A_513] : memref<16x256x16x8x128xf32, #tpu.memory_space<hbm>> -> memref<1x1x1x8x128xf32, #tpu.memory_space<hbm>>
      %dma_start3A_515 = tpu.memref_squeeze %dma_start3A_514 : memref<1x1x1x8x128xf32, #tpu.memory_space<hbm>> -> memref<8x128xf32, #tpu.memory_space<hbm>>
      %dma_start3A_516 = arith.constant 0 : i32
      %dma_start3A_517 = tpu.memref_slice %arg5[%dma_start3A_516, %add3A_504] : memref<8x4224xf32, #tpu.memory_space<vmem>> -> memref<8x128xf32, #tpu.memory_space<vmem>>
      tpu.enqueue_dma source(%dma_start3A_517 : memref<8x128xf32, #tpu.memory_space<vmem>>) target(%dma_start3A_515 : memref<8x128xf32, #tpu.memory_space<hbm>>) target_semaphore(%arg7 : memref<!tpu.dma_semaphore, #tpu.memory_space<semaphore_mem>>)
      %add3A_518 = arith.constant 1664 : i32
      %add3A_519 = arith.addi %sub3A_323, %add3A_518 : i32
      %dma_start3A_520 = arith.constant 13 : i32
      %dma_start3A_521 = arith.constant 0 : i32
      %dma_start3A_522 = tpu.memref_slice %arg5[%dma_start3A_521, %add3A_519] : memref<8x4224xf32, #tpu.memory_space<vmem>> -> memref<8x128xf32, #tpu.memory_space<vmem>>
      %dma_start3A_523 = arith.constant 0 : i32
      %dma_start3A_524 = arith.constant 0 : i32
      %dma_start3A_525 = tpu.memref_slice %arg3[%select_n3A, %add3A_321, %dma_start3A_520, %dma_start3A_523, %dma_start3A_524] : memref<16x256x16x8x128xf32, #tpu.memory_space<hbm>> -> memref<1x1x1x8x128xf32, #tpu.memory_space<hbm>>
      %dma_start3A_526 = tpu.memref_squeeze %dma_start3A_525 : memref<1x1x1x8x128xf32, #tpu.memory_space<hbm>> -> memref<8x128xf32, #tpu.memory_space<hbm>>
      %dma_start3A_527 = arith.constant 0 : i32
      %dma_start3A_528 = arith.constant 0 : i32
      %dma_start3A_529 = tpu.memref_slice %arg3[%select_n3A, %add3A_321, %dma_start3A_520, %dma_start3A_527, %dma_start3A_528] : memref<16x256x16x8x128xf32, #tpu.memory_space<hbm>> -> memref<1x1x1x8x128xf32, #tpu.memory_space<hbm>>
      %dma_start3A_530 = tpu.memref_squeeze %dma_start3A_529 : memref<1x1x1x8x128xf32, #tpu.memory_space<hbm>> -> memref<8x128xf32, #tpu.memory_space<hbm>>
      %dma_start3A_531 = arith.constant 0 : i32
      %dma_start3A_532 = tpu.memref_slice %arg5[%dma_start3A_531, %add3A_519] : memref<8x4224xf32, #tpu.memory_space<vmem>> -> memref<8x128xf32, #tpu.memory_space<vmem>>
      tpu.enqueue_dma source(%dma_start3A_532 : memref<8x128xf32, #tpu.memory_space<vmem>>) target(%dma_start3A_530 : memref<8x128xf32, #tpu.memory_space<hbm>>) target_semaphore(%arg7 : memref<!tpu.dma_semaphore, #tpu.memory_space<semaphore_mem>>)
      %add3A_533 = arith.constant 1792 : i32
      %add3A_534 = arith.addi %sub3A_323, %add3A_533 : i32
      %dma_start3A_535 = arith.constant 14 : i32
      %dma_start3A_536 = arith.constant 0 : i32
      %dma_start3A_537 = tpu.memref_slice %arg5[%dma_start3A_536, %add3A_534] : memref<8x4224xf32, #tpu.memory_space<vmem>> -> memref<8x128xf32, #tpu.memory_space<vmem>>
      %dma_start3A_538 = arith.constant 0 : i32
      %dma_start3A_539 = arith.constant 0 : i32
      %dma_start3A_540 = tpu.memref_slice %arg3[%select_n3A, %add3A_321, %dma_start3A_535, %dma_start3A_538, %dma_start3A_539] : memref<16x256x16x8x128xf32, #tpu.memory_space<hbm>> -> memref<1x1x1x8x128xf32, #tpu.memory_space<hbm>>
      %dma_start3A_541 = tpu.memref_squeeze %dma_start3A_540 : memref<1x1x1x8x128xf32, #tpu.memory_space<hbm>> -> memref<8x128xf32, #tpu.memory_space<hbm>>
      %dma_start3A_542 = arith.constant 0 : i32
      %dma_start3A_543 = arith.constant 0 : i32
      %dma_start3A_544 = tpu.memref_slice %arg3[%select_n3A, %add3A_321, %dma_start3A_535, %dma_start3A_542, %dma_start3A_543] : memref<16x256x16x8x128xf32, #tpu.memory_space<hbm>> -> memref<1x1x1x8x128xf32, #tpu.memory_space<hbm>>
      %dma_start3A_545 = tpu.memref_squeeze %dma_start3A_544 : memref<1x1x1x8x128xf32, #tpu.memory_space<hbm>> -> memref<8x128xf32, #tpu.memory_space<hbm>>
      %dma_start3A_546 = arith.constant 0 : i32
      %dma_start3A_547 = tpu.memref_slice %arg5[%dma_start3A_546, %add3A_534] : memref<8x4224xf32, #tpu.memory_space<vmem>> -> memref<8x128xf32, #tpu.memory_space<vmem>>
      tpu.enqueue_dma source(%dma_start3A_547 : memref<8x128xf32, #tpu.memory_space<vmem>>) target(%dma_start3A_545 : memref<8x128xf32, #tpu.memory_space<hbm>>) target_semaphore(%arg7 : memref<!tpu.dma_semaphore, #tpu.memory_space<semaphore_mem>>)
      %add3A_548 = arith.constant 1920 : i32
      %add3A_549 = arith.addi %sub3A_323, %add3A_548 : i32
      %dma_start3A_550 = arith.constant 15 : i32
      %dma_start3A_551 = arith.constant 0 : i32
      %dma_start3A_552 = tpu.memref_slice %arg5[%dma_start3A_551, %add3A_549] : memref<8x4224xf32, #tpu.memory_space<vmem>> -> memref<8x128xf32, #tpu.memory_space<vmem>>
      %dma_start3A_553 = arith.constant 0 : i32
      %dma_start3A_554 = arith.constant 0 : i32
      %dma_start3A_555 = tpu.memref_slice %arg3[%select_n3A, %add3A_321, %dma_start3A_550, %dma_start3A_553, %dma_start3A_554] : memref<16x256x16x8x128xf32, #tpu.memory_space<hbm>> -> memref<1x1x1x8x128xf32, #tpu.memory_space<hbm>>
      %dma_start3A_556 = tpu.memref_squeeze %dma_start3A_555 : memref<1x1x1x8x128xf32, #tpu.memory_space<hbm>> -> memref<8x128xf32, #tpu.memory_space<hbm>>
      %dma_start3A_557 = arith.constant 0 : i32
      %dma_start3A_558 = arith.constant 0 : i32
      %dma_start3A_559 = tpu.memref_slice %arg3[%select_n3A, %add3A_321, %dma_start3A_550, %dma_start3A_557, %dma_start3A_558] : memref<16x256x16x8x128xf32, #tpu.memory_space<hbm>> -> memref<1x1x1x8x128xf32, #tpu.memory_space<hbm>>
      %dma_start3A_560 = tpu.memref_squeeze %dma_start3A_559 : memref<1x1x1x8x128xf32, #tpu.memory_space<hbm>> -> memref<8x128xf32, #tpu.memory_space<hbm>>
      %dma_start3A_561 = arith.constant 0 : i32
      %dma_start3A_562 = tpu.memref_slice %arg5[%dma_start3A_561, %add3A_549] : memref<8x4224xf32, #tpu.memory_space<vmem>> -> memref<8x128xf32, #tpu.memory_space<vmem>>
      tpu.enqueue_dma source(%dma_start3A_562 : memref<8x128xf32, #tpu.memory_space<vmem>>) target(%dma_start3A_560 : memref<8x128xf32, #tpu.memory_space<hbm>>) target_semaphore(%arg7 : memref<!tpu.dma_semaphore, #tpu.memory_space<semaphore_mem>>)
      %ge3A = arith.constant 8 : i32
      %ge3A_563 = arith.cmpi sge, %scan3A_317, %ge3A : i32
      %convert_element_type3A = arith.extui %ge3A_563 : i1 to i32
      %cond3A = arith.constant 0 : i32
      %cond3A_564 = arith.cmpi ne, %convert_element_type3A, %cond3A : i32
      scf.if %cond3A_564 {
        %dma_wait3A_565 = arith.constant 0 : i32
        %dma_wait3A_566 = arith.constant 0 : i32
        %dma_wait3A_567 = arith.constant 0 : i32
        %dma_wait3A_568 = tpu.memref_slice %arg3[%select_n3A, %mul3A_216, %dma_wait3A_565, %dma_wait3A_566, %dma_wait3A_567] : memref<16x256x16x8x128xf32, #tpu.memory_space<hbm>> -> memref<1x1x16x8x128xf32, #tpu.memory_space<hbm>>
        %dma_wait3A_569 = tpu.memref_squeeze %dma_wait3A_568 : memref<1x1x16x8x128xf32, #tpu.memory_space<hbm>> -> memref<16x8x128xf32, #tpu.memory_space<hbm>>
        %dma_wait3A_570 = arith.constant 0 : i32
        %dma_wait3A_571 = arith.constant 0 : i32
        %dma_wait3A_572 = arith.constant 0 : i32
        %dma_wait3A_573 = tpu.memref_slice %arg3[%select_n3A, %mul3A_216, %dma_wait3A_570, %dma_wait3A_571, %dma_wait3A_572] : memref<16x256x16x8x128xf32, #tpu.memory_space<hbm>> -> memref<1x1x16x8x128xf32, #tpu.memory_space<hbm>>
        %dma_wait3A_574 = tpu.memref_squeeze %dma_wait3A_573 : memref<1x1x16x8x128xf32, #tpu.memory_space<hbm>> -> memref<16x8x128xf32, #tpu.memory_space<hbm>>
        tpu.wait_dma2 semaphore(%arg7 : memref<!tpu.dma_semaphore, #tpu.memory_space<semaphore_mem>>) src(%dma_wait3A_574 : memref<16x8x128xf32, #tpu.memory_space<hbm>>) dst(%arg6 : memref<16x8x128xf32, #tpu.memory_space<vmem>>)
      } else {
      }
    }
    %scan3A_221 = arith.constant 128 : i32
    %dma_wait3A = arith.constant 0 : i32
    %dma_wait3A_222 = arith.constant 0 : i32
    %dma_wait3A_223 = arith.constant 0 : i32
    %dma_wait3A_224 = arith.constant 0 : i32
    %dma_wait3A_225 = arith.constant 0 : i32
    %dma_wait3A_226 = tpu.memref_slice %arg3[%dma_wait3A, %dma_wait3A_222, %dma_wait3A_223, %dma_wait3A_224, %dma_wait3A_225] : memref<16x256x16x8x128xf32, #tpu.memory_space<hbm>> -> memref<1x1x16x8x128xf32, #tpu.memory_space<hbm>>
    %dma_wait3A_227 = tpu.memref_squeeze %dma_wait3A_226 : memref<1x1x16x8x128xf32, #tpu.memory_space<hbm>> -> memref<16x8x128xf32, #tpu.memory_space<hbm>>
    %dma_wait3A_228 = arith.constant 0 : i32
    %dma_wait3A_229 = arith.constant 0 : i32
    %dma_wait3A_230 = arith.constant 0 : i32
    %dma_wait3A_231 = tpu.memref_slice %arg3[%dma_wait3A, %dma_wait3A_222, %dma_wait3A_228, %dma_wait3A_229, %dma_wait3A_230] : memref<16x256x16x8x128xf32, #tpu.memory_space<hbm>> -> memref<1x1x16x8x128xf32, #tpu.memory_space<hbm>>
    %dma_wait3A_232 = tpu.memref_squeeze %dma_wait3A_231 : memref<1x1x16x8x128xf32, #tpu.memory_space<hbm>> -> memref<16x8x128xf32, #tpu.memory_space<hbm>>
    tpu.wait_dma2 semaphore(%arg7 : memref<!tpu.dma_semaphore, #tpu.memory_space<semaphore_mem>>) src(%dma_wait3A_232 : memref<16x8x128xf32, #tpu.memory_space<hbm>>) dst(%arg6 : memref<16x8x128xf32, #tpu.memory_space<vmem>>)
    %dma_wait3A_233 = arith.constant 0 : i32
    %dma_wait3A_234 = arith.constant 0 : i32
    %dma_wait3A_235 = arith.constant 0 : i32
    %dma_wait3A_236 = arith.constant 0 : i32
    %dma_wait3A_237 = arith.constant 0 : i32
    %dma_wait3A_238 = tpu.memref_slice %arg3[%dma_wait3A_233, %dma_wait3A_234, %dma_wait3A_235, %dma_wait3A_236, %dma_wait3A_237] : memref<16x256x16x8x128xf32, #tpu.memory_space<hbm>> -> memref<1x1x16x8x128xf32, #tpu.memory_space<hbm>>
    %dma_wait3A_239 = tpu.memref_squeeze %dma_wait3A_238 : memref<1x1x16x8x128xf32, #tpu.memory_space<hbm>> -> memref<16x8x128xf32, #tpu.memory_space<hbm>>
    %dma_wait3A_240 = arith.constant 0 : i32
    %dma_wait3A_241 = arith.constant 0 : i32
    %dma_wait3A_242 = arith.constant 0 : i32
    %dma_wait3A_243 = tpu.memref_slice %arg3[%dma_wait3A_233, %dma_wait3A_234, %dma_wait3A_240, %dma_wait3A_241, %dma_wait3A_242] : memref<16x256x16x8x128xf32, #tpu.memory_space<hbm>> -> memref<1x1x16x8x128xf32, #tpu.memory_space<hbm>>
    %dma_wait3A_244 = tpu.memref_squeeze %dma_wait3A_243 : memref<1x1x16x8x128xf32, #tpu.memory_space<hbm>> -> memref<16x8x128xf32, #tpu.memory_space<hbm>>
    tpu.wait_dma2 semaphore(%arg7 : memref<!tpu.dma_semaphore, #tpu.memory_space<semaphore_mem>>) src(%dma_wait3A_244 : memref<16x8x128xf32, #tpu.memory_space<hbm>>) dst(%arg6 : memref<16x8x128xf32, #tpu.memory_space<vmem>>)
    %dma_wait3A_245 = arith.constant 0 : i32
    %dma_wait3A_246 = arith.constant 0 : i32
    %dma_wait3A_247 = arith.constant 0 : i32
    %dma_wait3A_248 = arith.constant 0 : i32
    %dma_wait3A_249 = arith.constant 0 : i32
    %dma_wait3A_250 = tpu.memref_slice %arg3[%dma_wait3A_245, %dma_wait3A_246, %dma_wait3A_247, %dma_wait3A_248, %dma_wait3A_249] : memref<16x256x16x8x128xf32, #tpu.memory_space<hbm>> -> memref<1x1x16x8x128xf32, #tpu.memory_space<hbm>>
    %dma_wait3A_251 = tpu.memref_squeeze %dma_wait3A_250 : memref<1x1x16x8x128xf32, #tpu.memory_space<hbm>> -> memref<16x8x128xf32, #tpu.memory_space<hbm>>
    %dma_wait3A_252 = arith.constant 0 : i32
    %dma_wait3A_253 = arith.constant 0 : i32
    %dma_wait3A_254 = arith.constant 0 : i32
    %dma_wait3A_255 = tpu.memref_slice %arg3[%dma_wait3A_245, %dma_wait3A_246, %dma_wait3A_252, %dma_wait3A_253, %dma_wait3A_254] : memref<16x256x16x8x128xf32, #tpu.memory_space<hbm>> -> memref<1x1x16x8x128xf32, #tpu.memory_space<hbm>>
    %dma_wait3A_256 = tpu.memref_squeeze %dma_wait3A_255 : memref<1x1x16x8x128xf32, #tpu.memory_space<hbm>> -> memref<16x8x128xf32, #tpu.memory_space<hbm>>
    tpu.wait_dma2 semaphore(%arg7 : memref<!tpu.dma_semaphore, #tpu.memory_space<semaphore_mem>>) src(%dma_wait3A_256 : memref<16x8x128xf32, #tpu.memory_space<hbm>>) dst(%arg6 : memref<16x8x128xf32, #tpu.memory_space<vmem>>)
    %dma_wait3A_257 = arith.constant 0 : i32
    %dma_wait3A_258 = arith.constant 0 : i32
    %dma_wait3A_259 = arith.constant 0 : i32
    %dma_wait3A_260 = arith.constant 0 : i32
    %dma_wait3A_261 = arith.constant 0 : i32
    %dma_wait3A_262 = tpu.memref_slice %arg3[%dma_wait3A_257, %dma_wait3A_258, %dma_wait3A_259, %dma_wait3A_260, %dma_wait3A_261] : memref<16x256x16x8x128xf32, #tpu.memory_space<hbm>> -> memref<1x1x16x8x128xf32, #tpu.memory_space<hbm>>
    %dma_wait3A_263 = tpu.memref_squeeze %dma_wait3A_262 : memref<1x1x16x8x128xf32, #tpu.memory_space<hbm>> -> memref<16x8x128xf32, #tpu.memory_space<hbm>>
    %dma_wait3A_264 = arith.constant 0 : i32
    %dma_wait3A_265 = arith.constant 0 : i32
    %dma_wait3A_266 = arith.constant 0 : i32
    %dma_wait3A_267 = tpu.memref_slice %arg3[%dma_wait3A_257, %dma_wait3A_258, %dma_wait3A_264, %dma_wait3A_265, %dma_wait3A_266] : memref<16x256x16x8x128xf32, #tpu.memory_space<hbm>> -> memref<1x1x16x8x128xf32, #tpu.memory_space<hbm>>
    %dma_wait3A_268 = tpu.memref_squeeze %dma_wait3A_267 : memref<1x1x16x8x128xf32, #tpu.memory_space<hbm>> -> memref<16x8x128xf32, #tpu.memory_space<hbm>>
    tpu.wait_dma2 semaphore(%arg7 : memref<!tpu.dma_semaphore, #tpu.memory_space<semaphore_mem>>) src(%dma_wait3A_268 : memref<16x8x128xf32, #tpu.memory_space<hbm>>) dst(%arg6 : memref<16x8x128xf32, #tpu.memory_space<vmem>>)
    %dma_wait3A_269 = arith.constant 0 : i32
    %dma_wait3A_270 = arith.constant 0 : i32
    %dma_wait3A_271 = arith.constant 0 : i32
    %dma_wait3A_272 = arith.constant 0 : i32
    %dma_wait3A_273 = arith.constant 0 : i32
    %dma_wait3A_274 = tpu.memref_slice %arg3[%dma_wait3A_269, %dma_wait3A_270, %dma_wait3A_271, %dma_wait3A_272, %dma_wait3A_273] : memref<16x256x16x8x128xf32, #tpu.memory_space<hbm>> -> memref<1x1x16x8x128xf32, #tpu.memory_space<hbm>>
    %dma_wait3A_275 = tpu.memref_squeeze %dma_wait3A_274 : memref<1x1x16x8x128xf32, #tpu.memory_space<hbm>> -> memref<16x8x128xf32, #tpu.memory_space<hbm>>
    %dma_wait3A_276 = arith.constant 0 : i32
    %dma_wait3A_277 = arith.constant 0 : i32
    %dma_wait3A_278 = arith.constant 0 : i32
    %dma_wait3A_279 = tpu.memref_slice %arg3[%dma_wait3A_269, %dma_wait3A_270, %dma_wait3A_276, %dma_wait3A_277, %dma_wait3A_278] : memref<16x256x16x8x128xf32, #tpu.memory_space<hbm>> -> memref<1x1x16x8x128xf32, #tpu.memory_space<hbm>>
    %dma_wait3A_280 = tpu.memref_squeeze %dma_wait3A_279 : memref<1x1x16x8x128xf32, #tpu.memory_space<hbm>> -> memref<16x8x128xf32, #tpu.memory_space<hbm>>
    tpu.wait_dma2 semaphore(%arg7 : memref<!tpu.dma_semaphore, #tpu.memory_space<semaphore_mem>>) src(%dma_wait3A_280 : memref<16x8x128xf32, #tpu.memory_space<hbm>>) dst(%arg6 : memref<16x8x128xf32, #tpu.memory_space<vmem>>)
    %dma_wait3A_281 = arith.constant 0 : i32
    %dma_wait3A_282 = arith.constant 0 : i32
    %dma_wait3A_283 = arith.constant 0 : i32
    %dma_wait3A_284 = arith.constant 0 : i32
    %dma_wait3A_285 = arith.constant 0 : i32
    %dma_wait3A_286 = tpu.memref_slice %arg3[%dma_wait3A_281, %dma_wait3A_282, %dma_wait3A_283, %dma_wait3A_284, %dma_wait3A_285] : memref<16x256x16x8x128xf32, #tpu.memory_space<hbm>> -> memref<1x1x16x8x128xf32, #tpu.memory_space<hbm>>
    %dma_wait3A_287 = tpu.memref_squeeze %dma_wait3A_286 : memref<1x1x16x8x128xf32, #tpu.memory_space<hbm>> -> memref<16x8x128xf32, #tpu.memory_space<hbm>>
    %dma_wait3A_288 = arith.constant 0 : i32
    %dma_wait3A_289 = arith.constant 0 : i32
    %dma_wait3A_290 = arith.constant 0 : i32
    %dma_wait3A_291 = tpu.memref_slice %arg3[%dma_wait3A_281, %dma_wait3A_282, %dma_wait3A_288, %dma_wait3A_289, %dma_wait3A_290] : memref<16x256x16x8x128xf32, #tpu.memory_space<hbm>> -> memref<1x1x16x8x128xf32, #tpu.memory_space<hbm>>
    %dma_wait3A_292 = tpu.memref_squeeze %dma_wait3A_291 : memref<1x1x16x8x128xf32, #tpu.memory_space<hbm>> -> memref<16x8x128xf32, #tpu.memory_space<hbm>>
    tpu.wait_dma2 semaphore(%arg7 : memref<!tpu.dma_semaphore, #tpu.memory_space<semaphore_mem>>) src(%dma_wait3A_292 : memref<16x8x128xf32, #tpu.memory_space<hbm>>) dst(%arg6 : memref<16x8x128xf32, #tpu.memory_space<vmem>>)
    %dma_wait3A_293 = arith.constant 0 : i32
    %dma_wait3A_294 = arith.constant 0 : i32
    %dma_wait3A_295 = arith.constant 0 : i32
    %dma_wait3A_296 = arith.constant 0 : i32
    %dma_wait3A_297 = arith.constant 0 : i32
    %dma_wait3A_298 = tpu.memref_slice %arg3[%dma_wait3A_293, %dma_wait3A_294, %dma_wait3A_295, %dma_wait3A_296, %dma_wait3A_297] : memref<16x256x16x8x128xf32, #tpu.memory_space<hbm>> -> memref<1x1x16x8x128xf32, #tpu.memory_space<hbm>>
    %dma_wait3A_299 = tpu.memref_squeeze %dma_wait3A_298 : memref<1x1x16x8x128xf32, #tpu.memory_space<hbm>> -> memref<16x8x128xf32, #tpu.memory_space<hbm>>
    %dma_wait3A_300 = arith.constant 0 : i32
    %dma_wait3A_301 = arith.constant 0 : i32
    %dma_wait3A_302 = arith.constant 0 : i32
    %dma_wait3A_303 = tpu.memref_slice %arg3[%dma_wait3A_293, %dma_wait3A_294, %dma_wait3A_300, %dma_wait3A_301, %dma_wait3A_302] : memref<16x256x16x8x128xf32, #tpu.memory_space<hbm>> -> memref<1x1x16x8x128xf32, #tpu.memory_space<hbm>>
    %dma_wait3A_304 = tpu.memref_squeeze %dma_wait3A_303 : memref<1x1x16x8x128xf32, #tpu.memory_space<hbm>> -> memref<16x8x128xf32, #tpu.memory_space<hbm>>
    tpu.wait_dma2 semaphore(%arg7 : memref<!tpu.dma_semaphore, #tpu.memory_space<semaphore_mem>>) src(%dma_wait3A_304 : memref<16x8x128xf32, #tpu.memory_space<hbm>>) dst(%arg6 : memref<16x8x128xf32, #tpu.memory_space<vmem>>)
    %dma_wait3A_305 = arith.constant 0 : i32
    %dma_wait3A_306 = arith.constant 0 : i32
    %dma_wait3A_307 = arith.constant 0 : i32
    %dma_wait3A_308 = arith.constant 0 : i32
    %dma_wait3A_309 = arith.constant 0 : i32
    %dma_wait3A_310 = tpu.memref_slice %arg3[%dma_wait3A_305, %dma_wait3A_306, %dma_wait3A_307, %dma_wait3A_308, %dma_wait3A_309] : memref<16x256x16x8x128xf32, #tpu.memory_space<hbm>> -> memref<1x1x16x8x128xf32, #tpu.memory_space<hbm>>
    %dma_wait3A_311 = tpu.memref_squeeze %dma_wait3A_310 : memref<1x1x16x8x128xf32, #tpu.memory_space<hbm>> -> memref<16x8x128xf32, #tpu.memory_space<hbm>>
    %dma_wait3A_312 = arith.constant 0 : i32
    %dma_wait3A_313 = arith.constant 0 : i32
    %dma_wait3A_314 = arith.constant 0 : i32
    %dma_wait3A_315 = tpu.memref_slice %arg3[%dma_wait3A_305, %dma_wait3A_306, %dma_wait3A_312, %dma_wait3A_313, %dma_wait3A_314] : memref<16x256x16x8x128xf32, #tpu.memory_space<hbm>> -> memref<1x1x16x8x128xf32, #tpu.memory_space<hbm>>
    %dma_wait3A_316 = tpu.memref_squeeze %dma_wait3A_315 : memref<1x1x16x8x128xf32, #tpu.memory_space<hbm>> -> memref<16x8x128xf32, #tpu.memory_space<hbm>>
    tpu.wait_dma2 semaphore(%arg7 : memref<!tpu.dma_semaphore, #tpu.memory_space<semaphore_mem>>) src(%dma_wait3A_316 : memref<16x8x128xf32, #tpu.memory_space<hbm>>) dst(%arg6 : memref<16x8x128xf32, #tpu.memory_space<vmem>>)
    return
  }
}

</mosaic_0001>

<sc_bundles>
// kernel: _bias_call.3.cloned.1.call-start
scs
__scs_entry_jumppad:
0x0: {  	(pc) =	sbr.rel $0x88, $3  }
0x1: {  	(tag) =	ssettag $0x0;
	lr =	simm.s32 $0x1  }
0x2: {  	[smem:$0x3FA0] =	sst lr;
	_ =	strace $0xD0000000  }
0x3: {  	_ = 	snop  }
0x4: {  	_ = 	snop  }
0x5: {  	_ = 	snop  }
0x6: {  	_ = 	snop  }
0x7: {  	_ = 	snop  }
__scs_overlays_trampoline_lowered:
0x8: {  	[smem:$0x3FAF] =	sst s0  }
0x9: {  	[smem:$0x3FB0] =	sst s1  }
0xa: {  	[smem:$0x3FB1] =	sst s2  }
0xb: {  	[smem:$0x3FB2] =	sst s3  }
0xc: {  	[smem:$0x3FB3] =	sst s4  }
0xd: {  	[smem:$0x3FB4] =	sst s5  }
0xe: {  	[smem:$0x3FB5] =	sst s6  }
0xf: {  	[smem:$0x3FB6] =	sst s7  }
0x10: {  	[smem:$0x3FB7] =	sst s8  }
0x11: {  	[smem:$0x3FB8] =	sst s9;
	s0 =	simm.s32 @!p0 $0x0  }
0x12: {  	s1 =	sld [smem:$0x3F9E];
	s0 =	simm.s32 @p0 $0x1  }
0x13: {  	[smem:$0x3FB9] =	sst s0;
	s0 =	simm.s32 @!p1 $0x0  }
0x14: {  	s2 =	sld [smem:$0x3F9D];
	s0 =	simm.s32 @p1 $0x1  }
0x15: {  	[smem:$0x3FBA] =	sst s0;
	s0 =	simm.s32 @!p2 $0x0  }
0x16: {  	s3 =	sld [smem:$0x3FDB];
	s0 =	simm.s32 @p2 $0x1  }
0x17: {  	s4 =	simm.s32 $0x1BF5;
	[smem:$0x3FBC] =	sst s0  }
0x18: {  	s0 =	sld [smem:$0x3F9F];
	_ =	swait.ge [sflag:s4], $0x0  }
0x19: {  	s7 =	sld [smem:$0x3FA0]  }
0x1a: {  	s8 =	sadd.s32 $0xFFFFE003, lr  }
0x1b: {  	s9 =	sadd.s32 $0xFFFFFEF7, lr;
	s5 =	simm.s32 $0xFFFFFFFF;
	p2 =	slt.u32 s8, $0xFFFFF086  }
0x1c: {  	p1 =	slt.u32 s9, $0xF7A;
	s5 =	simm.s32 @!p2 $0x0  }
0x1d: {  	s5 =	simm.s32 @p1 $0x1;
	p0 =	seq.s32 s7, s2  }
0x1e: {  	s7 =	smul.u32 @!p0 $0xF7A, s2;
	p2 =	seq.s32 @!p0 s5, $0x0  }
0x1f: {  	s9 =	smul.u32 $0xF7A, s1;
	s8 =	simm.s32 @!p0 $0x1BF5;
	p2 =	por !p2, p0  }
0x20: {  	[sflag:s8] =	ssyncset.s32 @!p0 $0xFFFFF086;
	s6 =	sadd.s32 @!p0 s3, s7;
	s7 =	simm.s32 @!p0 $0x108  }
0x21: {  	s3 =	sadd.s32 s3, s9;
	s6 =	sadd.s32 @!p0 $0x88, s6;
	s7 =	simm.s32 @p2 $0x1082  }
0x22: {  	[simem:s7], [sflag:s8] =	dma.local @!p0 [hbm:s6], $0xF7A  }
0x23: {  	s9 =	sor.u32 $0xD0000000, s2;
	s6 =	simm.s32 $0x108;
	_ =	swait.ge @!p0 [sflag:s8], $0x0  }
0x24: {  	s3 =	sadd.s32 $0x88, s3;
	s6 =	simm.s32 @!p1 $0x1082;
	[sflag:s4] =	ssyncset.s32 $0xFFFFF086  }
0x25: {  	[simem:s6], [sflag:s4] =	dma.local [hbm:s3], $0xF7A  }
0x26: {  	[smem:$0x3FA0] =	sst s1;
	(tag) =	ssettag s2;
	_ =	strace s9  }
0x27: {  	s1 =	sld [smem:$0x3FB0]  }
0x28: {  	s2 =	sld [smem:$0x3FB1]  }
0x29: {  	s4 =	sld [smem:$0x3FB3]  }
0x2a: {  	p0 =	seq.s32 s5, $0x0;
	s5 =	sld [smem:$0x3FB4]  }
0x2b: {  	s6 =	sld [smem:$0x3FB5]  }
0x2c: {  	s7 =	sld [smem:$0x3FB6]  }
0x2d: {  	s3 =	simm.s32 $0x108;
	s8 =	sld [smem:$0x3FB7]  }
0x2e: {  	s3 =	simm.s32 @!p0 $0x1082;
	s9 =	sld [smem:$0x3FB8]  }
0x2f: {  	lr =	sadd.s32 s0, s3;
	s0 =	sld [smem:$0x3FAF]  }
0x30: {  	s3 =	sld [smem:$0x3FB2]  }
0x31: {  	[smem:$0x3FBB] =	sst s10  }
0x32: {  	s10 =	sld [smem:$0x3FB9];
	_ =	sdelay $0x3  }
0x33: {  	p0 =	seq.s32 s10, $0x1;
	s10 =	sld [smem:$0x3FBB];
	_ =	sdelay $0x3  }
0x34: {  	[smem:$0x3FBB] =	sst s10  }
0x35: {  	s10 =	sld [smem:$0x3FBA];
	_ =	sdelay $0x3  }
0x36: {  	p1 =	seq.s32 s10, $0x1;
	s10 =	sld [smem:$0x3FBB];
	_ =	sdelay $0x3  }
0x37: {  	[smem:$0x3FBB] =	sst s10  }
0x38: {  	s10 =	sld [smem:$0x3FBC]  }
0x39: {  	_ = 	snop;
	(pc) =	sbr.ind lr, $3  }
0x3a: {  	_ = 	snop  }
0x3b: {  	_ = 	snop  }
0x3c: {  	p2 =	seq.s32 s10, $0x1;
	s10 =	sld [smem:$0x3FBB]  }
0x3d: {  	_ =	shalt  }
0x3e: {  	_ =	shalt  }
0x3f: {  	_ =	shalt  }
0x40: {  	_ =	shalt  }
0x41: {  	_ =	shalt  }
0x42: {  	_ =	shalt  }
0x43: {  	_ =	shalt  }
0x44: {  	_ =	shalt  }
0x45: {  	_ =	shalt  }
0x46: {  	_ =	shalt  }
0x47: {  	_ =	shalt  }
0x48: {  	_ =	shalt  }
0x49: {  	_ =	shalt  }
0x4a: {  	_ =	shalt  }
0x4b: {  	_ =	shalt  }
0x4c: {  	_ =	shalt  }
0x4d: {  	_ =	shalt  }
0x4e: {  	_ =	shalt  }
0x4f: {  	_ =	shalt  }
0x50: {  	_ =	shalt  }
0x51: {  	_ =	shalt  }
0x52: {  	_ =	shalt  }
0x53: {  	_ =	shalt  }
0x54: {  	_ =	shalt  }
0x55: {  	_ =	shalt  }
0x56: {  	_ =	shalt  }
0x57: {  	_ =	shalt  }
0x58: {  	_ =	shalt  }
0x59: {  	_ =	shalt  }
0x5a: {  	_ =	shalt  }
0x5b: {  	_ =	shalt  }
0x5c: {  	_ =	shalt  }
0x5d: {  	_ =	shalt  }
0x5e: {  	_ =	shalt  }
0x5f: {  	_ =	shalt  }
0x60: {  	_ =	shalt  }
0x61: {  	_ =	shalt  }
0x62: {  	_ =	shalt  }
0x63: {  	_ =	shalt  }
0x64: {  	_ =	shalt  }
0x65: {  	_ =	shalt  }
0x66: {  	_ =	shalt  }
0x67: {  	_ =	shalt  }
0x68: {  	_ =	shalt  }
0x69: {  	_ =	shalt  }
0x6a: {  	_ =	shalt  }
0x6b: {  	_ =	shalt  }
0x6c: {  	_ =	shalt  }
0x6d: {  	_ =	shalt  }
0x6e: {  	_ =	shalt  }
0x6f: {  	_ =	shalt  }
0x70: {  	_ =	shalt  }
0x71: {  	_ =	shalt  }
0x72: {  	_ =	shalt  }
0x73: {  	_ =	shalt  }
0x74: {  	_ =	shalt  }
0x75: {  	_ =	shalt  }
0x76: {  	_ =	shalt  }
0x77: {  	_ =	shalt  }
0x78: {  	_ =	shalt  }
0x79: {  	_ =	shalt  }
0x7a: {  	_ =	shalt  }
0x7b: {  	_ =	shalt  }
0x7c: {  	_ =	shalt  }
0x7d: {  	_ =	shalt  }
0x7e: {  	_ =	shalt  }
0x7f: {  	_ =	shalt  }
0x80: {  	_ =	shalt  }
0x81: {  	_ =	shalt  }
0x82: {  	_ =	shalt  }
0x83: {  	_ =	shalt  }
0x84: {  	_ =	shalt  }
0x85: {  	_ =	shalt  }
0x86: {  	_ =	shalt  }
0x87: {  	_ =	shalt  }
.Lfunc_end0:
.L_simem_size_0:
called_computation_lowered:
.L_overlay_start_0:
0x88: {  	s2 =	sld [smem:$0x3FD9]  }
0x89: {  	s3 =	sld [smem:$0x3FFE];
	_ =	sdelay $0x1  }
0x8a: {  	s1 =	srdreg.scid  }
0x8b: {  	s0 =	sand.u32 $0x1, s1  }
0x8c: {  	s17 =	sshll.u32 s0, $0xA;
	s2 =	sadd.s32 s3, s2  }
0x8d: {  	s2 =	sadd.s32 s2, s17  }
0x8e: {  	[smem:$0x3FC7] =	sst s2  }
0x8f: {  	_ = 	snop  }
0x90: {  	s2 =	sld [smem:$0x3FD0];
	(tm) =	ssettm $0x1  }
0x91: {  	s18 =	sld [smem:$0x3FFB];
	_ =	sdelay $0x3  }
0x92: {  	_ =	strace s18  }
0x93: {  	s3 =	sld [smem:$0x3FFC];
	_ =	sdelay $0x3  }
0x94: {  	_ =	strace s3  }
0x95: {  	s3 =	sld [smem:$0x3FFD];
	_ =	sdelay $0x3  }
0x96: {  	_ =	strace s3  }
0x97: {  	_ =	strace $0x8FFFFFFF  }
0x98: {  	s19 =	sld [smem:$0x3FDB];
	_ =	sdelay $0x1  }
0x99: {  	s4 =	simm.s32 $_scs_section_size  }
0x9a: {  	s5 =	simm.s32 $_size__tile_overlayer_lowered;
	s6 =	simm.s32 $_tile_overlayer_lowered  }
0x9b: {  	s22 =	simm.s32 $0x1BFF;
	s21 =	sshll.u32 s6, $0x1;
	s3 =	sadd.s32 s4, s19  }
0x9c: {  	s7 =	simm.s32 $0x0;
	s20 =	sshll.u32 s5, $0x1;
	s5 =	sadd.s32 s21, s3  }
0x9d: {  	[timem:s7], [sflag:s22] =	dma.local [hbm:s5], s20  }
0x9e: {  	_ =	swait.ge [sflag:s22], s20  }
0x9f: {  	s4 =	ssub.s32 $0x0, s20;
	[sflag:s22] =	ssyncset.done $0x0  }
0xa0: {  	[sflag:s22] =	ssyncadd.s32 s4;
	_ =	sdelay $0x1  }
0xa1: {  	s23 =	simm.s32 $0x1B8B  }
0xa2: {  	_ =	swait.ge [sflag:s23], $0x1  }
0xa3: {  	[sflag:s23] =	ssyncset.done $0x0  }
0xa4: {  	s25 =	simm.s32 $0x1B8E;
	s24 =	sld [smem:$0x3FFE];
	[sflag:s23] =	ssyncadd.s32 $0xFFFFFFFF  }
0xa5: {  	s26 =	simm.s32 $execute0_lowered;
	[smem:$0x3FD2] =	sst s25  }
0xa6: {  	s5 =	sshll.u32 s26, $0x1;
	_ =	strace $0x80000046;
	[dreg:$0x1] =	wrdreg $0xFFFFFFFF  }
0xa7: {  	s28 =	simm.s32 $_size_execute0_lowered;
	s3 =	sadd.s32 s3, s5;
	[dreg:$0x0] =	wrdreg $0x0  }
0xa8: {  	s5 =	sshll.u32 s28, $0x1;
	[dreg:$0x2] =	wrdreg s3  }
0xa9: {  	[dreg:$0x3] =	wrdreg s5  }
0xaa: {  	[dreg:$0x4] =	wrdreg $0xC0  }
0xab: {  	_ =	task [dreg:s7], $0x5FFFF  }
0xac: {  	[dreg:$0x1] =	wrdreg $0xFFFFFFFF  }
0xad: {  	[dreg:$0x0] =	wrdreg $0x60  }
0xae: {  	[dreg:$0x2] =	wrdreg s24  }
0xaf: {  	[dreg:$0x3] =	wrdreg s2  }
0xb0: {  	[dreg:$0x4] =	wrdreg $0x9  }
0xb1: {  	_ =	task.clear_ibuf [dreg:s7], $0x5FFFF;
	_ =	strace $0x90000046  }
0xb2: {  	s29 =	simm.s32 $0x9;
	_ =	strace $0x80000048  }
0xb3: {  	_ =	swait.ge [sflag:s29], $0x1  }
0xb4: {  	[sflag:s29] =	ssyncadd.s32 $0xFFFFFFFF  }
0xb5: {  	_ =	strace $0x90000048  }
0xb6: {  	_ =	sfence  }
0xb7: {  	s30 =	sld [smem:$0x0];
	_ =	sdelay $0x2  }
0xb8: {  	s31 =	sshll.u32 s1, $0xD;
	s1 =	sshrl.u32 s1, $0x2  }
0xb9: {  	s3 =	sand.u32 $0x4000, s31;
	s1 =	sadd.s32 s1, s30  }
0xba: {  	s0 =	sor.u32 s3, s0;
	s1 =	sshll.u32 s1, $0x11  }
0xbb: {  	s0 =	sor.u32 s1, s0  }
0xbc: {  	s0 =	sadd.s32 $0x8F2B, s0  }
0xbd: {  	[sflag:s0] =	ssyncadd.remote.s32 $0x1  }
0xbe: {  	_ =	sfence.sel $0xFFFF  }
0xbf: {  	[dreg:$0x0] =	wrdreg $0xFFFFFFFF;
	(pc) =	sbr.abs _section_cstart, $3  }
0xc0: {  	[dreg:$0x1] =	wrdreg $0xFFFFFFFF  }
0xc1: {  	_ =	task.clear_ibuf [dreg:s7], $0x2FFFF;
	_ =	strace $0x9FFFFFFF  }
0xc2: {  	(tm) =	ssettm $0x7FFFFFFF  }
0xc3: {  	_ =	shalt  }
tec
execute0_lowered:
.L_overlay_start_1:
0x0: {  	(tag) =	ssettag $0x1  }
0x1: {  	s1 =	srdreg.scid;
	v0 =	vlaneseq.u32  }
0x2: {  	s0 =	stileid.u32;
	s10 =	sand.u32 $0x1, s1;
	v15 =	vmul.u32 $0x10, v0  }
0x3: {  	s1 =	sor.u32 s10, s0  }
0x4: {  	s3 =	rddreg [dreg:$0x0];
	p1 =	seq.s32 s10, $0x1;
	p0 =	seq.s32 s1, $0x0;
	v2 =	vadd.s32 $0x10, v15;
	v3 =	vadd.s32 $0x110, v15;
	v4 =	vadd.s32 $0x210, v15  }
0x5: {  	s12 =	rddreg [dreg:$0x1];
	v5 =	vadd.s32 $0x310, v15;
	v6 =	vadd.s32 $0x410, v15;
	v7 =	vadd.s32 $0x510, v15;
	p0 =	por !p0, !p1  }
0x6: {  	s2 =	simm.s32 $0x0;
	s1 =	simm.s32 $0x1;
	v8 =	vadd.s32 $0x610, v15;
	v9 =	vadd.s32 $0x710, v15;
	v10 =	vadd.s32 $0x810, v15;
	p0 =	por !p0, !p0  }
0x7: {  	[smem:$0x7FF] =	sst s2;
	s3 =	sadd.s32 $0x400, s3;
	v11 =	vadd.s32 $0x910, v15;
	v12 =	vadd.s32 $0xA10, v15;
	v13 =	vadd.s32 $0xB10, v15;
	s1 =	simm.s32 @!p0 $0x0  }
0x8: {  	s4 =	ssub.s32 $0x2, s10;
	s6 =	sshll.u32 s10, $0xA;
	v14 =	vadd.s32 $0xC10, v15;
	v16 =	vadd.s32 $0xD10, v15;
	v17 =	vadd.s32 $0xE10, v15;
	s14 =	ssub.s32 s0, s1  }
0x9: {  	s15 =	sshll.u32 s10, $0x15;
	s31 =	sshll.u32 s10, $0xC;
	s5 =	sshrl.u32 s4, $0x1;
	v18 =	vadd.s32 $0xF10, v15;
	v0 =	vmov s14;
	v2 =	vadd.s32 s14, v2  }
0xa: {  	s13 =	sxor.u32 $0x400, s6;
	s7 =	ssub.s32 s4, s5;
	s4 =	simm.s32 $0x1;
	v3 =	vadd.s32 s14, v3;
	v4 =	vadd.s32 s14, v4;
	v5 =	vadd.s32 s14, v5  }
0xb: {  	s5 =	sor.u32 $0x1010, s13;
	s8 =	sor.u32 $0x8395, s13;
	s9 =	sor.u32 $0x8394, s13;
	v6 =	vadd.s32 s14, v6;
	v7 =	vadd.s32 s14, v7;
	v8 =	vadd.s32 s14, v8  }
0xc: {  	s10 =	sor.u32 $0x5210, s13;
	s6 =	smax.u32 s7, $0x1;
	s7 =	sor.u32 $0x8396, s13;
	v9 =	vadd.s32 s14, v9;
	v10 =	vadd.s32 s14, v10;
	v11 =	vadd.s32 s14, v11  }
0xd: {  	s1 =	rddreg [dreg:$0x2];
	_ =	strace $0x80000047;
	s11 =	sshll.u32 s14, $0x16;
	v12 =	vadd.s32 s14, v12;
	v13 =	vadd.s32 s14, v13;
	v14 =	vadd.s32 s14, v14  }
0xe: {  	v15 =	vadd.s32 s14, v16;
	v16 =	vadd.s32 s14, v17;
	v17 =	vadd.s32 s14, v18;
	s14 =	simm.s32 $0x2;
	s11 =	sor.u32 s15, s11;
	s15 =	ssub.s32 $0x0, s31  }
0xf: {  	s16 =	sshrl.u32 s11, $0x3;
	s11 =	sor.u32 $0x6290, s13;
	s15 =	sshra.s32 s15, $0x2  }
0x10: {  	s16 =	sadd.s32 s16, s12;
	s12 =	sor.u32 $0x7310, s13;
	s15 =	sadd.s32 $0x1010, s15  }
0x11: {  	v1 =	vadd.s32 $0x1000, v0;
	s13 =	sadd.s32 $0x780, s16;
	[dreg:$0x3] =	wrdreg s15;
	s15 =	simm.s32 $0x0  }
.LBB2_1:
0x12: {  	[tilespmem:s2], [sflag:$0x2] =	stream.linear.gather [hbm4b:s3+s2], $0x1010, $0x38;
	[tilespmem:$0x9410] =	vst v63  }
0x13: {  	_ =	swait.ge [sflag:s14], $0x1010  }
0x14: {  	[sflag:s14] =	ssyncset.done $0x0  }
0x15: {  	[sflag:s14] =	ssyncadd.s32 $0xFFFFEFF0  }
0x16: {  	v19 =	vld.idx.msk [tilespmem:v0+s2+$0x0], $0xffff;
	_ =	sdelay $0x3  }
0x17: {  	s16 =	simm.s32 $0x8400  }
0x18: {  	v18 =	vld.idx.msk [tilespmem:v1+s2+$0x0], $0xffff;
	[tilespmem:s16+$0xFFFFFF90] =	vst v19  }
0x19: {  	[tilespmem:s16+$0x0] =	vst v19  }
0x1a: {  	[tilespmem:s16+$0xFFFFFFF0] =	vst v19  }
0x1b: {  	[tilespmem:s16+$0xFFFFFFE0] =	vst v19  }
0x1c: {  	[tilespmem:s16+$0xFFFFFFD0] =	vst v19  }
0x1d: {  	[tilespmem:s16+$0xFFFFFFC0] =	vst v19  }
0x1e: {  	s17 =	simm.s32 $0x0;
	[tilespmem:s16+$0xFFFFFFB0] =	vst v19  }
.LBB2_2:
0x1f: {  	s17 =	sadd.s32 $0x8, s17;
	[tilespmem:s16+$0xFFFFFFA0] =	vst v19;
	s16 =	sadd.s32 $0x80, s16  }
0x20: {  	[tilespmem:s16+$0xFFFFFF90] =	vst v19;
	p0 =	slt.u32 s17, $0x70  }
0x21: {  	[tilespmem:s16+$0x0] =	vst v19  }
.Ltmp0:
0x22: {  	[tilespmem:s16+$0xFFFFFFF0] =	vst v19;
	(pc) =	sbr.rel @p0 .LBB2_2-.Ltmp0, $4  }
0x23: {  	[tilespmem:s16+$0xFFFFFFE0] =	vst v19  }
0x24: {  	[tilespmem:s16+$0xFFFFFFD0] =	vst v19  }
0x25: {  	[tilespmem:s16+$0xFFFFFFC0] =	vst v19  }
0x26: {  	[tilespmem:s16+$0xFFFFFFB0] =	vst v19  }
0x27: {  	_ =	sdelay $0x2  }
0x28: {  	[tilespmem:s16+$0xFFFFFFA0] =	vst v19  }
0x29: {  	v19 =	vld.idx.msk [tilespmem:v2+s2+$0x0], $0xffff;
	_ =	sdelay $0x4  }
0x2a: {  	[tilespmem:$0x8B10] =	vst v19  }
0x2b: {  	v19 =	vld.idx.msk [tilespmem:v3+s2+$0x0], $0xffff;
	_ =	sdelay $0x4  }
0x2c: {  	[tilespmem:$0x8B20] =	vst v19  }
0x2d: {  	v19 =	vld.idx.msk [tilespmem:v4+s2+$0x0], $0xffff;
	_ =	sdelay $0x4  }
0x2e: {  	[tilespmem:$0x8B30] =	vst v19  }
0x2f: {  	v19 =	vld.idx.msk [tilespmem:v5+s2+$0x0], $0xffff;
	_ =	sdelay $0x4  }
0x30: {  	[tilespmem:$0x8B40] =	vst v19  }
0x31: {  	v19 =	vld.idx.msk [tilespmem:v6+s2+$0x0], $0xffff;
	_ =	sdelay $0x4  }
0x32: {  	[tilespmem:$0x8B50] =	vst v19  }
0x33: {  	v19 =	vld.idx.msk [tilespmem:v7+s2+$0x0], $0xffff;
	_ =	sdelay $0x4  }
0x34: {  	[tilespmem:$0x8B60] =	vst v19  }
0x35: {  	v19 =	vld.idx.msk [tilespmem:v8+s2+$0x0], $0xffff;
	_ =	sdelay $0x4  }
0x36: {  	[tilespmem:$0x8B70] =	vst v19  }
0x37: {  	v19 =	vld.idx.msk [tilespmem:v9+s2+$0x0], $0xffff;
	_ =	sdelay $0x4  }
0x38: {  	[tilespmem:$0x8B80] =	vst v19  }
0x39: {  	v19 =	vld.idx.msk [tilespmem:v10+s2+$0x0], $0xffff;
	_ =	sdelay $0x4  }
0x3a: {  	[tilespmem:$0x8B90] =	vst v19  }
0x3b: {  	v19 =	vld.idx.msk [tilespmem:v11+s2+$0x0], $0xffff;
	_ =	sdelay $0x4  }
0x3c: {  	[tilespmem:$0x8BA0] =	vst v19  }
0x3d: {  	v19 =	vld.idx.msk [tilespmem:v12+s2+$0x0], $0xffff;
	_ =	sdelay $0x4  }
0x3e: {  	[tilespmem:$0x8BB0] =	vst v19  }
0x3f: {  	v19 =	vld.idx.msk [tilespmem:v13+s2+$0x0], $0xffff;
	_ =	sdelay $0x4  }
0x40: {  	[tilespmem:$0x8BC0] =	vst v19  }
0x41: {  	v19 =	vld.idx.msk [tilespmem:v14+s2+$0x0], $0xffff;
	_ =	sdelay $0x4  }
0x42: {  	[tilespmem:$0x8BD0] =	vst v19  }
0x43: {  	v19 =	vld.idx.msk [tilespmem:v15+s2+$0x0], $0xffff;
	_ =	sdelay $0x4  }
0x44: {  	[tilespmem:$0x8BE0] =	vst v19  }
0x45: {  	v19 =	vld.idx.msk [tilespmem:v16+s2+$0x0], $0xffff;
	_ =	sdelay $0x4  }
0x46: {  	[tilespmem:$0x8BF0] =	vst v19  }
0x47: {  	v19 =	vld.idx.msk [tilespmem:v17+s2+$0x0], $0xffff;
	_ =	sdelay $0x4  }
0x48: {  	s16 =	simm.s32 $0x8C80;
	[tilespmem:$0x8C00] =	vst v19  }
0x49: {  	[tilespmem:s16+$0xFFFFFF90] =	vst v18  }
0x4a: {  	[tilespmem:s16+$0x0] =	vst v18  }
0x4b: {  	[tilespmem:s16+$0xFFFFFFF0] =	vst v18  }
0x4c: {  	[tilespmem:s16+$0xFFFFFFE0] =	vst v18  }
0x4d: {  	[tilespmem:s16+$0xFFFFFFD0] =	vst v18  }
0x4e: {  	[tilespmem:s16+$0xFFFFFFC0] =	vst v18  }
0x4f: {  	s17 =	simm.s32 $0x0;
	[tilespmem:s16+$0xFFFFFFB0] =	vst v18  }
.LBB2_4:
0x50: {  	s17 =	sadd.s32 $0x8, s17;
	[tilespmem:s16+$0xFFFFFFA0] =	vst v18;
	s16 =	sadd.s32 $0x80, s16  }
0x51: {  	[tilespmem:s16+$0xFFFFFF90] =	vst v18;
	p0 =	slt.u32 s17, $0x78  }
0x52: {  	[tilespmem:s16+$0x0] =	vst v18  }
.Ltmp1:
0x53: {  	[tilespmem:s16+$0xFFFFFFF0] =	vst v18;
	(pc) =	sbr.rel @p0 .LBB2_4-.Ltmp1, $4  }
0x54: {  	[tilespmem:s16+$0xFFFFFFE0] =	vst v18  }
0x55: {  	[tilespmem:s16+$0xFFFFFFD0] =	vst v18  }
0x56: {  	[tilespmem:s16+$0xFFFFFFC0] =	vst v18  }
0x57: {  	[tilespmem:s16+$0xFFFFFFB0] =	vst v18  }
0x58: {  	[tilespmem:s16+$0xFFFFFFA0] =	vst v18  }
0x59: {  	v21 =	vld [tilespmem:s5+$0x73F7]  }
0x5a: {  	v22 =	vld [tilespmem:s5+$0x7397]  }
0x5b: {  	v23 =	vld [tilespmem:s5+$0x73A7]  }
0x5c: {  	v19 =	vld [tilespmem:s5+$0x73B7]  }
0x5d: {  	v18 =	vld [tilespmem:s5+$0x73C7]  }
0x5e: {  	v20 =	vld [tilespmem:s5+$0x73D7];
	[tilespmem:s5+$0x70] =	vst v21  }
0x5f: {  	[tilespmem:s5+$0x10] =	vst v22;
	v21 =	vld [tilespmem:s5+$0x73E7]  }
0x60: {  	s17 =	simm.s32 $0x0;
	s18 =	sadd.s32 $0x80, s5;
	s16 =	smov.u32 s5;
	v22 =	vld [tilespmem:s5+$0x7387];
	[tilespmem:s5+$0x20] =	vst v23  }
.LBB2_6:
0x61: {  	v23 =	vld [tilespmem:s18+$0x73F7];
	s17 =	sadd.s32 $0x8, s17;
	[tilespmem:s16+$0x30] =	vst v19  }
0x62: {  	v24 =	vld [tilespmem:s18+$0x7397];
	p0 =	slt.u32 s17, $0xB8;
	[tilespmem:s16+$0x40] =	vst v18  }
0x63: {  	v25 =	vld [tilespmem:s18+$0x73A7];
	[tilespmem:s16+$0x50] =	vst v20  }
.Ltmp2:
0x64: {  	v19 =	vld [tilespmem:s18+$0x73B7];
	[tilespmem:s16+$0x60] =	vst v21;
	(pc) =	sbr.rel @p0 .LBB2_6-.Ltmp2, $4  }
0x65: {  	v18 =	vld [tilespmem:s18+$0x73C7];
	[tilespmem:s16+$0x0] =	vst v22;
	s16 =	smov.u32 s18  }
0x66: {  	v20 =	vld [tilespmem:s18+$0x73D7];
	[tilespmem:s18+$0x70] =	vst v23  }
0x67: {  	[tilespmem:s18+$0x10] =	vst v24;
	v21 =	vld [tilespmem:s18+$0x73E7]  }
0x68: {  	s18 =	sadd.s32 $0x80, s18;
	v22 =	vld [tilespmem:s16+$0x7387];
	[tilespmem:s16+$0x20] =	vst v25  }
0x69: {  	[tilespmem:s16+$0x30] =	vst v19  }
0x6a: {  	[tilespmem:s16+$0x40] =	vst v18  }
0x6b: {  	[tilespmem:s16+$0x50] =	vst v20  }
0x6c: {  	[tilespmem:s16+$0x60] =	vst v21  }
0x6d: {  	[tilespmem:s16+$0x0] =	vst v22  }
0x6e: {  	v21 =	vld [tilespmem:s7+$0x70]  }
0x6f: {  	v22 =	vld [tilespmem:s7+$0x10]  }
0x70: {  	v23 =	vld [tilespmem:s7+$0x20]  }
0x71: {  	v19 =	vld [tilespmem:s7+$0x30]  }
0x72: {  	v18 =	vld [tilespmem:s7+$0x40]  }
0x73: {  	v20 =	vld [tilespmem:s7+$0x50];
	[tilespmem:s7+$0xFFFF9D6A] =	vst v21  }
0x74: {  	[tilespmem:s7+$0xFFFF9D0A] =	vst v22;
	v21 =	vld [tilespmem:s7+$0x60]  }
0x75: {  	s17 =	simm.s32 $0x0;
	s18 =	sadd.s32 $0x80, s7;
	s16 =	smov.u32 s7;
	v22 =	vld [tilespmem:s7+$0x0];
	[tilespmem:s7+$0xFFFF9D1A] =	vst v23  }
.LBB2_8:
0x76: {  	v23 =	vld [tilespmem:s18+$0x70];
	s17 =	sadd.s32 $0x8, s17;
	[tilespmem:s16+$0xFFFF9D2A] =	vst v19  }
0x77: {  	v24 =	vld [tilespmem:s18+$0x10];
	p0 =	slt.u32 s17, $0xB8;
	[tilespmem:s16+$0xFFFF9D3A] =	vst v18  }
0x78: {  	v25 =	vld [tilespmem:s18+$0x20];
	[tilespmem:s16+$0xFFFF9D4A] =	vst v20  }
.Ltmp3:
0x79: {  	v19 =	vld [tilespmem:s18+$0x30];
	[tilespmem:s16+$0xFFFF9D5A] =	vst v21;
	(pc) =	sbr.rel @p0 .LBB2_8-.Ltmp3, $4  }
0x7a: {  	v18 =	vld [tilespmem:s18+$0x40];
	[tilespmem:s16+$0xFFFF9CFA] =	vst v22;
	s16 =	smov.u32 s18  }
0x7b: {  	v20 =	vld [tilespmem:s18+$0x50];
	[tilespmem:s18+$0xFFFF9D6A] =	vst v23  }
0x7c: {  	[tilespmem:s18+$0xFFFF9D0A] =	vst v24;
	v21 =	vld [tilespmem:s18+$0x60]  }
0x7d: {  	s18 =	sadd.s32 $0x80, s18;
	v22 =	vld [tilespmem:s16+$0x0];
	[tilespmem:s16+$0xFFFF9D1A] =	vst v25  }
0x7e: {  	[tilespmem:s16+$0xFFFF9D2A] =	vst v19  }
0x7f: {  	[tilespmem:s16+$0xFFFF9D3A] =	vst v18  }
0x80: {  	[tilespmem:s16+$0xFFFF9D4A] =	vst v20  }
0x81: {  	[tilespmem:s16+$0xFFFF9D5A] =	vst v21  }
0x82: {  	[tilespmem:s16+$0xFFFF9CFA] =	vst v22  }
0x83: {  	v21 =	vld [tilespmem:s8+$0x70]  }
0x84: {  	v22 =	vld [tilespmem:s8+$0x10]  }
0x85: {  	v23 =	vld [tilespmem:s8+$0x20]  }
0x86: {  	v19 =	vld [tilespmem:s8+$0x30]  }
0x87: {  	v18 =	vld [tilespmem:s8+$0x40]  }
0x88: {  	v20 =	vld [tilespmem:s8+$0x50];
	[tilespmem:s8+$0xFFFFADEB] =	vst v21  }
0x89: {  	[tilespmem:s8+$0xFFFFAD8B] =	vst v22;
	v21 =	vld [tilespmem:s8+$0x60]  }
0x8a: {  	s17 =	simm.s32 $0x0;
	s18 =	sadd.s32 $0x80, s8;
	s16 =	smov.u32 s8;
	v22 =	vld [tilespmem:s8+$0x0];
	[tilespmem:s8+$0xFFFFAD9B] =	vst v23  }
.LBB2_10:
0x8b: {  	v23 =	vld [tilespmem:s18+$0x70];
	s17 =	sadd.s32 $0x8, s17;
	[tilespmem:s16+$0xFFFFADAB] =	vst v19  }
0x8c: {  	v24 =	vld [tilespmem:s18+$0x10];
	p0 =	slt.u32 s17, $0xB8;
	[tilespmem:s16+$0xFFFFADBB] =	vst v18  }
0x8d: {  	v25 =	vld [tilespmem:s18+$0x20];
	[tilespmem:s16+$0xFFFFADCB] =	vst v20  }
.Ltmp4:
0x8e: {  	v19 =	vld [tilespmem:s18+$0x30];
	[tilespmem:s16+$0xFFFFADDB] =	vst v21;
	(pc) =	sbr.rel @p0 .LBB2_10-.Ltmp4, $4  }
0x8f: {  	v18 =	vld [tilespmem:s18+$0x40];
	[tilespmem:s16+$0xFFFFAD7B] =	vst v22;
	s16 =	smov.u32 s18  }
0x90: {  	v20 =	vld [tilespmem:s18+$0x50];
	[tilespmem:s18+$0xFFFFADEB] =	vst v23  }
0x91: {  	[tilespmem:s18+$0xFFFFAD8B] =	vst v24;
	v21 =	vld [tilespmem:s18+$0x60]  }
0x92: {  	s18 =	sadd.s32 $0x80, s18;
	v22 =	vld [tilespmem:s16+$0x0];
	[tilespmem:s16+$0xFFFFAD9B] =	vst v25  }
0x93: {  	[tilespmem:s16+$0xFFFFADAB] =	vst v19  }
0x94: {  	[tilespmem:s16+$0xFFFFADBB] =	vst v18  }
0x95: {  	[tilespmem:s16+$0xFFFFADCB] =	vst v20  }
0x96: {  	[tilespmem:s16+$0xFFFFADDB] =	vst v21  }
0x97: {  	[tilespmem:s16+$0xFFFFAD7B] =	vst v22  }
0x98: {  	v21 =	vld [tilespmem:s9+$0x70]  }
0x99: {  	v22 =	vld [tilespmem:s9+$0x10]  }
0x9a: {  	v23 =	vld [tilespmem:s9+$0x20]  }
0x9b: {  	v19 =	vld [tilespmem:s9+$0x30]  }
0x9c: {  	v18 =	vld [tilespmem:s9+$0x40]  }
0x9d: {  	v20 =	vld [tilespmem:s9+$0x50];
	[tilespmem:s9+$0xFFFFBE6C] =	vst v21  }
0x9e: {  	[tilespmem:s9+$0xFFFFBE0C] =	vst v22;
	v21 =	vld [tilespmem:s9+$0x60]  }
0x9f: {  	s17 =	simm.s32 $0x0;
	s18 =	sadd.s32 $0x80, s9;
	s16 =	smov.u32 s9;
	v22 =	vld [tilespmem:s9+$0x0];
	[tilespmem:s9+$0xFFFFBE1C] =	vst v23  }
.LBB2_12:
0xa0: {  	v23 =	vld [tilespmem:s18+$0x70];
	s17 =	sadd.s32 $0x8, s17;
	[tilespmem:s16+$0xFFFFBE2C] =	vst v19  }
0xa1: {  	v24 =	vld [tilespmem:s18+$0x10];
	p0 =	slt.u32 s17, $0xB8;
	[tilespmem:s16+$0xFFFFBE3C] =	vst v18  }
0xa2: {  	v25 =	vld [tilespmem:s18+$0x20];
	[tilespmem:s16+$0xFFFFBE4C] =	vst v20  }
.Ltmp5:
0xa3: {  	v19 =	vld [tilespmem:s18+$0x30];
	[tilespmem:s16+$0xFFFFBE5C] =	vst v21;
	(pc) =	sbr.rel @p0 .LBB2_12-.Ltmp5, $4  }
0xa4: {  	v18 =	vld [tilespmem:s18+$0x40];
	[tilespmem:s16+$0xFFFFBDFC] =	vst v22;
	s16 =	smov.u32 s18  }
0xa5: {  	v20 =	vld [tilespmem:s18+$0x50];
	[tilespmem:s18+$0xFFFFBE6C] =	vst v23  }
0xa6: {  	[tilespmem:s18+$0xFFFFBE0C] =	vst v24;
	v21 =	vld [tilespmem:s18+$0x60]  }
0xa7: {  	s18 =	sadd.s32 $0x80, s18;
	v22 =	vld [tilespmem:s16+$0x0];
	[tilespmem:s16+$0xFFFFBE1C] =	vst v25  }
0xa8: {  	[tilespmem:s16+$0xFFFFBE2C] =	vst v19  }
0xa9: {  	[tilespmem:s16+$0xFFFFBE3C] =	vst v18  }
0xaa: {  	[tilespmem:s16+$0xFFFFBE4C] =	vst v20  }
0xab: {  	[tilespmem:s16+$0xFFFFBE5C] =	vst v21  }
0xac: {  	[tilespmem:s16+$0xFFFFBDFC] =	vst v22  }
0xad: {  	v21 =	vld [tilespmem:s10+$0x31F3]  }
0xae: {  	v22 =	vld [tilespmem:s10+$0x3193]  }
0xaf: {  	v23 =	vld [tilespmem:s10+$0x31A3]  }
0xb0: {  	v19 =	vld [tilespmem:s10+$0x31B3]  }
0xb1: {  	v18 =	vld [tilespmem:s10+$0x31C3]  }
0xb2: {  	v20 =	vld [tilespmem:s10+$0x31D3];
	[tilespmem:s10+$0x70] =	vst v21  }
0xb3: {  	[tilespmem:s10+$0x10] =	vst v22;
	v21 =	vld [tilespmem:s10+$0x31E3]  }
0xb4: {  	s17 =	simm.s32 $0x0;
	s18 =	sadd.s32 $0x80, s10;
	s16 =	smov.u32 s10;
	v22 =	vld [tilespmem:s10+$0x3183];
	[tilespmem:s10+$0x20] =	vst v23  }
.LBB2_14:
0xb5: {  	v23 =	vld [tilespmem:s18+$0x31F3];
	s17 =	sadd.s32 $0x8, s17;
	[tilespmem:s16+$0x30] =	vst v19  }
0xb6: {  	v24 =	vld [tilespmem:s18+$0x3193];
	p0 =	slt.u32 s17, $0xB8;
	[tilespmem:s16+$0x40] =	vst v18  }
0xb7: {  	v25 =	vld [tilespmem:s18+$0x31A3];
	[tilespmem:s16+$0x50] =	vst v20  }
.Ltmp6:
0xb8: {  	v19 =	vld [tilespmem:s18+$0x31B3];
	[tilespmem:s16+$0x60] =	vst v21;
	(pc) =	sbr.rel @p0 .LBB2_14-.Ltmp6, $4  }
0xb9: {  	v18 =	vld [tilespmem:s18+$0x31C3];
	[tilespmem:s16+$0x0] =	vst v22;
	s16 =	smov.u32 s18  }
0xba: {  	v20 =	vld [tilespmem:s18+$0x31D3];
	[tilespmem:s18+$0x70] =	vst v23  }
0xbb: {  	[tilespmem:s18+$0x10] =	vst v24;
	v21 =	vld [tilespmem:s18+$0x31E3]  }
0xbc: {  	s18 =	sadd.s32 $0x80, s18;
	v22 =	vld [tilespmem:s16+$0x3183];
	[tilespmem:s16+$0x20] =	vst v25  }
0xbd: {  	[tilespmem:s16+$0x30] =	vst v19  }
0xbe: {  	[tilespmem:s16+$0x40] =	vst v18  }
0xbf: {  	[tilespmem:s16+$0x50] =	vst v20  }
0xc0: {  	[tilespmem:s16+$0x60] =	vst v21  }
0xc1: {  	[tilespmem:s16+$0x0] =	vst v22  }
0xc2: {  	v21 =	vld [tilespmem:s11+$0x2172]  }
0xc3: {  	v22 =	vld [tilespmem:s11+$0x2112]  }
0xc4: {  	v23 =	vld [tilespmem:s11+$0x2122]  }
0xc5: {  	v19 =	vld [tilespmem:s11+$0x2132]  }
0xc6: {  	v18 =	vld [tilespmem:s11+$0x2142]  }
0xc7: {  	v20 =	vld [tilespmem:s11+$0x2152];
	[tilespmem:s11+$0x70] =	vst v21  }
0xc8: {  	[tilespmem:s11+$0x10] =	vst v22;
	v21 =	vld [tilespmem:s11+$0x2162]  }
0xc9: {  	s17 =	simm.s32 $0x0;
	s18 =	sadd.s32 $0x80, s11;
	s16 =	smov.u32 s11;
	v22 =	vld [tilespmem:s11+$0x2102];
	[tilespmem:s11+$0x20] =	vst v23  }
.LBB2_16:
0xca: {  	v23 =	vld [tilespmem:s18+$0x2172];
	s17 =	sadd.s32 $0x8, s17;
	[tilespmem:s16+$0x30] =	vst v19  }
0xcb: {  	v24 =	vld [tilespmem:s18+$0x2112];
	p0 =	slt.u32 s17, $0xB8;
	[tilespmem:s16+$0x40] =	vst v18  }
0xcc: {  	v25 =	vld [tilespmem:s18+$0x2122];
	[tilespmem:s16+$0x50] =	vst v20  }
.Ltmp7:
0xcd: {  	v19 =	vld [tilespmem:s18+$0x2132];
	[tilespmem:s16+$0x60] =	vst v21;
	(pc) =	sbr.rel @p0 .LBB2_16-.Ltmp7, $4  }
0xce: {  	v18 =	vld [tilespmem:s18+$0x2142];
	[tilespmem:s16+$0x0] =	vst v22;
	s16 =	smov.u32 s18  }
0xcf: {  	v20 =	vld [tilespmem:s18+$0x2152];
	[tilespmem:s18+$0x70] =	vst v23  }
0xd0: {  	[tilespmem:s18+$0x10] =	vst v24;
	v21 =	vld [tilespmem:s18+$0x2162]  }
0xd1: {  	s18 =	sadd.s32 $0x80, s18;
	v22 =	vld [tilespmem:s16+$0x2102];
	[tilespmem:s16+$0x20] =	vst v25  }
0xd2: {  	[tilespmem:s16+$0x30] =	vst v19  }
0xd3: {  	[tilespmem:s16+$0x40] =	vst v18  }
0xd4: {  	[tilespmem:s16+$0x50] =	vst v20  }
0xd5: {  	[tilespmem:s16+$0x60] =	vst v21  }
0xd6: {  	[tilespmem:s16+$0x0] =	vst v22  }
0xd7: {  	v21 =	vld [tilespmem:s12+$0x10F1]  }
0xd8: {  	v22 =	vld [tilespmem:s12+$0x1091]  }
0xd9: {  	v23 =	vld [tilespmem:s12+$0x10A1]  }
0xda: {  	v20 =	vld [tilespmem:s12+$0x10B1]  }
0xdb: {  	v18 =	vld [tilespmem:s12+$0x10C1]  }
0xdc: {  	v19 =	vld [tilespmem:s12+$0x10D1];
	[tilespmem:s12+$0x70] =	vst v21  }
0xdd: {  	[tilespmem:s12+$0x10] =	vst v22;
	v22 =	vld [tilespmem:s12+$0x10E1]  }
0xde: {  	s18 =	sadd.s32 $0x80, s12;
	s17 =	smov.u32 s12;
	s16 =	simm.s32 $0x0;
	v21 =	vld [tilespmem:s12+$0x1081];
	[tilespmem:s12+$0x20] =	vst v23  }
.LBB2_18:
0xdf: {  	v23 =	vld [tilespmem:s18+$0x10F1];
	s16 =	sadd.s32 $0x8, s16;
	[tilespmem:s17+$0x30] =	vst v20  }
0xe0: {  	v24 =	vld [tilespmem:s18+$0x1091];
	p0 =	slt.u32 s16, $0xB8;
	[tilespmem:s17+$0x40] =	vst v18  }
0xe1: {  	v25 =	vld [tilespmem:s18+$0x10A1];
	[tilespmem:s17+$0x50] =	vst v19  }
.Ltmp8:
0xe2: {  	v20 =	vld [tilespmem:s18+$0x10B1];
	[tilespmem:s17+$0x60] =	vst v22;
	(pc) =	sbr.rel @p0 .LBB2_18-.Ltmp8, $4  }
0xe3: {  	v18 =	vld [tilespmem:s18+$0x10C1];
	[tilespmem:s17+$0x0] =	vst v21;
	s17 =	smov.u32 s18  }
0xe4: {  	v19 =	vld [tilespmem:s18+$0x10D1];
	[tilespmem:s18+$0x70] =	vst v23  }
0xe5: {  	[tilespmem:s18+$0x10] =	vst v24;
	v22 =	vld [tilespmem:s18+$0x10E1]  }
0xe6: {  	s18 =	sadd.s32 $0x80, s18;
	v21 =	vld [tilespmem:s17+$0x1081];
	[tilespmem:s17+$0x20] =	vst v25  }
0xe7: {  	[tilespmem:s17+$0x30] =	vst v20  }
0xe8: {  	[tilespmem:s17+$0x40] =	vst v18  }
0xe9: {  	s16 =	rddreg [dreg:$0x3];
	[tilespmem:s17+$0x50] =	vst v19  }
0xea: {  	s16 =	sadd.s32 $0x0, s16;
	[tilespmem:s17+$0x60] =	vst v22  }
0xeb: {  	s20 =	sadd.s32 $0xFFFFF880, s13;
	s18 =	sadd.s32 $0x7F8, s16;
	[tilespmem:s17+$0x0] =	vst v21  }
0xec: {  	[hbm4b:s20+s2] =	stream.linear.scatter [tilespmem:s18], [sflag:$0x1], $0x80, $0x38;
	[tilespmem:$0x9410] =	vst v63  }
0xed: {  	s22 =	sadd.s32 $0xFFFFF890, s13;
	s21 =	sadd.s32 $0x1878, s16  }
0xee: {  	[hbm4b:s22+s2] =	stream.linear.scatter [tilespmem:s21], [sflag:$0x1], $0x80, $0x38;
	[tilespmem:$0x9410] =	vst v63  }
0xef: {  	s24 =	sadd.s32 $0xFFFFF8A0, s13;
	s23 =	sadd.s32 $0x28F8, s16  }
0xf0: {  	[hbm4b:s24+s2] =	stream.linear.scatter [tilespmem:s23], [sflag:$0x1], $0x80, $0x38;
	[tilespmem:$0x9410] =	vst v63  }
0xf1: {  	s26 =	sadd.s32 $0xFFFFF8B0, s13;
	s25 =	sadd.s32 $0x3978, s16  }
0xf2: {  	[hbm4b:s26+s2] =	stream.linear.scatter [tilespmem:s25], [sflag:$0x1], $0x80, $0x38;
	[tilespmem:$0x9410] =	vst v63  }
0xf3: {  	s29 =	sadd.s32 $0xFFFFF8C0, s13;
	s28 =	sadd.s32 $0x49F8, s16  }
0xf4: {  	[hbm4b:s29+s2] =	stream.linear.scatter [tilespmem:s28], [sflag:$0x1], $0x80, $0x38;
	[tilespmem:$0x9410] =	vst v63  }
0xf5: {  	s31 =	sadd.s32 $0xFFFFF8D0, s13;
	s30 =	sadd.s32 $0x5A78, s16  }
0xf6: {  	[hbm4b:s31+s2] =	stream.linear.scatter [tilespmem:s30], [sflag:$0x1], $0x80, $0x38;
	[tilespmem:$0x9410] =	vst v63  }
0xf7: {  	s19 =	sadd.s32 $0x6AF8, s16;
	s20 =	sadd.s32 $0xFFFFF8E0, s13  }
0xf8: {  	[hbm4b:s20+s2] =	stream.linear.scatter [tilespmem:s19], [sflag:$0x1], $0x80, $0x38;
	[tilespmem:$0x9410] =	vst v63  }
0xf9: {  	s21 =	sadd.s32 $0x7B78, s16;
	s22 =	sadd.s32 $0xFFFFF8F0, s13  }
0xfa: {  	[hbm4b:s22+s2] =	stream.linear.scatter [tilespmem:s21], [sflag:$0x1], $0x80, $0x38;
	[tilespmem:$0x9410] =	vst v63  }
0xfb: {  	s23 =	sadd.s32 $0xFFFFF900, s13;
	s24 =	sadd.s32 $0x878, s16  }
0xfc: {  	[hbm4b:s23+s2] =	stream.linear.scatter [tilespmem:s24], [sflag:$0x1], $0x80, $0x38;
	[tilespmem:$0x9410] =	vst v63  }
0xfd: {  	s25 =	sadd.s32 $0x18F8, s16;
	s26 =	sadd.s32 $0xFFFFF910, s13  }
0xfe: {  	[hbm4b:s26+s2] =	stream.linear.scatter [tilespmem:s25], [sflag:$0x1], $0x80, $0x38;
	[tilespmem:$0x9410] =	vst v63  }
0xff: {  	s28 =	sadd.s32 $0x2978, s16;
	s29 =	sadd.s32 $0xFFFFF920, s13  }
0x100: {  	[hbm4b:s29+s2] =	stream.linear.scatter [tilespmem:s28], [sflag:$0x1], $0x80, $0x38;
	[tilespmem:$0x9410] =	vst v63  }
0x101: {  	s30 =	sadd.s32 $0x39F8, s16;
	s31 =	sadd.s32 $0xFFFFF930, s13  }
0x102: {  	[hbm4b:s31+s2] =	stream.linear.scatter [tilespmem:s30], [sflag:$0x1], $0x80, $0x38;
	[tilespmem:$0x9410] =	vst v63  }
0x103: {  	s19 =	sadd.s32 $0x4A78, s16;
	s20 =	sadd.s32 $0xFFFFF940, s13  }
0x104: {  	[hbm4b:s20+s2] =	stream.linear.scatter [tilespmem:s19], [sflag:$0x1], $0x80, $0x38;
	[tilespmem:$0x9410] =	vst v63  }
0x105: {  	s21 =	sadd.s32 $0x5AF8, s16;
	s22 =	sadd.s32 $0xFFFFF950, s13  }
0x106: {  	[hbm4b:s22+s2] =	stream.linear.scatter [tilespmem:s21], [sflag:$0x1], $0x80, $0x38;
	[tilespmem:$0x9410] =	vst v63  }
0x107: {  	s23 =	sadd.s32 $0x6B78, s16;
	s24 =	sadd.s32 $0xFFFFF960, s13  }
0x108: {  	[hbm4b:s24+s2] =	stream.linear.scatter [tilespmem:s23], [sflag:$0x1], $0x80, $0x38;
	[tilespmem:$0x9410] =	vst v63  }
0x109: {  	s25 =	sadd.s32 $0x7BF8, s16;
	s26 =	sadd.s32 $0xFFFFF970, s13  }
0x10a: {  	[hbm4b:s26+s2] =	stream.linear.scatter [tilespmem:s25], [sflag:$0x1], $0x80, $0x38;
	[tilespmem:$0x9410] =	vst v63  }
0x10b: {  	s28 =	sadd.s32 $0xFFFFF980, s13;
	s29 =	sadd.s32 $0x8F8, s16  }
0x10c: {  	[hbm4b:s28+s2] =	stream.linear.scatter [tilespmem:s29], [sflag:$0x1], $0x80, $0x38;
	[tilespmem:$0x9410] =	vst v63  }
0x10d: {  	s30 =	sadd.s32 $0x1978, s16;
	s31 =	sadd.s32 $0xFFFFF990, s13  }
0x10e: {  	[hbm4b:s31+s2] =	stream.linear.scatter [tilespmem:s30], [sflag:$0x1], $0x80, $0x38;
	[tilespmem:$0x9410] =	vst v63  }
0x10f: {  	s19 =	sadd.s32 $0x29F8, s16;
	s20 =	sadd.s32 $0xFFFFF9A0, s13  }
0x110: {  	[hbm4b:s20+s2] =	stream.linear.scatter [tilespmem:s19], [sflag:$0x1], $0x80, $0x38;
	[tilespmem:$0x9410] =	vst v63  }
0x111: {  	s21 =	sadd.s32 $0x3A78, s16;
	s22 =	sadd.s32 $0xFFFFF9B0, s13  }
0x112: {  	[hbm4b:s22+s2] =	stream.linear.scatter [tilespmem:s21], [sflag:$0x1], $0x80, $0x38;
	[tilespmem:$0x9410] =	vst v63  }
0x113: {  	s23 =	sadd.s32 $0x4AF8, s16;
	s24 =	sadd.s32 $0xFFFFF9C0, s13  }
0x114: {  	[hbm4b:s24+s2] =	stream.linear.scatter [tilespmem:s23], [sflag:$0x1], $0x80, $0x38;
	[tilespmem:$0x9410] =	vst v63  }
0x115: {  	s25 =	sadd.s32 $0x5B78, s16;
	s26 =	sadd.s32 $0xFFFFF9D0, s13  }
0x116: {  	[hbm4b:s26+s2] =	stream.linear.scatter [tilespmem:s25], [sflag:$0x1], $0x80, $0x38;
	[tilespmem:$0x9410] =	vst v63  }
0x117: {  	s28 =	sadd.s32 $0x6BF8, s16;
	s29 =	sadd.s32 $0xFFFFF9E0, s13  }
0x118: {  	[hbm4b:s29+s2] =	stream.linear.scatter [tilespmem:s28], [sflag:$0x1], $0x80, $0x38;
	[tilespmem:$0x9410] =	vst v63  }
0x119: {  	s30 =	sadd.s32 $0x7C78, s16;
	s31 =	sadd.s32 $0xFFFFF9F0, s13  }
0x11a: {  	[hbm4b:s31+s2] =	stream.linear.scatter [tilespmem:s30], [sflag:$0x1], $0x80, $0x38;
	[tilespmem:$0x9410] =	vst v63  }
0x11b: {  	s19 =	sadd.s32 $0xFFFFFA00, s13;
	s20 =	sadd.s32 $0x978, s16  }
0x11c: {  	[hbm4b:s19+s2] =	stream.linear.scatter [tilespmem:s20], [sflag:$0x1], $0x80, $0x38;
	[tilespmem:$0x9410] =	vst v63  }
0x11d: {  	s21 =	sadd.s32 $0x19F8, s16;
	s22 =	sadd.s32 $0xFFFFFA10, s13  }
0x11e: {  	[hbm4b:s22+s2] =	stream.linear.scatter [tilespmem:s21], [sflag:$0x1], $0x80, $0x38;
	[tilespmem:$0x9410] =	vst v63  }
0x11f: {  	s23 =	sadd.s32 $0x2A78, s16;
	s24 =	sadd.s32 $0xFFFFFA20, s13  }
0x120: {  	[hbm4b:s24+s2] =	stream.linear.scatter [tilespmem:s23], [sflag:$0x1], $0x80, $0x38;
	[tilespmem:$0x9410] =	vst v63  }
0x121: {  	s25 =	sadd.s32 $0x3AF8, s16;
	s26 =	sadd.s32 $0xFFFFFA30, s13  }
0x122: {  	[hbm4b:s26+s2] =	stream.linear.scatter [tilespmem:s25], [sflag:$0x1], $0x80, $0x38;
	[tilespmem:$0x9410] =	vst v63  }
0x123: {  	s28 =	sadd.s32 $0x4B78, s16;
	s29 =	sadd.s32 $0xFFFFFA40, s13  }
0x124: {  	[hbm4b:s29+s2] =	stream.linear.scatter [tilespmem:s28], [sflag:$0x1], $0x80, $0x38;
	[tilespmem:$0x9410] =	vst v63  }
0x125: {  	s30 =	sadd.s32 $0x5BF8, s16;
	s31 =	sadd.s32 $0xFFFFFA50, s13  }
0x126: {  	[hbm4b:s31+s2] =	stream.linear.scatter [tilespmem:s30], [sflag:$0x1], $0x80, $0x38;
	[tilespmem:$0x9410] =	vst v63  }
0x127: {  	s19 =	sadd.s32 $0x6C78, s16;
	s20 =	sadd.s32 $0xFFFFFA60, s13  }
0x128: {  	[hbm4b:s20+s2] =	stream.linear.scatter [tilespmem:s19], [sflag:$0x1], $0x80, $0x38;
	[tilespmem:$0x9410] =	vst v63  }
0x129: {  	s21 =	sadd.s32 $0x7CF8, s16;
	s22 =	sadd.s32 $0xFFFFFA70, s13  }
0x12a: {  	[hbm4b:s22+s2] =	stream.linear.scatter [tilespmem:s21], [sflag:$0x1], $0x80, $0x38;
	[tilespmem:$0x9410] =	vst v63  }
0x12b: {  	s23 =	sadd.s32 $0xFFFFFA80, s13;
	s24 =	sadd.s32 $0x9F8, s16  }
0x12c: {  	[hbm4b:s23+s2] =	stream.linear.scatter [tilespmem:s24], [sflag:$0x1], $0x80, $0x38;
	[tilespmem:$0x9410] =	vst v63  }
0x12d: {  	s25 =	sadd.s32 $0x1A78, s16;
	s26 =	sadd.s32 $0xFFFFFA90, s13  }
0x12e: {  	[hbm4b:s26+s2] =	stream.linear.scatter [tilespmem:s25], [sflag:$0x1], $0x80, $0x38;
	[tilespmem:$0x9410] =	vst v63  }
0x12f: {  	s28 =	sadd.s32 $0x2AF8, s16;
	s29 =	sadd.s32 $0xFFFFFAA0, s13  }
0x130: {  	[hbm4b:s29+s2] =	stream.linear.scatter [tilespmem:s28], [sflag:$0x1], $0x80, $0x38;
	[tilespmem:$0x9410] =	vst v63  }
0x131: {  	s30 =	sadd.s32 $0x3B78, s16;
	s31 =	sadd.s32 $0xFFFFFAB0, s13  }
0x132: {  	[hbm4b:s31+s2] =	stream.linear.scatter [tilespmem:s30], [sflag:$0x1], $0x80, $0x38;
	[tilespmem:$0x9410] =	vst v63  }
0x133: {  	s19 =	sadd.s32 $0x4BF8, s16;
	s20 =	sadd.s32 $0xFFFFFAC0, s13  }
0x134: {  	[hbm4b:s20+s2] =	stream.linear.scatter [tilespmem:s19], [sflag:$0x1], $0x80, $0x38;
	[tilespmem:$0x9410] =	vst v63  }
0x135: {  	s21 =	sadd.s32 $0x5C78, s16;
	s22 =	sadd.s32 $0xFFFFFAD0, s13  }
0x136: {  	[hbm4b:s22+s2] =	stream.linear.scatter [tilespmem:s21], [sflag:$0x1], $0x80, $0x38;
	[tilespmem:$0x9410] =	vst v63  }
0x137: {  	s23 =	sadd.s32 $0x6CF8, s16;
	s24 =	sadd.s32 $0xFFFFFAE0, s13  }
0x138: {  	[hbm4b:s24+s2] =	stream.linear.scatter [tilespmem:s23], [sflag:$0x1], $0x80, $0x38;
	[tilespmem:$0x9410] =	vst v63  }
0x139: {  	s25 =	sadd.s32 $0x7D78, s16;
	s26 =	sadd.s32 $0xFFFFFAF0, s13  }
0x13a: {  	[hbm4b:s26+s2] =	stream.linear.scatter [tilespmem:s25], [sflag:$0x1], $0x80, $0x38;
	[tilespmem:$0x9410] =	vst v63  }
0x13b: {  	s28 =	sadd.s32 $0xFFFFFB00, s13;
	s29 =	sadd.s32 $0xA78, s16  }
0x13c: {  	[hbm4b:s28+s2] =	stream.linear.scatter [tilespmem:s29], [sflag:$0x1], $0x80, $0x38;
	[tilespmem:$0x9410] =	vst v63  }
0x13d: {  	s30 =	sadd.s32 $0x1AF8, s16;
	s31 =	sadd.s32 $0xFFFFFB10, s13  }
0x13e: {  	[hbm4b:s31+s2] =	stream.linear.scatter [tilespmem:s30], [sflag:$0x1], $0x80, $0x38;
	[tilespmem:$0x9410] =	vst v63  }
0x13f: {  	s19 =	sadd.s32 $0x2B78, s16;
	s20 =	sadd.s32 $0xFFFFFB20, s13  }
0x140: {  	[hbm4b:s20+s2] =	stream.linear.scatter [tilespmem:s19], [sflag:$0x1], $0x80, $0x38;
	[tilespmem:$0x9410] =	vst v63  }
0x141: {  	s21 =	sadd.s32 $0x3BF8, s16;
	s22 =	sadd.s32 $0xFFFFFB30, s13  }
0x142: {  	[hbm4b:s22+s2] =	stream.linear.scatter [tilespmem:s21], [sflag:$0x1], $0x80, $0x38;
	[tilespmem:$0x9410] =	vst v63  }
0x143: {  	s23 =	sadd.s32 $0x4C78, s16;
	s24 =	sadd.s32 $0xFFFFFB40, s13  }
0x144: {  	[hbm4b:s24+s2] =	stream.linear.scatter [tilespmem:s23], [sflag:$0x1], $0x80, $0x38;
	[tilespmem:$0x9410] =	vst v63  }
0x145: {  	s25 =	sadd.s32 $0x5CF8, s16;
	s26 =	sadd.s32 $0xFFFFFB50, s13  }
0x146: {  	[hbm4b:s26+s2] =	stream.linear.scatter [tilespmem:s25], [sflag:$0x1], $0x80, $0x38;
	[tilespmem:$0x9410] =	vst v63  }
0x147: {  	s28 =	sadd.s32 $0x6D78, s16;
	s29 =	sadd.s32 $0xFFFFFB60, s13  }
0x148: {  	[hbm4b:s29+s2] =	stream.linear.scatter [tilespmem:s28], [sflag:$0x1], $0x80, $0x38;
	[tilespmem:$0x9410] =	vst v63  }
0x149: {  	s30 =	sadd.s32 $0x7DF8, s16;
	s31 =	sadd.s32 $0xFFFFFB70, s13  }
0x14a: {  	[hbm4b:s31+s2] =	stream.linear.scatter [tilespmem:s30], [sflag:$0x1], $0x80, $0x38;
	[tilespmem:$0x9410] =	vst v63  }
0x14b: {  	s19 =	sadd.s32 $0xFFFFFB80, s13;
	s20 =	sadd.s32 $0xAF8, s16  }
0x14c: {  	[hbm4b:s19+s2] =	stream.linear.scatter [tilespmem:s20], [sflag:$0x1], $0x80, $0x38;
	[tilespmem:$0x9410] =	vst v63  }
0x14d: {  	s21 =	sadd.s32 $0x1B78, s16;
	s22 =	sadd.s32 $0xFFFFFB90, s13  }
0x14e: {  	[hbm4b:s22+s2] =	stream.linear.scatter [tilespmem:s21], [sflag:$0x1], $0x80, $0x38;
	[tilespmem:$0x9410] =	vst v63  }
0x14f: {  	s23 =	sadd.s32 $0x2BF8, s16;
	s24 =	sadd.s32 $0xFFFFFBA0, s13  }
0x150: {  	[hbm4b:s24+s2] =	stream.linear.scatter [tilespmem:s23], [sflag:$0x1], $0x80, $0x38;
	[tilespmem:$0x9410] =	vst v63  }
0x151: {  	s25 =	sadd.s32 $0x3C78, s16;
	s26 =	sadd.s32 $0xFFFFFBB0, s13  }
0x152: {  	[hbm4b:s26+s2] =	stream.linear.scatter [tilespmem:s25], [sflag:$0x1], $0x80, $0x38;
	[tilespmem:$0x9410] =	vst v63  }
0x153: {  	s28 =	sadd.s32 $0x4CF8, s16;
	s29 =	sadd.s32 $0xFFFFFBC0, s13  }
0x154: {  	[hbm4b:s29+s2] =	stream.linear.scatter [tilespmem:s28], [sflag:$0x1], $0x80, $0x38;
	[tilespmem:$0x9410] =	vst v63  }
0x155: {  	s30 =	sadd.s32 $0x5D78, s16;
	s31 =	sadd.s32 $0xFFFFFBD0, s13  }
0x156: {  	[hbm4b:s31+s2] =	stream.linear.scatter [tilespmem:s30], [sflag:$0x1], $0x80, $0x38;
	[tilespmem:$0x9410] =	vst v63  }
0x157: {  	s19 =	sadd.s32 $0x6DF8, s16;
	s20 =	sadd.s32 $0xFFFFFBE0, s13  }
0x158: {  	[hbm4b:s20+s2] =	stream.linear.scatter [tilespmem:s19], [sflag:$0x1], $0x80, $0x38;
	[tilespmem:$0x9410] =	vst v63  }
0x159: {  	s21 =	sadd.s32 $0x7E78, s16;
	s22 =	sadd.s32 $0xFFFFFBF0, s13  }
0x15a: {  	[hbm4b:s22+s2] =	stream.linear.scatter [tilespmem:s21], [sflag:$0x1], $0x80, $0x38;
	[tilespmem:$0x9410] =	vst v63  }
0x15b: {  	s23 =	sadd.s32 $0xFFFFFC00, s13;
	s24 =	sadd.s32 $0xB78, s16  }
0x15c: {  	[hbm4b:s23+s2] =	stream.linear.scatter [tilespmem:s24], [sflag:$0x1], $0x80, $0x38;
	[tilespmem:$0x9410] =	vst v63  }
0x15d: {  	s25 =	sadd.s32 $0x1BF8, s16;
	s26 =	sadd.s32 $0xFFFFFC10, s13  }
0x15e: {  	[hbm4b:s26+s2] =	stream.linear.scatter [tilespmem:s25], [sflag:$0x1], $0x80, $0x38;
	[tilespmem:$0x9410] =	vst v63  }
0x15f: {  	s28 =	sadd.s32 $0x2C78, s16;
	s29 =	sadd.s32 $0xFFFFFC20, s13  }
0x160: {  	[hbm4b:s29+s2] =	stream.linear.scatter [tilespmem:s28], [sflag:$0x1], $0x80, $0x38;
	[tilespmem:$0x9410] =	vst v63  }
0x161: {  	s30 =	sadd.s32 $0x3CF8, s16;
	s31 =	sadd.s32 $0xFFFFFC30, s13  }
0x162: {  	[hbm4b:s31+s2] =	stream.linear.scatter [tilespmem:s30], [sflag:$0x1], $0x80, $0x38;
	[tilespmem:$0x9410] =	vst v63  }
0x163: {  	s19 =	sadd.s32 $0x4D78, s16;
	s20 =	sadd.s32 $0xFFFFFC40, s13  }
0x164: {  	[hbm4b:s20+s2] =	stream.linear.scatter [tilespmem:s19], [sflag:$0x1], $0x80, $0x38;
	[tilespmem:$0x9410] =	vst v63  }
0x165: {  	s21 =	sadd.s32 $0x5DF8, s16;
	s22 =	sadd.s32 $0xFFFFFC50, s13  }
0x166: {  	[hbm4b:s22+s2] =	stream.linear.scatter [tilespmem:s21], [sflag:$0x1], $0x80, $0x38;
	[tilespmem:$0x9410] =	vst v63  }
0x167: {  	s23 =	sadd.s32 $0x6E78, s16;
	s24 =	sadd.s32 $0xFFFFFC60, s13  }
0x168: {  	[hbm4b:s24+s2] =	stream.linear.scatter [tilespmem:s23], [sflag:$0x1], $0x80, $0x38;
	[tilespmem:$0x9410] =	vst v63  }
0x169: {  	s25 =	sadd.s32 $0x7EF8, s16;
	s26 =	sadd.s32 $0xFFFFFC70, s13  }
0x16a: {  	[hbm4b:s26+s2] =	stream.linear.scatter [tilespmem:s25], [sflag:$0x1], $0x80, $0x38;
	[tilespmem:$0x9410] =	vst v63  }
0x16b: {  	s28 =	sadd.s32 $0xFFFFFC80, s13;
	s29 =	sadd.s32 $0xBF8, s16  }
0x16c: {  	[hbm4b:s28+s2] =	stream.linear.scatter [tilespmem:s29], [sflag:$0x1], $0x80, $0x38;
	[tilespmem:$0x9410] =	vst v63  }
0x16d: {  	s30 =	sadd.s32 $0x1C78, s16;
	s31 =	sadd.s32 $0xFFFFFC90, s13  }
0x16e: {  	[hbm4b:s31+s2] =	stream.linear.scatter [tilespmem:s30], [sflag:$0x1], $0x80, $0x38;
	[tilespmem:$0x9410] =	vst v63  }
0x16f: {  	s19 =	sadd.s32 $0x2CF8, s16;
	s20 =	sadd.s32 $0xFFFFFCA0, s13  }
0x170: {  	[hbm4b:s20+s2] =	stream.linear.scatter [tilespmem:s19], [sflag:$0x1], $0x80, $0x38;
	[tilespmem:$0x9410] =	vst v63  }
0x171: {  	s21 =	sadd.s32 $0x3D78, s16;
	s22 =	sadd.s32 $0xFFFFFCB0, s13  }
0x172: {  	[hbm4b:s22+s2] =	stream.linear.scatter [tilespmem:s21], [sflag:$0x1], $0x80, $0x38;
	[tilespmem:$0x9410] =	vst v63  }
0x173: {  	s23 =	sadd.s32 $0x4DF8, s16;
	s24 =	sadd.s32 $0xFFFFFCC0, s13  }
0x174: {  	[hbm4b:s24+s2] =	stream.linear.scatter [tilespmem:s23], [sflag:$0x1], $0x80, $0x38;
	[tilespmem:$0x9410] =	vst v63  }
0x175: {  	s25 =	sadd.s32 $0x5E78, s16;
	s26 =	sadd.s32 $0xFFFFFCD0, s13  }
0x176: {  	[hbm4b:s26+s2] =	stream.linear.scatter [tilespmem:s25], [sflag:$0x1], $0x80, $0x38;
	[tilespmem:$0x9410] =	vst v63  }
0x177: {  	s28 =	sadd.s32 $0x6EF8, s16;
	s29 =	sadd.s32 $0xFFFFFCE0, s13  }
0x178: {  	[hbm4b:s29+s2] =	stream.linear.scatter [tilespmem:s28], [sflag:$0x1], $0x80, $0x38;
	[tilespmem:$0x9410] =	vst v63  }
0x179: {  	s30 =	sadd.s32 $0x7F78, s16;
	s31 =	sadd.s32 $0xFFFFFCF0, s13  }
0x17a: {  	[hbm4b:s31+s2] =	stream.linear.scatter [tilespmem:s30], [sflag:$0x1], $0x80, $0x38;
	[tilespmem:$0x9410] =	vst v63  }
0x17b: {  	s19 =	sadd.s32 $0xFFFFFD00, s13;
	s20 =	sadd.s32 $0xC78, s16  }
0x17c: {  	[hbm4b:s19+s2] =	stream.linear.scatter [tilespmem:s20], [sflag:$0x1], $0x80, $0x38;
	[tilespmem:$0x9410] =	vst v63  }
0x17d: {  	s21 =	sadd.s32 $0x1CF8, s16;
	s22 =	sadd.s32 $0xFFFFFD10, s13  }
0x17e: {  	[hbm4b:s22+s2] =	stream.linear.scatter [tilespmem:s21], [sflag:$0x1], $0x80, $0x38;
	[tilespmem:$0x9410] =	vst v63  }
0x17f: {  	s23 =	sadd.s32 $0x2D78, s16;
	s24 =	sadd.s32 $0xFFFFFD20, s13  }
0x180: {  	[hbm4b:s24+s2] =	stream.linear.scatter [tilespmem:s23], [sflag:$0x1], $0x80, $0x38;
	[tilespmem:$0x9410] =	vst v63  }
0x181: {  	s25 =	sadd.s32 $0x3DF8, s16;
	s26 =	sadd.s32 $0xFFFFFD30, s13  }
0x182: {  	[hbm4b:s26+s2] =	stream.linear.scatter [tilespmem:s25], [sflag:$0x1], $0x80, $0x38;
	[tilespmem:$0x9410] =	vst v63  }
0x183: {  	s28 =	sadd.s32 $0x4E78, s16;
	s29 =	sadd.s32 $0xFFFFFD40, s13  }
0x184: {  	[hbm4b:s29+s2] =	stream.linear.scatter [tilespmem:s28], [sflag:$0x1], $0x80, $0x38;
	[tilespmem:$0x9410] =	vst v63  }
0x185: {  	s30 =	sadd.s32 $0x5EF8, s16;
	s31 =	sadd.s32 $0xFFFFFD50, s13  }
0x186: {  	[hbm4b:s31+s2] =	stream.linear.scatter [tilespmem:s30], [sflag:$0x1], $0x80, $0x38;
	[tilespmem:$0x9410] =	vst v63  }
0x187: {  	s19 =	sadd.s32 $0x6F78, s16;
	s20 =	sadd.s32 $0xFFFFFD60, s13  }
0x188: {  	[hbm4b:s20+s2] =	stream.linear.scatter [tilespmem:s19], [sflag:$0x1], $0x80, $0x38;
	[tilespmem:$0x9410] =	vst v63  }
0x189: {  	s21 =	sadd.s32 $0x7FF8, s16;
	s22 =	sadd.s32 $0xFFFFFD70, s13  }
0x18a: {  	[hbm4b:s22+s2] =	stream.linear.scatter [tilespmem:s21], [sflag:$0x1], $0x80, $0x38;
	[tilespmem:$0x9410] =	vst v63  }
0x18b: {  	s23 =	sadd.s32 $0xFFFFFD80, s13;
	s24 =	sadd.s32 $0xCF8, s16  }
0x18c: {  	[hbm4b:s23+s2] =	stream.linear.scatter [tilespmem:s24], [sflag:$0x1], $0x80, $0x38;
	[tilespmem:$0x9410] =	vst v63  }
0x18d: {  	s25 =	sadd.s32 $0x1D78, s16;
	s26 =	sadd.s32 $0xFFFFFD90, s13  }
0x18e: {  	[hbm4b:s26+s2] =	stream.linear.scatter [tilespmem:s25], [sflag:$0x1], $0x80, $0x38;
	[tilespmem:$0x9410] =	vst v63  }
0x18f: {  	s28 =	sadd.s32 $0x2DF8, s16;
	s29 =	sadd.s32 $0xFFFFFDA0, s13  }
0x190: {  	[hbm4b:s29+s2] =	stream.linear.scatter [tilespmem:s28], [sflag:$0x1], $0x80, $0x38;
	[tilespmem:$0x9410] =	vst v63  }
0x191: {  	s30 =	sadd.s32 $0x3E78, s16;
	s31 =	sadd.s32 $0xFFFFFDB0, s13  }
0x192: {  	[hbm4b:s31+s2] =	stream.linear.scatter [tilespmem:s30], [sflag:$0x1], $0x80, $0x38;
	[tilespmem:$0x9410] =	vst v63  }
0x193: {  	s19 =	sadd.s32 $0x4EF8, s16;
	s20 =	sadd.s32 $0xFFFFFDC0, s13  }
0x194: {  	[hbm4b:s20+s2] =	stream.linear.scatter [tilespmem:s19], [sflag:$0x1], $0x80, $0x38;
	[tilespmem:$0x9410] =	vst v63  }
0x195: {  	s21 =	sadd.s32 $0x5F78, s16;
	s22 =	sadd.s32 $0xFFFFFDD0, s13  }
0x196: {  	[hbm4b:s22+s2] =	stream.linear.scatter [tilespmem:s21], [sflag:$0x1], $0x80, $0x38;
	[tilespmem:$0x9410] =	vst v63  }
0x197: {  	s23 =	sadd.s32 $0x6FF8, s16;
	s24 =	sadd.s32 $0xFFFFFDE0, s13  }
0x198: {  	[hbm4b:s24+s2] =	stream.linear.scatter [tilespmem:s23], [sflag:$0x1], $0x80, $0x38;
	[tilespmem:$0x9410] =	vst v63  }
0x199: {  	s25 =	sadd.s32 $0x8078, s16;
	s26 =	sadd.s32 $0xFFFFFDF0, s13  }
0x19a: {  	[hbm4b:s26+s2] =	stream.linear.scatter [tilespmem:s25], [sflag:$0x1], $0x80, $0x38;
	[tilespmem:$0x9410] =	vst v63  }
0x19b: {  	s28 =	sadd.s32 $0xFFFFFE00, s13;
	s29 =	sadd.s32 $0xD78, s16  }
0x19c: {  	[hbm4b:s28+s2] =	stream.linear.scatter [tilespmem:s29], [sflag:$0x1], $0x80, $0x38;
	[tilespmem:$0x9410] =	vst v63  }
0x19d: {  	s30 =	sadd.s32 $0x1DF8, s16;
	s31 =	sadd.s32 $0xFFFFFE10, s13  }
0x19e: {  	[hbm4b:s31+s2] =	stream.linear.scatter [tilespmem:s30], [sflag:$0x1], $0x80, $0x38;
	[tilespmem:$0x9410] =	vst v63  }
0x19f: {  	s19 =	sadd.s32 $0x2E78, s16;
	s20 =	sadd.s32 $0xFFFFFE20, s13  }
0x1a0: {  	[hbm4b:s20+s2] =	stream.linear.scatter [tilespmem:s19], [sflag:$0x1], $0x80, $0x38;
	[tilespmem:$0x9410] =	vst v63  }
0x1a1: {  	s21 =	sadd.s32 $0x3EF8, s16;
	s22 =	sadd.s32 $0xFFFFFE30, s13  }
0x1a2: {  	[hbm4b:s22+s2] =	stream.linear.scatter [tilespmem:s21], [sflag:$0x1], $0x80, $0x38;
	[tilespmem:$0x9410] =	vst v63  }
0x1a3: {  	s23 =	sadd.s32 $0x4F78, s16;
	s24 =	sadd.s32 $0xFFFFFE40, s13  }
0x1a4: {  	[hbm4b:s24+s2] =	stream.linear.scatter [tilespmem:s23], [sflag:$0x1], $0x80, $0x38;
	[tilespmem:$0x9410] =	vst v63  }
0x1a5: {  	s25 =	sadd.s32 $0x5FF8, s16;
	s26 =	sadd.s32 $0xFFFFFE50, s13  }
0x1a6: {  	[hbm4b:s26+s2] =	stream.linear.scatter [tilespmem:s25], [sflag:$0x1], $0x80, $0x38;
	[tilespmem:$0x9410] =	vst v63  }
0x1a7: {  	s28 =	sadd.s32 $0x7078, s16;
	s29 =	sadd.s32 $0xFFFFFE60, s13  }
0x1a8: {  	[hbm4b:s29+s2] =	stream.linear.scatter [tilespmem:s28], [sflag:$0x1], $0x80, $0x38;
	[tilespmem:$0x9410] =	vst v63  }
0x1a9: {  	s30 =	sadd.s32 $0x80F8, s16;
	s31 =	sadd.s32 $0xFFFFFE70, s13  }
0x1aa: {  	[hbm4b:s31+s2] =	stream.linear.scatter [tilespmem:s30], [sflag:$0x1], $0x80, $0x38;
	[tilespmem:$0x9410] =	vst v63  }
0x1ab: {  	s19 =	sadd.s32 $0xFFFFFE80, s13;
	s20 =	sadd.s32 $0xDF8, s16  }
0x1ac: {  	[hbm4b:s19+s2] =	stream.linear.scatter [tilespmem:s20], [sflag:$0x1], $0x80, $0x38;
	[tilespmem:$0x9410] =	vst v63  }
0x1ad: {  	s21 =	sadd.s32 $0x1E78, s16;
	s22 =	sadd.s32 $0xFFFFFE90, s13  }
0x1ae: {  	[hbm4b:s22+s2] =	stream.linear.scatter [tilespmem:s21], [sflag:$0x1], $0x80, $0x38;
	[tilespmem:$0x9410] =	vst v63  }
0x1af: {  	s23 =	sadd.s32 $0x2EF8, s16;
	s24 =	sadd.s32 $0xFFFFFEA0, s13  }
0x1b0: {  	[hbm4b:s24+s2] =	stream.linear.scatter [tilespmem:s23], [sflag:$0x1], $0x80, $0x38;
	[tilespmem:$0x9410] =	vst v63  }
0x1b1: {  	s25 =	sadd.s32 $0x3F78, s16;
	s26 =	sadd.s32 $0xFFFFFEB0, s13  }
0x1b2: {  	[hbm4b:s26+s2] =	stream.linear.scatter [tilespmem:s25], [sflag:$0x1], $0x80, $0x38;
	[tilespmem:$0x9410] =	vst v63  }
0x1b3: {  	s28 =	sadd.s32 $0x4FF8, s16;
	s29 =	sadd.s32 $0xFFFFFEC0, s13  }
0x1b4: {  	[hbm4b:s29+s2] =	stream.linear.scatter [tilespmem:s28], [sflag:$0x1], $0x80, $0x38;
	[tilespmem:$0x9410] =	vst v63  }
0x1b5: {  	s30 =	sadd.s32 $0x6078, s16;
	s31 =	sadd.s32 $0xFFFFFED0, s13  }
0x1b6: {  	[hbm4b:s31+s2] =	stream.linear.scatter [tilespmem:s30], [sflag:$0x1], $0x80, $0x38;
	[tilespmem:$0x9410] =	vst v63  }
0x1b7: {  	s19 =	sadd.s32 $0x70F8, s16;
	s20 =	sadd.s32 $0xFFFFFEE0, s13  }
0x1b8: {  	[hbm4b:s20+s2] =	stream.linear.scatter [tilespmem:s19], [sflag:$0x1], $0x80, $0x38;
	[tilespmem:$0x9410] =	vst v63  }
0x1b9: {  	s21 =	sadd.s32 $0x8178, s16;
	s22 =	sadd.s32 $0xFFFFFEF0, s13  }
0x1ba: {  	[hbm4b:s22+s2] =	stream.linear.scatter [tilespmem:s21], [sflag:$0x1], $0x80, $0x38;
	[tilespmem:$0x9410] =	vst v63  }
0x1bb: {  	s23 =	sadd.s32 $0xFFFFFF00, s13;
	s24 =	sadd.s32 $0xE78, s16  }
0x1bc: {  	[hbm4b:s23+s2] =	stream.linear.scatter [tilespmem:s24], [sflag:$0x1], $0x80, $0x38;
	[tilespmem:$0x9410] =	vst v63  }
0x1bd: {  	s25 =	sadd.s32 $0x1EF8, s16;
	s26 =	sadd.s32 $0xFFFFFF10, s13  }
0x1be: {  	[hbm4b:s26+s2] =	stream.linear.scatter [tilespmem:s25], [sflag:$0x1], $0x80, $0x38;
	[tilespmem:$0x9410] =	vst v63  }
0x1bf: {  	s28 =	sadd.s32 $0x2F78, s16;
	s29 =	sadd.s32 $0xFFFFFF20, s13  }
0x1c0: {  	[hbm4b:s29+s2] =	stream.linear.scatter [tilespmem:s28], [sflag:$0x1], $0x80, $0x38;
	[tilespmem:$0x9410] =	vst v63  }
0x1c1: {  	s30 =	sadd.s32 $0x3FF8, s16;
	s31 =	sadd.s32 $0xFFFFFF30, s13  }
0x1c2: {  	[hbm4b:s31+s2] =	stream.linear.scatter [tilespmem:s30], [sflag:$0x1], $0x80, $0x38;
	[tilespmem:$0x9410] =	vst v63  }
0x1c3: {  	s19 =	sadd.s32 $0x5078, s16;
	s20 =	sadd.s32 $0xFFFFFF40, s13  }
0x1c4: {  	[hbm4b:s20+s2] =	stream.linear.scatter [tilespmem:s19], [sflag:$0x1], $0x80, $0x38;
	[tilespmem:$0x9410] =	vst v63  }
0x1c5: {  	s21 =	sadd.s32 $0x60F8, s16;
	s22 =	sadd.s32 $0xFFFFFF50, s13  }
0x1c6: {  	[hbm4b:s22+s2] =	stream.linear.scatter [tilespmem:s21], [sflag:$0x1], $0x80, $0x38;
	[tilespmem:$0x9410] =	vst v63  }
0x1c7: {  	s23 =	sadd.s32 $0x7178, s16;
	s24 =	sadd.s32 $0xFFFFFF60, s13  }
0x1c8: {  	[hbm4b:s24+s2] =	stream.linear.scatter [tilespmem:s23], [sflag:$0x1], $0x80, $0x38;
	[tilespmem:$0x9410] =	vst v63  }
0x1c9: {  	s25 =	sadd.s32 $0x81F8, s16;
	s26 =	sadd.s32 $0xFFFFFF70, s13  }
0x1ca: {  	[hbm4b:s26+s2] =	stream.linear.scatter [tilespmem:s25], [sflag:$0x1], $0x80, $0x38;
	[tilespmem:$0x9410] =	vst v63  }
0x1cb: {  	s28 =	sadd.s32 $0xFFFFFF80, s13;
	s29 =	sadd.s32 $0xEF8, s16  }
0x1cc: {  	[hbm4b:s28+s2] =	stream.linear.scatter [tilespmem:s29], [sflag:$0x1], $0x80, $0x38;
	[tilespmem:$0x9410] =	vst v63  }
0x1cd: {  	s30 =	sadd.s32 $0x1F78, s16;
	s31 =	sadd.s32 $0xFFFFFF90, s13  }
0x1ce: {  	[hbm4b:s31+s2] =	stream.linear.scatter [tilespmem:s30], [sflag:$0x1], $0x80, $0x38;
	[tilespmem:$0x9410] =	vst v63  }
0x1cf: {  	s18 =	sadd.s32 $0x2FF8, s16;
	s19 =	sadd.s32 $0xFFFFFFA0, s13  }
0x1d0: {  	[hbm4b:s19+s2] =	stream.linear.scatter [tilespmem:s18], [sflag:$0x1], $0x80, $0x38;
	[tilespmem:$0x9410] =	vst v63  }
0x1d1: {  	s20 =	sadd.s32 $0x4078, s16;
	s21 =	sadd.s32 $0xFFFFFFB0, s13  }
0x1d2: {  	[hbm4b:s21+s2] =	stream.linear.scatter [tilespmem:s20], [sflag:$0x1], $0x80, $0x38;
	[tilespmem:$0x9410] =	vst v63  }
0x1d3: {  	s22 =	sadd.s32 $0x50F8, s16;
	s23 =	sadd.s32 $0xFFFFFFC0, s13  }
0x1d4: {  	[hbm4b:s23+s2] =	stream.linear.scatter [tilespmem:s22], [sflag:$0x1], $0x80, $0x38;
	[tilespmem:$0x9410] =	vst v63  }
0x1d5: {  	s24 =	sadd.s32 $0x6178, s16;
	s25 =	sadd.s32 $0xFFFFFFD0, s13  }
0x1d6: {  	[hbm4b:s25+s2] =	stream.linear.scatter [tilespmem:s24], [sflag:$0x1], $0x80, $0x38;
	[tilespmem:$0x9410] =	vst v63  }
0x1d7: {  	s26 =	sadd.s32 $0x71F8, s16;
	s28 =	sadd.s32 $0xFFFFFFE0, s13  }
0x1d8: {  	[hbm4b:s28+s2] =	stream.linear.scatter [tilespmem:s26], [sflag:$0x1], $0x80, $0x38;
	[tilespmem:$0x9410] =	vst v63  }
0x1d9: {  	s29 =	sadd.s32 $0x8278, s16;
	s30 =	sadd.s32 $0xFFFFFFF0, s13  }
0x1da: {  	[hbm4b:s30+s2] =	stream.linear.scatter [tilespmem:s29], [sflag:$0x1], $0x80, $0x38;
	[tilespmem:$0x9410] =	vst v63  }
0x1db: {  	s31 =	sadd.s32 $0xF78, s16  }
0x1dc: {  	[hbm4b:s13+s2] =	stream.linear.scatter [tilespmem:s31], [sflag:$0x1], $0x80, $0x38;
	[tilespmem:$0x9410] =	vst v63  }
0x1dd: {  	s18 =	sadd.s32 $0x1FF8, s16;
	s19 =	sadd.s32 $0x10, s13  }
0x1de: {  	[hbm4b:s19+s2] =	stream.linear.scatter [tilespmem:s18], [sflag:$0x1], $0x80, $0x38;
	[tilespmem:$0x9410] =	vst v63  }
0x1df: {  	s20 =	sadd.s32 $0x3078, s16;
	s21 =	sadd.s32 $0x20, s13  }
0x1e0: {  	[hbm4b:s21+s2] =	stream.linear.scatter [tilespmem:s20], [sflag:$0x1], $0x80, $0x38;
	[tilespmem:$0x9410] =	vst v63  }
0x1e1: {  	s22 =	sadd.s32 $0x40F8, s16;
	s23 =	sadd.s32 $0x30, s13  }
0x1e2: {  	[hbm4b:s23+s2] =	stream.linear.scatter [tilespmem:s22], [sflag:$0x1], $0x80, $0x38;
	[tilespmem:$0x9410] =	vst v63  }
0x1e3: {  	p1 =	por $0x1, $0x1;
	s24 =	sadd.s32 $0x5178, s16;
	s25 =	sadd.s32 $0x40, s13  }
0x1e4: {  	[hbm4b:s25+s2] =	stream.linear.scatter [tilespmem:s24], [sflag:$0x1], $0x80, $0x38;
	[tilespmem:$0x9410] =	vst v63  }
0x1e5: {  	s17 =	sadd.s32 $0x800, s13;
	s26 =	sadd.s32 $0x61F8, s16;
	s28 =	sadd.s32 $0x50, s13  }
0x1e6: {  	[hbm4b:s28+s2] =	stream.linear.scatter [tilespmem:s26], [sflag:$0x1], $0x80, $0x38;
	[tilespmem:$0x9410] =	vst v63  }
0x1e7: {  	s29 =	sadd.s32 $0x7278, s16;
	s30 =	sadd.s32 $0x60, s13;
	s16 =	sadd.s32 $0x82F8, s16  }
0x1e8: {  	[hbm4b:s30+s2] =	stream.linear.scatter [tilespmem:s29], [sflag:$0x1], $0x80, $0x38;
	[tilespmem:$0x9410] =	vst v63  }
0x1e9: {  	s31 =	sadd.s32 $0x70, s13;
	s18 =	simm.s32 $0xFFFFFFE0;
	s20 =	simm.s32 @!p1 $0x1  }
0x1ea: {  	[hbm4b:s31+s2] =	stream.linear.scatter [tilespmem:s16], [sflag:$0x1], $0x80, $0x38;
	[tilespmem:$0x9410] =	vst v63  }
0x1eb: {  	s19 =	simm.s32 $0xFFFFFFC0;
	s16 =	simm.s32 $0x1;
	_ =	swait.ge @!p1 [sflag:s20], $0x4000  }
.LBB2_20:
0x1ec: {  	s21 =	rddreg [dreg:$0x3];
	[sflag:s20] =	ssyncset.done @!p1 $0x0;
	s26 =	sshra.s32 s18, $0x2  }
0x1ed: {  	[sflag:s20] =	ssyncadd.s32 @!p1 $0xFFFFC000;
	s20 =	sadd.s32 s26, s21  }
0x1ee: {  	s28 =	sadd.s32 $0xFFFFF880, s17;
	s29 =	sadd.s32 $0x7F8, s20  }
0x1ef: {  	[hbm4b:s28+s2] =	stream.linear.scatter [tilespmem:s29], [sflag:$0x1], $0x80, $0x38;
	[tilespmem:$0x9410] =	vst v63  }
0x1f0: {  	s31 =	sadd.s32 $0xFFFFF890, s17;
	s30 =	sadd.s32 $0x1878, s20  }
0x1f1: {  	[hbm4b:s31+s2] =	stream.linear.scatter [tilespmem:s30], [sflag:$0x1], $0x80, $0x38;
	[tilespmem:$0x9410] =	vst v63  }
0x1f2: {  	s24 =	sadd.s32 $0xFFFFF8A0, s17;
	s23 =	sadd.s32 $0x28F8, s20  }
0x1f3: {  	[hbm4b:s24+s2] =	stream.linear.scatter [tilespmem:s23], [sflag:$0x1], $0x80, $0x38;
	[tilespmem:$0x9410] =	vst v63  }
0x1f4: {  	s26 =	sadd.s32 $0xFFFFF8B0, s17;
	s25 =	sadd.s32 $0x3978, s20  }
0x1f5: {  	[hbm4b:s26+s2] =	stream.linear.scatter [tilespmem:s25], [sflag:$0x1], $0x80, $0x38;
	[tilespmem:$0x9410] =	vst v63  }
0x1f6: {  	s28 =	sadd.s32 $0x49F8, s20;
	s29 =	sadd.s32 $0xFFFFF8C0, s17  }
0x1f7: {  	[hbm4b:s29+s2] =	stream.linear.scatter [tilespmem:s28], [sflag:$0x1], $0x80, $0x38;
	[tilespmem:$0x9410] =	vst v63  }
0x1f8: {  	s30 =	sadd.s32 $0x5A78, s20;
	s31 =	sadd.s32 $0xFFFFF8D0, s17  }
0x1f9: {  	[hbm4b:s31+s2] =	stream.linear.scatter [tilespmem:s30], [sflag:$0x1], $0x80, $0x38;
	[tilespmem:$0x9410] =	vst v63  }
0x1fa: {  	s23 =	sadd.s32 $0x6AF8, s20;
	s24 =	sadd.s32 $0xFFFFF8E0, s17  }
0x1fb: {  	[hbm4b:s24+s2] =	stream.linear.scatter [tilespmem:s23], [sflag:$0x1], $0x80, $0x38;
	[tilespmem:$0x9410] =	vst v63  }
0x1fc: {  	s25 =	sadd.s32 $0x7B78, s20;
	s26 =	sadd.s32 $0xFFFFF8F0, s17  }
0x1fd: {  	[hbm4b:s26+s2] =	stream.linear.scatter [tilespmem:s25], [sflag:$0x1], $0x80, $0x38;
	[tilespmem:$0x9410] =	vst v63  }
0x1fe: {  	s28 =	sadd.s32 $0xFFFFF900, s17;
	s29 =	sadd.s32 $0x878, s20  }
0x1ff: {  	[hbm4b:s28+s2] =	stream.linear.scatter [tilespmem:s29], [sflag:$0x1], $0x80, $0x38;
	[tilespmem:$0x9410] =	vst v63  }
0x200: {  	s30 =	sadd.s32 $0x18F8, s20;
	s31 =	sadd.s32 $0xFFFFF910, s17  }
0x201: {  	[hbm4b:s31+s2] =	stream.linear.scatter [tilespmem:s30], [sflag:$0x1], $0x80, $0x38;
	[tilespmem:$0x9410] =	vst v63  }
0x202: {  	s23 =	sadd.s32 $0x2978, s20;
	s24 =	sadd.s32 $0xFFFFF920, s17  }
0x203: {  	[hbm4b:s24+s2] =	stream.linear.scatter [tilespmem:s23], [sflag:$0x1], $0x80, $0x38;
	[tilespmem:$0x9410] =	vst v63  }
0x204: {  	s25 =	sadd.s32 $0x39F8, s20;
	s26 =	sadd.s32 $0xFFFFF930, s17  }
0x205: {  	[hbm4b:s26+s2] =	stream.linear.scatter [tilespmem:s25], [sflag:$0x1], $0x80, $0x38;
	[tilespmem:$0x9410] =	vst v63  }
0x206: {  	s28 =	sadd.s32 $0x4A78, s20;
	s29 =	sadd.s32 $0xFFFFF940, s17  }
0x207: {  	[hbm4b:s29+s2] =	stream.linear.scatter [tilespmem:s28], [sflag:$0x1], $0x80, $0x38;
	[tilespmem:$0x9410] =	vst v63  }
0x208: {  	s30 =	sadd.s32 $0x5AF8, s20;
	s31 =	sadd.s32 $0xFFFFF950, s17  }
0x209: {  	[hbm4b:s31+s2] =	stream.linear.scatter [tilespmem:s30], [sflag:$0x1], $0x80, $0x38;
	[tilespmem:$0x9410] =	vst v63  }
0x20a: {  	s23 =	sadd.s32 $0x6B78, s20;
	s24 =	sadd.s32 $0xFFFFF960, s17  }
0x20b: {  	[hbm4b:s24+s2] =	stream.linear.scatter [tilespmem:s23], [sflag:$0x1], $0x80, $0x38;
	[tilespmem:$0x9410] =	vst v63  }
0x20c: {  	s25 =	sadd.s32 $0x7BF8, s20;
	s26 =	sadd.s32 $0xFFFFF970, s17  }
0x20d: {  	[hbm4b:s26+s2] =	stream.linear.scatter [tilespmem:s25], [sflag:$0x1], $0x80, $0x38;
	[tilespmem:$0x9410] =	vst v63  }
0x20e: {  	s28 =	sadd.s32 $0xFFFFF980, s17;
	s29 =	sadd.s32 $0x8F8, s20  }
0x20f: {  	[hbm4b:s28+s2] =	stream.linear.scatter [tilespmem:s29], [sflag:$0x1], $0x80, $0x38;
	[tilespmem:$0x9410] =	vst v63  }
0x210: {  	s30 =	sadd.s32 $0x1978, s20;
	s31 =	sadd.s32 $0xFFFFF990, s17  }
0x211: {  	[hbm4b:s31+s2] =	stream.linear.scatter [tilespmem:s30], [sflag:$0x1], $0x80, $0x38;
	[tilespmem:$0x9410] =	vst v63  }
0x212: {  	s23 =	sadd.s32 $0x29F8, s20;
	s24 =	sadd.s32 $0xFFFFF9A0, s17  }
0x213: {  	[hbm4b:s24+s2] =	stream.linear.scatter [tilespmem:s23], [sflag:$0x1], $0x80, $0x38;
	[tilespmem:$0x9410] =	vst v63  }
0x214: {  	s25 =	sadd.s32 $0x3A78, s20;
	s26 =	sadd.s32 $0xFFFFF9B0, s17  }
0x215: {  	[hbm4b:s26+s2] =	stream.linear.scatter [tilespmem:s25], [sflag:$0x1], $0x80, $0x38;
	[tilespmem:$0x9410] =	vst v63  }
0x216: {  	s28 =	sadd.s32 $0x4AF8, s20;
	s29 =	sadd.s32 $0xFFFFF9C0, s17  }
0x217: {  	[hbm4b:s29+s2] =	stream.linear.scatter [tilespmem:s28], [sflag:$0x1], $0x80, $0x38;
	[tilespmem:$0x9410] =	vst v63  }
0x218: {  	s30 =	sadd.s32 $0x5B78, s20;
	s31 =	sadd.s32 $0xFFFFF9D0, s17  }
0x219: {  	[hbm4b:s31+s2] =	stream.linear.scatter [tilespmem:s30], [sflag:$0x1], $0x80, $0x38;
	[tilespmem:$0x9410] =	vst v63  }
0x21a: {  	s23 =	sadd.s32 $0x6BF8, s20;
	s24 =	sadd.s32 $0xFFFFF9E0, s17  }
0x21b: {  	[hbm4b:s24+s2] =	stream.linear.scatter [tilespmem:s23], [sflag:$0x1], $0x80, $0x38;
	[tilespmem:$0x9410] =	vst v63  }
0x21c: {  	s25 =	sadd.s32 $0x7C78, s20;
	s26 =	sadd.s32 $0xFFFFF9F0, s17  }
0x21d: {  	[hbm4b:s26+s2] =	stream.linear.scatter [tilespmem:s25], [sflag:$0x1], $0x80, $0x38;
	[tilespmem:$0x9410] =	vst v63  }
0x21e: {  	s28 =	sadd.s32 $0xFFFFFA00, s17;
	s29 =	sadd.s32 $0x978, s20  }
0x21f: {  	[hbm4b:s28+s2] =	stream.linear.scatter [tilespmem:s29], [sflag:$0x1], $0x80, $0x38;
	[tilespmem:$0x9410] =	vst v63  }
0x220: {  	s30 =	sadd.s32 $0x19F8, s20;
	s31 =	sadd.s32 $0xFFFFFA10, s17  }
0x221: {  	[hbm4b:s31+s2] =	stream.linear.scatter [tilespmem:s30], [sflag:$0x1], $0x80, $0x38;
	[tilespmem:$0x9410] =	vst v63  }
0x222: {  	s23 =	sadd.s32 $0x2A78, s20;
	s24 =	sadd.s32 $0xFFFFFA20, s17  }
0x223: {  	[hbm4b:s24+s2] =	stream.linear.scatter [tilespmem:s23], [sflag:$0x1], $0x80, $0x38;
	[tilespmem:$0x9410] =	vst v63  }
0x224: {  	s25 =	sadd.s32 $0x3AF8, s20;
	s26 =	sadd.s32 $0xFFFFFA30, s17  }
0x225: {  	[hbm4b:s26+s2] =	stream.linear.scatter [tilespmem:s25], [sflag:$0x1], $0x80, $0x38;
	[tilespmem:$0x9410] =	vst v63  }
0x226: {  	s28 =	sadd.s32 $0x4B78, s20;
	s29 =	sadd.s32 $0xFFFFFA40, s17  }
0x227: {  	[hbm4b:s29+s2] =	stream.linear.scatter [tilespmem:s28], [sflag:$0x1], $0x80, $0x38;
	[tilespmem:$0x9410] =	vst v63  }
0x228: {  	s30 =	sadd.s32 $0x5BF8, s20;
	s31 =	sadd.s32 $0xFFFFFA50, s17  }
0x229: {  	[hbm4b:s31+s2] =	stream.linear.scatter [tilespmem:s30], [sflag:$0x1], $0x80, $0x38;
	[tilespmem:$0x9410] =	vst v63  }
0x22a: {  	s23 =	sadd.s32 $0x6C78, s20;
	s24 =	sadd.s32 $0xFFFFFA60, s17  }
0x22b: {  	[hbm4b:s24+s2] =	stream.linear.scatter [tilespmem:s23], [sflag:$0x1], $0x80, $0x38;
	[tilespmem:$0x9410] =	vst v63  }
0x22c: {  	s25 =	sadd.s32 $0x7CF8, s20;
	s26 =	sadd.s32 $0xFFFFFA70, s17  }
0x22d: {  	[hbm4b:s26+s2] =	stream.linear.scatter [tilespmem:s25], [sflag:$0x1], $0x80, $0x38;
	[tilespmem:$0x9410] =	vst v63  }
0x22e: {  	s28 =	sadd.s32 $0xFFFFFA80, s17;
	s29 =	sadd.s32 $0x9F8, s20  }
0x22f: {  	[hbm4b:s28+s2] =	stream.linear.scatter [tilespmem:s29], [sflag:$0x1], $0x80, $0x38;
	[tilespmem:$0x9410] =	vst v63  }
0x230: {  	s30 =	sadd.s32 $0x1A78, s20;
	s31 =	sadd.s32 $0xFFFFFA90, s17  }
0x231: {  	[hbm4b:s31+s2] =	stream.linear.scatter [tilespmem:s30], [sflag:$0x1], $0x80, $0x38;
	[tilespmem:$0x9410] =	vst v63  }
0x232: {  	s23 =	sadd.s32 $0x2AF8, s20;
	s24 =	sadd.s32 $0xFFFFFAA0, s17  }
0x233: {  	[hbm4b:s24+s2] =	stream.linear.scatter [tilespmem:s23], [sflag:$0x1], $0x80, $0x38;
	[tilespmem:$0x9410] =	vst v63  }
0x234: {  	s25 =	sadd.s32 $0x3B78, s20;
	s26 =	sadd.s32 $0xFFFFFAB0, s17  }
0x235: {  	[hbm4b:s26+s2] =	stream.linear.scatter [tilespmem:s25], [sflag:$0x1], $0x80, $0x38;
	[tilespmem:$0x9410] =	vst v63  }
0x236: {  	s28 =	sadd.s32 $0x4BF8, s20;
	s29 =	sadd.s32 $0xFFFFFAC0, s17  }
0x237: {  	[hbm4b:s29+s2] =	stream.linear.scatter [tilespmem:s28], [sflag:$0x1], $0x80, $0x38;
	[tilespmem:$0x9410] =	vst v63  }
0x238: {  	s30 =	sadd.s32 $0x5C78, s20;
	s31 =	sadd.s32 $0xFFFFFAD0, s17  }
0x239: {  	[hbm4b:s31+s2] =	stream.linear.scatter [tilespmem:s30], [sflag:$0x1], $0x80, $0x38;
	[tilespmem:$0x9410] =	vst v63  }
0x23a: {  	s23 =	sadd.s32 $0x6CF8, s20;
	s24 =	sadd.s32 $0xFFFFFAE0, s17  }
0x23b: {  	[hbm4b:s24+s2] =	stream.linear.scatter [tilespmem:s23], [sflag:$0x1], $0x80, $0x38;
	[tilespmem:$0x9410] =	vst v63  }
0x23c: {  	s25 =	sadd.s32 $0x7D78, s20;
	s26 =	sadd.s32 $0xFFFFFAF0, s17  }
0x23d: {  	[hbm4b:s26+s2] =	stream.linear.scatter [tilespmem:s25], [sflag:$0x1], $0x80, $0x38;
	[tilespmem:$0x9410] =	vst v63  }
0x23e: {  	s28 =	sadd.s32 $0xFFFFFB00, s17;
	s29 =	sadd.s32 $0xA78, s20  }
0x23f: {  	[hbm4b:s28+s2] =	stream.linear.scatter [tilespmem:s29], [sflag:$0x1], $0x80, $0x38;
	[tilespmem:$0x9410] =	vst v63  }
0x240: {  	s30 =	sadd.s32 $0x1AF8, s20;
	s31 =	sadd.s32 $0xFFFFFB10, s17  }
0x241: {  	[hbm4b:s31+s2] =	stream.linear.scatter [tilespmem:s30], [sflag:$0x1], $0x80, $0x38;
	[tilespmem:$0x9410] =	vst v63  }
0x242: {  	s23 =	sadd.s32 $0x2B78, s20;
	s24 =	sadd.s32 $0xFFFFFB20, s17  }
0x243: {  	[hbm4b:s24+s2] =	stream.linear.scatter [tilespmem:s23], [sflag:$0x1], $0x80, $0x38;
	[tilespmem:$0x9410] =	vst v63  }
0x244: {  	s25 =	sadd.s32 $0x3BF8, s20;
	s26 =	sadd.s32 $0xFFFFFB30, s17  }
0x245: {  	[hbm4b:s26+s2] =	stream.linear.scatter [tilespmem:s25], [sflag:$0x1], $0x80, $0x38;
	[tilespmem:$0x9410] =	vst v63  }
0x246: {  	s28 =	sadd.s32 $0x4C78, s20;
	s29 =	sadd.s32 $0xFFFFFB40, s17  }
0x247: {  	[hbm4b:s29+s2] =	stream.linear.scatter [tilespmem:s28], [sflag:$0x1], $0x80, $0x38;
	[tilespmem:$0x9410] =	vst v63  }
0x248: {  	s30 =	sadd.s32 $0x5CF8, s20;
	s31 =	sadd.s32 $0xFFFFFB50, s17  }
0x249: {  	[hbm4b:s31+s2] =	stream.linear.scatter [tilespmem:s30], [sflag:$0x1], $0x80, $0x38;
	[tilespmem:$0x9410] =	vst v63  }
0x24a: {  	s23 =	sadd.s32 $0x6D78, s20;
	s24 =	sadd.s32 $0xFFFFFB60, s17  }
0x24b: {  	[hbm4b:s24+s2] =	stream.linear.scatter [tilespmem:s23], [sflag:$0x1], $0x80, $0x38;
	[tilespmem:$0x9410] =	vst v63  }
0x24c: {  	s25 =	sadd.s32 $0x7DF8, s20;
	s26 =	sadd.s32 $0xFFFFFB70, s17  }
0x24d: {  	[hbm4b:s26+s2] =	stream.linear.scatter [tilespmem:s25], [sflag:$0x1], $0x80, $0x38;
	[tilespmem:$0x9410] =	vst v63  }
0x24e: {  	s28 =	sadd.s32 $0xFFFFFB80, s17;
	s29 =	sadd.s32 $0xAF8, s20  }
0x24f: {  	[hbm4b:s28+s2] =	stream.linear.scatter [tilespmem:s29], [sflag:$0x1], $0x80, $0x38;
	[tilespmem:$0x9410] =	vst v63  }
0x250: {  	s30 =	sadd.s32 $0x1B78, s20;
	s31 =	sadd.s32 $0xFFFFFB90, s17  }
0x251: {  	[hbm4b:s31+s2] =	stream.linear.scatter [tilespmem:s30], [sflag:$0x1], $0x80, $0x38;
	[tilespmem:$0x9410] =	vst v63  }
0x252: {  	s23 =	sadd.s32 $0x2BF8, s20;
	s24 =	sadd.s32 $0xFFFFFBA0, s17  }
0x253: {  	[hbm4b:s24+s2] =	stream.linear.scatter [tilespmem:s23], [sflag:$0x1], $0x80, $0x38;
	[tilespmem:$0x9410] =	vst v63  }
0x254: {  	s25 =	sadd.s32 $0x3C78, s20;
	s26 =	sadd.s32 $0xFFFFFBB0, s17  }
0x255: {  	[hbm4b:s26+s2] =	stream.linear.scatter [tilespmem:s25], [sflag:$0x1], $0x80, $0x38;
	[tilespmem:$0x9410] =	vst v63  }
0x256: {  	s28 =	sadd.s32 $0x4CF8, s20;
	s29 =	sadd.s32 $0xFFFFFBC0, s17  }
0x257: {  	[hbm4b:s29+s2] =	stream.linear.scatter [tilespmem:s28], [sflag:$0x1], $0x80, $0x38;
	[tilespmem:$0x9410] =	vst v63  }
0x258: {  	s30 =	sadd.s32 $0x5D78, s20;
	s31 =	sadd.s32 $0xFFFFFBD0, s17  }
0x259: {  	[hbm4b:s31+s2] =	stream.linear.scatter [tilespmem:s30], [sflag:$0x1], $0x80, $0x38;
	[tilespmem:$0x9410] =	vst v63  }
0x25a: {  	s23 =	sadd.s32 $0x6DF8, s20;
	s24 =	sadd.s32 $0xFFFFFBE0, s17  }
0x25b: {  	[hbm4b:s24+s2] =	stream.linear.scatter [tilespmem:s23], [sflag:$0x1], $0x80, $0x38;
	[tilespmem:$0x9410] =	vst v63  }
0x25c: {  	s25 =	sadd.s32 $0x7E78, s20;
	s26 =	sadd.s32 $0xFFFFFBF0, s17  }
0x25d: {  	[hbm4b:s26+s2] =	stream.linear.scatter [tilespmem:s25], [sflag:$0x1], $0x80, $0x38;
	[tilespmem:$0x9410] =	vst v63  }
0x25e: {  	s28 =	sadd.s32 $0xFFFFFC00, s17;
	s29 =	sadd.s32 $0xB78, s20  }
0x25f: {  	[hbm4b:s28+s2] =	stream.linear.scatter [tilespmem:s29], [sflag:$0x1], $0x80, $0x38;
	[tilespmem:$0x9410] =	vst v63  }
0x260: {  	s30 =	sadd.s32 $0x1BF8, s20;
	s31 =	sadd.s32 $0xFFFFFC10, s17  }
0x261: {  	[hbm4b:s31+s2] =	stream.linear.scatter [tilespmem:s30], [sflag:$0x1], $0x80, $0x38;
	[tilespmem:$0x9410] =	vst v63  }
0x262: {  	s23 =	sadd.s32 $0x2C78, s20;
	s24 =	sadd.s32 $0xFFFFFC20, s17  }
0x263: {  	[hbm4b:s24+s2] =	stream.linear.scatter [tilespmem:s23], [sflag:$0x1], $0x80, $0x38;
	[tilespmem:$0x9410] =	vst v63  }
0x264: {  	s25 =	sadd.s32 $0x3CF8, s20;
	s26 =	sadd.s32 $0xFFFFFC30, s17  }
0x265: {  	[hbm4b:s26+s2] =	stream.linear.scatter [tilespmem:s25], [sflag:$0x1], $0x80, $0x38;
	[tilespmem:$0x9410] =	vst v63  }
0x266: {  	s28 =	sadd.s32 $0x4D78, s20;
	s29 =	sadd.s32 $0xFFFFFC40, s17  }
0x267: {  	[hbm4b:s29+s2] =	stream.linear.scatter [tilespmem:s28], [sflag:$0x1], $0x80, $0x38;
	[tilespmem:$0x9410] =	vst v63  }
0x268: {  	s30 =	sadd.s32 $0x5DF8, s20;
	s31 =	sadd.s32 $0xFFFFFC50, s17  }
0x269: {  	[hbm4b:s31+s2] =	stream.linear.scatter [tilespmem:s30], [sflag:$0x1], $0x80, $0x38;
	[tilespmem:$0x9410] =	vst v63  }
0x26a: {  	s23 =	sadd.s32 $0x6E78, s20;
	s24 =	sadd.s32 $0xFFFFFC60, s17  }
0x26b: {  	[hbm4b:s24+s2] =	stream.linear.scatter [tilespmem:s23], [sflag:$0x1], $0x80, $0x38;
	[tilespmem:$0x9410] =	vst v63  }
0x26c: {  	s25 =	sadd.s32 $0x7EF8, s20;
	s26 =	sadd.s32 $0xFFFFFC70, s17  }
0x26d: {  	[hbm4b:s26+s2] =	stream.linear.scatter [tilespmem:s25], [sflag:$0x1], $0x80, $0x38;
	[tilespmem:$0x9410] =	vst v63  }
0x26e: {  	s28 =	sadd.s32 $0xFFFFFC80, s17;
	s29 =	sadd.s32 $0xBF8, s20  }
0x26f: {  	[hbm4b:s28+s2] =	stream.linear.scatter [tilespmem:s29], [sflag:$0x1], $0x80, $0x38;
	[tilespmem:$0x9410] =	vst v63  }
0x270: {  	s30 =	sadd.s32 $0x1C78, s20;
	s31 =	sadd.s32 $0xFFFFFC90, s17  }
0x271: {  	[hbm4b:s31+s2] =	stream.linear.scatter [tilespmem:s30], [sflag:$0x1], $0x80, $0x38;
	[tilespmem:$0x9410] =	vst v63  }
0x272: {  	s23 =	sadd.s32 $0x2CF8, s20;
	s24 =	sadd.s32 $0xFFFFFCA0, s17  }
0x273: {  	[hbm4b:s24+s2] =	stream.linear.scatter [tilespmem:s23], [sflag:$0x1], $0x80, $0x38;
	[tilespmem:$0x9410] =	vst v63  }
0x274: {  	s25 =	sadd.s32 $0x3D78, s20;
	s26 =	sadd.s32 $0xFFFFFCB0, s17  }
0x275: {  	[hbm4b:s26+s2] =	stream.linear.scatter [tilespmem:s25], [sflag:$0x1], $0x80, $0x38;
	[tilespmem:$0x9410] =	vst v63  }
0x276: {  	s28 =	sadd.s32 $0x4DF8, s20;
	s29 =	sadd.s32 $0xFFFFFCC0, s17  }
0x277: {  	[hbm4b:s29+s2] =	stream.linear.scatter [tilespmem:s28], [sflag:$0x1], $0x80, $0x38;
	[tilespmem:$0x9410] =	vst v63  }
0x278: {  	s30 =	sadd.s32 $0x5E78, s20;
	s31 =	sadd.s32 $0xFFFFFCD0, s17  }
0x279: {  	[hbm4b:s31+s2] =	stream.linear.scatter [tilespmem:s30], [sflag:$0x1], $0x80, $0x38;
	[tilespmem:$0x9410] =	vst v63  }
0x27a: {  	s23 =	sadd.s32 $0x6EF8, s20;
	s24 =	sadd.s32 $0xFFFFFCE0, s17  }
0x27b: {  	[hbm4b:s24+s2] =	stream.linear.scatter [tilespmem:s23], [sflag:$0x1], $0x80, $0x38;
	[tilespmem:$0x9410] =	vst v63  }
0x27c: {  	s25 =	sadd.s32 $0x7F78, s20;
	s26 =	sadd.s32 $0xFFFFFCF0, s17  }
0x27d: {  	[hbm4b:s26+s2] =	stream.linear.scatter [tilespmem:s25], [sflag:$0x1], $0x80, $0x38;
	[tilespmem:$0x9410] =	vst v63  }
0x27e: {  	s28 =	sadd.s32 $0xFFFFFD00, s17;
	s29 =	sadd.s32 $0xC78, s20  }
0x27f: {  	[hbm4b:s28+s2] =	stream.linear.scatter [tilespmem:s29], [sflag:$0x1], $0x80, $0x38;
	[tilespmem:$0x9410] =	vst v63  }
0x280: {  	s30 =	sadd.s32 $0x1CF8, s20;
	s31 =	sadd.s32 $0xFFFFFD10, s17  }
0x281: {  	[hbm4b:s31+s2] =	stream.linear.scatter [tilespmem:s30], [sflag:$0x1], $0x80, $0x38;
	[tilespmem:$0x9410] =	vst v63  }
0x282: {  	s23 =	sadd.s32 $0x2D78, s20;
	s24 =	sadd.s32 $0xFFFFFD20, s17  }
0x283: {  	[hbm4b:s24+s2] =	stream.linear.scatter [tilespmem:s23], [sflag:$0x1], $0x80, $0x38;
	[tilespmem:$0x9410] =	vst v63  }
0x284: {  	s25 =	sadd.s32 $0x3DF8, s20;
	s26 =	sadd.s32 $0xFFFFFD30, s17  }
0x285: {  	[hbm4b:s26+s2] =	stream.linear.scatter [tilespmem:s25], [sflag:$0x1], $0x80, $0x38;
	[tilespmem:$0x9410] =	vst v63  }
0x286: {  	s28 =	sadd.s32 $0x4E78, s20;
	s29 =	sadd.s32 $0xFFFFFD40, s17  }
0x287: {  	[hbm4b:s29+s2] =	stream.linear.scatter [tilespmem:s28], [sflag:$0x1], $0x80, $0x38;
	[tilespmem:$0x9410] =	vst v63  }
0x288: {  	s30 =	sadd.s32 $0x5EF8, s20;
	s31 =	sadd.s32 $0xFFFFFD50, s17  }
0x289: {  	[hbm4b:s31+s2] =	stream.linear.scatter [tilespmem:s30], [sflag:$0x1], $0x80, $0x38;
	[tilespmem:$0x9410] =	vst v63  }
0x28a: {  	s23 =	sadd.s32 $0x6F78, s20;
	s24 =	sadd.s32 $0xFFFFFD60, s17  }
0x28b: {  	[hbm4b:s24+s2] =	stream.linear.scatter [tilespmem:s23], [sflag:$0x1], $0x80, $0x38;
	[tilespmem:$0x9410] =	vst v63  }
0x28c: {  	s25 =	sadd.s32 $0x7FF8, s20;
	s26 =	sadd.s32 $0xFFFFFD70, s17  }
0x28d: {  	[hbm4b:s26+s2] =	stream.linear.scatter [tilespmem:s25], [sflag:$0x1], $0x80, $0x38;
	[tilespmem:$0x9410] =	vst v63  }
0x28e: {  	s28 =	sadd.s32 $0xFFFFFD80, s17;
	s29 =	sadd.s32 $0xCF8, s20  }
0x28f: {  	[hbm4b:s28+s2] =	stream.linear.scatter [tilespmem:s29], [sflag:$0x1], $0x80, $0x38;
	[tilespmem:$0x9410] =	vst v63  }
0x290: {  	s30 =	sadd.s32 $0x1D78, s20;
	s31 =	sadd.s32 $0xFFFFFD90, s17  }
0x291: {  	[hbm4b:s31+s2] =	stream.linear.scatter [tilespmem:s30], [sflag:$0x1], $0x80, $0x38;
	[tilespmem:$0x9410] =	vst v63  }
0x292: {  	s23 =	sadd.s32 $0x2DF8, s20;
	s24 =	sadd.s32 $0xFFFFFDA0, s17  }
0x293: {  	[hbm4b:s24+s2] =	stream.linear.scatter [tilespmem:s23], [sflag:$0x1], $0x80, $0x38;
	[tilespmem:$0x9410] =	vst v63  }
0x294: {  	s25 =	sadd.s32 $0x3E78, s20;
	s26 =	sadd.s32 $0xFFFFFDB0, s17  }
0x295: {  	[hbm4b:s26+s2] =	stream.linear.scatter [tilespmem:s25], [sflag:$0x1], $0x80, $0x38;
	[tilespmem:$0x9410] =	vst v63  }
0x296: {  	s28 =	sadd.s32 $0x4EF8, s20;
	s29 =	sadd.s32 $0xFFFFFDC0, s17  }
0x297: {  	[hbm4b:s29+s2] =	stream.linear.scatter [tilespmem:s28], [sflag:$0x1], $0x80, $0x38;
	[tilespmem:$0x9410] =	vst v63  }
0x298: {  	s30 =	sadd.s32 $0x5F78, s20;
	s31 =	sadd.s32 $0xFFFFFDD0, s17  }
0x299: {  	[hbm4b:s31+s2] =	stream.linear.scatter [tilespmem:s30], [sflag:$0x1], $0x80, $0x38;
	[tilespmem:$0x9410] =	vst v63  }
0x29a: {  	s23 =	sadd.s32 $0x6FF8, s20;
	s24 =	sadd.s32 $0xFFFFFDE0, s17  }
0x29b: {  	[hbm4b:s24+s2] =	stream.linear.scatter [tilespmem:s23], [sflag:$0x1], $0x80, $0x38;
	[tilespmem:$0x9410] =	vst v63  }
0x29c: {  	s25 =	sadd.s32 $0x8078, s20;
	s26 =	sadd.s32 $0xFFFFFDF0, s17  }
0x29d: {  	[hbm4b:s26+s2] =	stream.linear.scatter [tilespmem:s25], [sflag:$0x1], $0x80, $0x38;
	[tilespmem:$0x9410] =	vst v63  }
0x29e: {  	s28 =	sadd.s32 $0xFFFFFE00, s17;
	s29 =	sadd.s32 $0xD78, s20  }
0x29f: {  	[hbm4b:s28+s2] =	stream.linear.scatter [tilespmem:s29], [sflag:$0x1], $0x80, $0x38;
	[tilespmem:$0x9410] =	vst v63  }
0x2a0: {  	s30 =	sadd.s32 $0x1DF8, s20;
	s31 =	sadd.s32 $0xFFFFFE10, s17  }
0x2a1: {  	[hbm4b:s31+s2] =	stream.linear.scatter [tilespmem:s30], [sflag:$0x1], $0x80, $0x38;
	[tilespmem:$0x9410] =	vst v63  }
0x2a2: {  	s23 =	sadd.s32 $0x2E78, s20;
	s24 =	sadd.s32 $0xFFFFFE20, s17  }
0x2a3: {  	[hbm4b:s24+s2] =	stream.linear.scatter [tilespmem:s23], [sflag:$0x1], $0x80, $0x38;
	[tilespmem:$0x9410] =	vst v63  }
0x2a4: {  	s25 =	sadd.s32 $0x3EF8, s20;
	s26 =	sadd.s32 $0xFFFFFE30, s17  }
0x2a5: {  	[hbm4b:s26+s2] =	stream.linear.scatter [tilespmem:s25], [sflag:$0x1], $0x80, $0x38;
	[tilespmem:$0x9410] =	vst v63  }
0x2a6: {  	s28 =	sadd.s32 $0x4F78, s20;
	s29 =	sadd.s32 $0xFFFFFE40, s17  }
0x2a7: {  	[hbm4b:s29+s2] =	stream.linear.scatter [tilespmem:s28], [sflag:$0x1], $0x80, $0x38;
	[tilespmem:$0x9410] =	vst v63  }
0x2a8: {  	s30 =	sadd.s32 $0x5FF8, s20;
	s31 =	sadd.s32 $0xFFFFFE50, s17  }
0x2a9: {  	[hbm4b:s31+s2] =	stream.linear.scatter [tilespmem:s30], [sflag:$0x1], $0x80, $0x38;
	[tilespmem:$0x9410] =	vst v63  }
0x2aa: {  	s23 =	sadd.s32 $0x7078, s20;
	s24 =	sadd.s32 $0xFFFFFE60, s17  }
0x2ab: {  	[hbm4b:s24+s2] =	stream.linear.scatter [tilespmem:s23], [sflag:$0x1], $0x80, $0x38;
	[tilespmem:$0x9410] =	vst v63  }
0x2ac: {  	s25 =	sadd.s32 $0x80F8, s20;
	s26 =	sadd.s32 $0xFFFFFE70, s17  }
0x2ad: {  	[hbm4b:s26+s2] =	stream.linear.scatter [tilespmem:s25], [sflag:$0x1], $0x80, $0x38;
	[tilespmem:$0x9410] =	vst v63  }
0x2ae: {  	s28 =	sadd.s32 $0xFFFFFE80, s17;
	s29 =	sadd.s32 $0xDF8, s20  }
0x2af: {  	[hbm4b:s28+s2] =	stream.linear.scatter [tilespmem:s29], [sflag:$0x1], $0x80, $0x38;
	[tilespmem:$0x9410] =	vst v63  }
0x2b0: {  	s30 =	sadd.s32 $0x1E78, s20;
	s31 =	sadd.s32 $0xFFFFFE90, s17  }
0x2b1: {  	[hbm4b:s31+s2] =	stream.linear.scatter [tilespmem:s30], [sflag:$0x1], $0x80, $0x38;
	[tilespmem:$0x9410] =	vst v63  }
0x2b2: {  	s23 =	sadd.s32 $0x2EF8, s20;
	s24 =	sadd.s32 $0xFFFFFEA0, s17  }
0x2b3: {  	[hbm4b:s24+s2] =	stream.linear.scatter [tilespmem:s23], [sflag:$0x1], $0x80, $0x38;
	[tilespmem:$0x9410] =	vst v63  }
0x2b4: {  	s25 =	sadd.s32 $0x3F78, s20;
	s26 =	sadd.s32 $0xFFFFFEB0, s17  }
0x2b5: {  	[hbm4b:s26+s2] =	stream.linear.scatter [tilespmem:s25], [sflag:$0x1], $0x80, $0x38;
	[tilespmem:$0x9410] =	vst v63  }
0x2b6: {  	s28 =	sadd.s32 $0x4FF8, s20;
	s29 =	sadd.s32 $0xFFFFFEC0, s17  }
0x2b7: {  	[hbm4b:s29+s2] =	stream.linear.scatter [tilespmem:s28], [sflag:$0x1], $0x80, $0x38;
	[tilespmem:$0x9410] =	vst v63  }
0x2b8: {  	s30 =	sadd.s32 $0x6078, s20;
	s31 =	sadd.s32 $0xFFFFFED0, s17  }
0x2b9: {  	[hbm4b:s31+s2] =	stream.linear.scatter [tilespmem:s30], [sflag:$0x1], $0x80, $0x38;
	[tilespmem:$0x9410] =	vst v63  }
0x2ba: {  	s23 =	sadd.s32 $0x70F8, s20;
	s24 =	sadd.s32 $0xFFFFFEE0, s17  }
0x2bb: {  	[hbm4b:s24+s2] =	stream.linear.scatter [tilespmem:s23], [sflag:$0x1], $0x80, $0x38;
	[tilespmem:$0x9410] =	vst v63  }
0x2bc: {  	s25 =	sadd.s32 $0x8178, s20;
	s26 =	sadd.s32 $0xFFFFFEF0, s17  }
0x2bd: {  	[hbm4b:s26+s2] =	stream.linear.scatter [tilespmem:s25], [sflag:$0x1], $0x80, $0x38;
	[tilespmem:$0x9410] =	vst v63  }
0x2be: {  	s28 =	sadd.s32 $0xFFFFFF00, s17;
	s29 =	sadd.s32 $0xE78, s20  }
0x2bf: {  	[hbm4b:s28+s2] =	stream.linear.scatter [tilespmem:s29], [sflag:$0x1], $0x80, $0x38;
	[tilespmem:$0x9410] =	vst v63  }
0x2c0: {  	s30 =	sadd.s32 $0x1EF8, s20;
	s31 =	sadd.s32 $0xFFFFFF10, s17  }
0x2c1: {  	[hbm4b:s31+s2] =	stream.linear.scatter [tilespmem:s30], [sflag:$0x1], $0x80, $0x38;
	[tilespmem:$0x9410] =	vst v63  }
0x2c2: {  	s23 =	sadd.s32 $0x2F78, s20;
	s24 =	sadd.s32 $0xFFFFFF20, s17  }
0x2c3: {  	[hbm4b:s24+s2] =	stream.linear.scatter [tilespmem:s23], [sflag:$0x1], $0x80, $0x38;
	[tilespmem:$0x9410] =	vst v63  }
0x2c4: {  	s25 =	sadd.s32 $0x3FF8, s20;
	s26 =	sadd.s32 $0xFFFFFF30, s17  }
0x2c5: {  	[hbm4b:s26+s2] =	stream.linear.scatter [tilespmem:s25], [sflag:$0x1], $0x80, $0x38;
	[tilespmem:$0x9410] =	vst v63  }
0x2c6: {  	s28 =	sadd.s32 $0x5078, s20;
	s29 =	sadd.s32 $0xFFFFFF40, s17  }
0x2c7: {  	[hbm4b:s29+s2] =	stream.linear.scatter [tilespmem:s28], [sflag:$0x1], $0x80, $0x38;
	[tilespmem:$0x9410] =	vst v63  }
0x2c8: {  	s30 =	sadd.s32 $0x60F8, s20;
	s31 =	sadd.s32 $0xFFFFFF50, s17  }
0x2c9: {  	[hbm4b:s31+s2] =	stream.linear.scatter [tilespmem:s30], [sflag:$0x1], $0x80, $0x38;
	[tilespmem:$0x9410] =	vst v63  }
0x2ca: {  	s23 =	sadd.s32 $0x7178, s20;
	s24 =	sadd.s32 $0xFFFFFF60, s17  }
0x2cb: {  	[hbm4b:s24+s2] =	stream.linear.scatter [tilespmem:s23], [sflag:$0x1], $0x80, $0x38;
	[tilespmem:$0x9410] =	vst v63  }
0x2cc: {  	s25 =	sadd.s32 $0x81F8, s20;
	s26 =	sadd.s32 $0xFFFFFF70, s17  }
0x2cd: {  	[hbm4b:s26+s2] =	stream.linear.scatter [tilespmem:s25], [sflag:$0x1], $0x80, $0x38;
	[tilespmem:$0x9410] =	vst v63  }
0x2ce: {  	s28 =	sadd.s32 $0xFFFFFF80, s17;
	s29 =	sadd.s32 $0xEF8, s20  }
0x2cf: {  	[hbm4b:s28+s2] =	stream.linear.scatter [tilespmem:s29], [sflag:$0x1], $0x80, $0x38;
	[tilespmem:$0x9410] =	vst v63  }
0x2d0: {  	s30 =	sadd.s32 $0x1F78, s20;
	s31 =	sadd.s32 $0xFFFFFF90, s17  }
0x2d1: {  	[hbm4b:s31+s2] =	stream.linear.scatter [tilespmem:s30], [sflag:$0x1], $0x80, $0x38;
	[tilespmem:$0x9410] =	vst v63  }
0x2d2: {  	s23 =	sadd.s32 $0x2FF8, s20;
	s24 =	sadd.s32 $0xFFFFFFA0, s17  }
0x2d3: {  	[hbm4b:s24+s2] =	stream.linear.scatter [tilespmem:s23], [sflag:$0x1], $0x80, $0x38;
	[tilespmem:$0x9410] =	vst v63  }
0x2d4: {  	s25 =	sadd.s32 $0x4078, s20;
	s26 =	sadd.s32 $0xFFFFFFB0, s17  }
0x2d5: {  	[hbm4b:s26+s2] =	stream.linear.scatter [tilespmem:s25], [sflag:$0x1], $0x80, $0x38;
	[tilespmem:$0x9410] =	vst v63  }
0x2d6: {  	s28 =	sadd.s32 $0x50F8, s20;
	s29 =	sadd.s32 $0xFFFFFFC0, s17  }
0x2d7: {  	[hbm4b:s29+s2] =	stream.linear.scatter [tilespmem:s28], [sflag:$0x1], $0x80, $0x38;
	[tilespmem:$0x9410] =	vst v63  }
0x2d8: {  	s22 =	smov.u32 s19;
	s30 =	sadd.s32 $0x6178, s20;
	s31 =	sadd.s32 $0xFFFFFFD0, s17  }
0x2d9: {  	[hbm4b:s31+s2] =	stream.linear.scatter [tilespmem:s30], [sflag:$0x1], $0x80, $0x38;
	[tilespmem:$0x9410] =	vst v63  }
0x2da: {  	s18 =	smov.u32 s22;
	s22 =	sadd.s32 $0x71F8, s20;
	s23 =	sadd.s32 $0xFFFFFFE0, s17  }
0x2db: {  	[hbm4b:s23+s2] =	stream.linear.scatter [tilespmem:s22], [sflag:$0x1], $0x80, $0x38;
	[tilespmem:$0x9410] =	vst v63  }
0x2dc: {  	s24 =	sadd.s32 $0x8278, s20;
	s25 =	sadd.s32 $0xFFFFFFF0, s17  }
0x2dd: {  	[hbm4b:s25+s2] =	stream.linear.scatter [tilespmem:s24], [sflag:$0x1], $0x80, $0x38;
	[tilespmem:$0x9410] =	vst v63  }
0x2de: {  	s26 =	sadd.s32 $0xF78, s20  }
0x2df: {  	[hbm4b:s17+s2] =	stream.linear.scatter [tilespmem:s26], [sflag:$0x1], $0x80, $0x38;
	[tilespmem:$0x9410] =	vst v63  }
0x2e0: {  	s28 =	sadd.s32 $0x1FF8, s20;
	s29 =	sadd.s32 $0x10, s17  }
0x2e1: {  	[hbm4b:s29+s2] =	stream.linear.scatter [tilespmem:s28], [sflag:$0x1], $0x80, $0x38;
	[tilespmem:$0x9410] =	vst v63  }
0x2e2: {  	s30 =	sadd.s32 $0x3078, s20;
	s31 =	sadd.s32 $0x20, s17  }
0x2e3: {  	[hbm4b:s31+s2] =	stream.linear.scatter [tilespmem:s30], [sflag:$0x1], $0x80, $0x38;
	[tilespmem:$0x9410] =	vst v63  }
0x2e4: {  	s22 =	sadd.s32 $0x40F8, s20;
	s23 =	sadd.s32 $0x30, s17  }
0x2e5: {  	[hbm4b:s23+s2] =	stream.linear.scatter [tilespmem:s22], [sflag:$0x1], $0x80, $0x38;
	[tilespmem:$0x9410] =	vst v63  }
0x2e6: {  	s24 =	sadd.s32 $0x5178, s20;
	s25 =	sadd.s32 $0x40, s17  }
0x2e7: {  	[hbm4b:s25+s2] =	stream.linear.scatter [tilespmem:s24], [sflag:$0x1], $0x80, $0x38;
	[tilespmem:$0x9410] =	vst v63  }
0x2e8: {  	s19 =	sadd.s32 $0xFFFFFFE0, s19;
	s26 =	sadd.s32 $0x61F8, s20;
	s28 =	sadd.s32 $0x50, s17  }
0x2e9: {  	[hbm4b:s28+s2] =	stream.linear.scatter [tilespmem:s26], [sflag:$0x1], $0x80, $0x38;
	[tilespmem:$0x9410] =	vst v63  }
0x2ea: {  	p0 =	sne.s32 s19, $0xFFFFF000;
	s29 =	sadd.s32 $0x7278, s20;
	s30 =	sadd.s32 $0x60, s17  }
0x2eb: {  	[hbm4b:s30+s2] =	stream.linear.scatter [tilespmem:s29], [sflag:$0x1], $0x80, $0x38;
	[tilespmem:$0x9410] =	vst v63  }
.Ltmp9:
0x2ec: {  	_ = 	snop;
	(pc) =	sbr.rel @p0 .LBB2_20-.Ltmp9, $4  }
0x2ed: {  	p1 =	slt.u32 s16, $0x8;
	s20 =	sadd.s32 $0x82F8, s20;
	s31 =	sadd.s32 $0x70, s17  }
0x2ee: {  	[hbm4b:s31+s2] =	stream.linear.scatter [tilespmem:s20], [sflag:$0x1], $0x80, $0x38;
	[tilespmem:$0x9410] =	vst v63  }
0x2ef: {  	s20 =	simm.s32 @!p1 $0x1  }
0x2f0: {  	s16 =	sadd.s32 $0x1, s16;
	s17 =	sadd.s32 $0x800, s17;
	_ =	swait.ge @!p1 [sflag:s20], $0x4000  }
0x2f1: {  	s19 =	rddreg [dreg:$0x3];
	s18 =	sshra.s32 s18, $0x2  }
0x2f2: {  	[sflag:s20] =	ssyncset.done @!p1 $0x0;
	s18 =	sadd.s32 s18, s19  }
0x2f3: {  	s30 =	sadd.s32 $0xFFFFF880, s17;
	[sflag:s20] =	ssyncadd.s32 @!p1 $0xFFFFC000;
	s31 =	sadd.s32 $0x7F8, s18  }
0x2f4: {  	[hbm4b:s30+s2] =	stream.linear.scatter [tilespmem:s31], [sflag:$0x1], $0x80, $0x38;
	[tilespmem:$0x9410] =	vst v63  }
0x2f5: {  	s22 =	sadd.s32 $0xFFFFF890, s17;
	s21 =	sadd.s32 $0x1878, s18  }
0x2f6: {  	[hbm4b:s22+s2] =	stream.linear.scatter [tilespmem:s21], [sflag:$0x1], $0x80, $0x38;
	[tilespmem:$0x9410] =	vst v63  }
0x2f7: {  	s24 =	sadd.s32 $0xFFFFF8A0, s17;
	s23 =	sadd.s32 $0x28F8, s18  }
0x2f8: {  	[hbm4b:s24+s2] =	stream.linear.scatter [tilespmem:s23], [sflag:$0x1], $0x80, $0x38;
	[tilespmem:$0x9410] =	vst v63  }
0x2f9: {  	s26 =	sadd.s32 $0xFFFFF8B0, s17;
	s25 =	sadd.s32 $0x3978, s18  }
0x2fa: {  	[hbm4b:s26+s2] =	stream.linear.scatter [tilespmem:s25], [sflag:$0x1], $0x80, $0x38;
	[tilespmem:$0x9410] =	vst v63  }
0x2fb: {  	s29 =	sadd.s32 $0xFFFFF8C0, s17;
	s28 =	sadd.s32 $0x49F8, s18  }
0x2fc: {  	[hbm4b:s29+s2] =	stream.linear.scatter [tilespmem:s28], [sflag:$0x1], $0x80, $0x38;
	[tilespmem:$0x9410] =	vst v63  }
0x2fd: {  	s30 =	sadd.s32 $0x5A78, s18;
	s31 =	sadd.s32 $0xFFFFF8D0, s17  }
0x2fe: {  	[hbm4b:s31+s2] =	stream.linear.scatter [tilespmem:s30], [sflag:$0x1], $0x80, $0x38;
	[tilespmem:$0x9410] =	vst v63  }
0x2ff: {  	s21 =	sadd.s32 $0x6AF8, s18;
	s22 =	sadd.s32 $0xFFFFF8E0, s17  }
0x300: {  	[hbm4b:s22+s2] =	stream.linear.scatter [tilespmem:s21], [sflag:$0x1], $0x80, $0x38;
	[tilespmem:$0x9410] =	vst v63  }
0x301: {  	s23 =	sadd.s32 $0x7B78, s18;
	s24 =	sadd.s32 $0xFFFFF8F0, s17  }
0x302: {  	[hbm4b:s24+s2] =	stream.linear.scatter [tilespmem:s23], [sflag:$0x1], $0x80, $0x38;
	[tilespmem:$0x9410] =	vst v63  }
0x303: {  	s25 =	sadd.s32 $0xFFFFF900, s17;
	s26 =	sadd.s32 $0x878, s18  }
0x304: {  	[hbm4b:s25+s2] =	stream.linear.scatter [tilespmem:s26], [sflag:$0x1], $0x80, $0x38;
	[tilespmem:$0x9410] =	vst v63  }
0x305: {  	s28 =	sadd.s32 $0x18F8, s18;
	s29 =	sadd.s32 $0xFFFFF910, s17  }
0x306: {  	[hbm4b:s29+s2] =	stream.linear.scatter [tilespmem:s28], [sflag:$0x1], $0x80, $0x38;
	[tilespmem:$0x9410] =	vst v63  }
0x307: {  	s30 =	sadd.s32 $0x2978, s18;
	s31 =	sadd.s32 $0xFFFFF920, s17  }
0x308: {  	[hbm4b:s31+s2] =	stream.linear.scatter [tilespmem:s30], [sflag:$0x1], $0x80, $0x38;
	[tilespmem:$0x9410] =	vst v63  }
0x309: {  	s21 =	sadd.s32 $0x39F8, s18;
	s22 =	sadd.s32 $0xFFFFF930, s17  }
0x30a: {  	[hbm4b:s22+s2] =	stream.linear.scatter [tilespmem:s21], [sflag:$0x1], $0x80, $0x38;
	[tilespmem:$0x9410] =	vst v63  }
0x30b: {  	s23 =	sadd.s32 $0x4A78, s18;
	s24 =	sadd.s32 $0xFFFFF940, s17  }
0x30c: {  	[hbm4b:s24+s2] =	stream.linear.scatter [tilespmem:s23], [sflag:$0x1], $0x80, $0x38;
	[tilespmem:$0x9410] =	vst v63  }
0x30d: {  	s25 =	sadd.s32 $0x5AF8, s18;
	s26 =	sadd.s32 $0xFFFFF950, s17  }
0x30e: {  	[hbm4b:s26+s2] =	stream.linear.scatter [tilespmem:s25], [sflag:$0x1], $0x80, $0x38;
	[tilespmem:$0x9410] =	vst v63  }
0x30f: {  	s28 =	sadd.s32 $0x6B78, s18;
	s29 =	sadd.s32 $0xFFFFF960, s17  }
0x310: {  	[hbm4b:s29+s2] =	stream.linear.scatter [tilespmem:s28], [sflag:$0x1], $0x80, $0x38;
	[tilespmem:$0x9410] =	vst v63  }
0x311: {  	s30 =	sadd.s32 $0x7BF8, s18;
	s31 =	sadd.s32 $0xFFFFF970, s17  }
0x312: {  	[hbm4b:s31+s2] =	stream.linear.scatter [tilespmem:s30], [sflag:$0x1], $0x80, $0x38;
	[tilespmem:$0x9410] =	vst v63  }
0x313: {  	s21 =	sadd.s32 $0xFFFFF980, s17;
	s22 =	sadd.s32 $0x8F8, s18  }
0x314: {  	[hbm4b:s21+s2] =	stream.linear.scatter [tilespmem:s22], [sflag:$0x1], $0x80, $0x38;
	[tilespmem:$0x9410] =	vst v63  }
0x315: {  	s23 =	sadd.s32 $0x1978, s18;
	s24 =	sadd.s32 $0xFFFFF990, s17  }
0x316: {  	[hbm4b:s24+s2] =	stream.linear.scatter [tilespmem:s23], [sflag:$0x1], $0x80, $0x38;
	[tilespmem:$0x9410] =	vst v63  }
0x317: {  	s25 =	sadd.s32 $0x29F8, s18;
	s26 =	sadd.s32 $0xFFFFF9A0, s17  }
0x318: {  	[hbm4b:s26+s2] =	stream.linear.scatter [tilespmem:s25], [sflag:$0x1], $0x80, $0x38;
	[tilespmem:$0x9410] =	vst v63  }
0x319: {  	s28 =	sadd.s32 $0x3A78, s18;
	s29 =	sadd.s32 $0xFFFFF9B0, s17  }
0x31a: {  	[hbm4b:s29+s2] =	stream.linear.scatter [tilespmem:s28], [sflag:$0x1], $0x80, $0x38;
	[tilespmem:$0x9410] =	vst v63  }
0x31b: {  	s30 =	sadd.s32 $0x4AF8, s18;
	s31 =	sadd.s32 $0xFFFFF9C0, s17  }
0x31c: {  	[hbm4b:s31+s2] =	stream.linear.scatter [tilespmem:s30], [sflag:$0x1], $0x80, $0x38;
	[tilespmem:$0x9410] =	vst v63  }
0x31d: {  	s21 =	sadd.s32 $0x5B78, s18;
	s22 =	sadd.s32 $0xFFFFF9D0, s17  }
0x31e: {  	[hbm4b:s22+s2] =	stream.linear.scatter [tilespmem:s21], [sflag:$0x1], $0x80, $0x38;
	[tilespmem:$0x9410] =	vst v63  }
0x31f: {  	s23 =	sadd.s32 $0x6BF8, s18;
	s24 =	sadd.s32 $0xFFFFF9E0, s17  }
0x320: {  	[hbm4b:s24+s2] =	stream.linear.scatter [tilespmem:s23], [sflag:$0x1], $0x80, $0x38;
	[tilespmem:$0x9410] =	vst v63  }
0x321: {  	s25 =	sadd.s32 $0x7C78, s18;
	s26 =	sadd.s32 $0xFFFFF9F0, s17  }
0x322: {  	[hbm4b:s26+s2] =	stream.linear.scatter [tilespmem:s25], [sflag:$0x1], $0x80, $0x38;
	[tilespmem:$0x9410] =	vst v63  }
0x323: {  	s28 =	sadd.s32 $0xFFFFFA00, s17;
	s29 =	sadd.s32 $0x978, s18  }
0x324: {  	[hbm4b:s28+s2] =	stream.linear.scatter [tilespmem:s29], [sflag:$0x1], $0x80, $0x38;
	[tilespmem:$0x9410] =	vst v63  }
0x325: {  	s30 =	sadd.s32 $0x19F8, s18;
	s31 =	sadd.s32 $0xFFFFFA10, s17  }
0x326: {  	[hbm4b:s31+s2] =	stream.linear.scatter [tilespmem:s30], [sflag:$0x1], $0x80, $0x38;
	[tilespmem:$0x9410] =	vst v63  }
0x327: {  	s21 =	sadd.s32 $0x2A78, s18;
	s22 =	sadd.s32 $0xFFFFFA20, s17  }
0x328: {  	[hbm4b:s22+s2] =	stream.linear.scatter [tilespmem:s21], [sflag:$0x1], $0x80, $0x38;
	[tilespmem:$0x9410] =	vst v63  }
0x329: {  	s23 =	sadd.s32 $0x3AF8, s18;
	s24 =	sadd.s32 $0xFFFFFA30, s17  }
0x32a: {  	[hbm4b:s24+s2] =	stream.linear.scatter [tilespmem:s23], [sflag:$0x1], $0x80, $0x38;
	[tilespmem:$0x9410] =	vst v63  }
0x32b: {  	s25 =	sadd.s32 $0x4B78, s18;
	s26 =	sadd.s32 $0xFFFFFA40, s17  }
0x32c: {  	[hbm4b:s26+s2] =	stream.linear.scatter [tilespmem:s25], [sflag:$0x1], $0x80, $0x38;
	[tilespmem:$0x9410] =	vst v63  }
0x32d: {  	s28 =	sadd.s32 $0x5BF8, s18;
	s29 =	sadd.s32 $0xFFFFFA50, s17  }
0x32e: {  	[hbm4b:s29+s2] =	stream.linear.scatter [tilespmem:s28], [sflag:$0x1], $0x80, $0x38;
	[tilespmem:$0x9410] =	vst v63  }
0x32f: {  	s30 =	sadd.s32 $0x6C78, s18;
	s31 =	sadd.s32 $0xFFFFFA60, s17  }
0x330: {  	[hbm4b:s31+s2] =	stream.linear.scatter [tilespmem:s30], [sflag:$0x1], $0x80, $0x38;
	[tilespmem:$0x9410] =	vst v63  }
0x331: {  	s21 =	sadd.s32 $0x7CF8, s18;
	s22 =	sadd.s32 $0xFFFFFA70, s17  }
0x332: {  	[hbm4b:s22+s2] =	stream.linear.scatter [tilespmem:s21], [sflag:$0x1], $0x80, $0x38;
	[tilespmem:$0x9410] =	vst v63  }
0x333: {  	s23 =	sadd.s32 $0xFFFFFA80, s17;
	s24 =	sadd.s32 $0x9F8, s18  }
0x334: {  	[hbm4b:s23+s2] =	stream.linear.scatter [tilespmem:s24], [sflag:$0x1], $0x80, $0x38;
	[tilespmem:$0x9410] =	vst v63  }
0x335: {  	s25 =	sadd.s32 $0x1A78, s18;
	s26 =	sadd.s32 $0xFFFFFA90, s17  }
0x336: {  	[hbm4b:s26+s2] =	stream.linear.scatter [tilespmem:s25], [sflag:$0x1], $0x80, $0x38;
	[tilespmem:$0x9410] =	vst v63  }
0x337: {  	s28 =	sadd.s32 $0x2AF8, s18;
	s29 =	sadd.s32 $0xFFFFFAA0, s17  }
0x338: {  	[hbm4b:s29+s2] =	stream.linear.scatter [tilespmem:s28], [sflag:$0x1], $0x80, $0x38;
	[tilespmem:$0x9410] =	vst v63  }
0x339: {  	s30 =	sadd.s32 $0x3B78, s18;
	s31 =	sadd.s32 $0xFFFFFAB0, s17  }
0x33a: {  	[hbm4b:s31+s2] =	stream.linear.scatter [tilespmem:s30], [sflag:$0x1], $0x80, $0x38;
	[tilespmem:$0x9410] =	vst v63  }
0x33b: {  	s21 =	sadd.s32 $0x4BF8, s18;
	s22 =	sadd.s32 $0xFFFFFAC0, s17  }
0x33c: {  	[hbm4b:s22+s2] =	stream.linear.scatter [tilespmem:s21], [sflag:$0x1], $0x80, $0x38;
	[tilespmem:$0x9410] =	vst v63  }
0x33d: {  	s23 =	sadd.s32 $0x5C78, s18;
	s24 =	sadd.s32 $0xFFFFFAD0, s17  }
0x33e: {  	[hbm4b:s24+s2] =	stream.linear.scatter [tilespmem:s23], [sflag:$0x1], $0x80, $0x38;
	[tilespmem:$0x9410] =	vst v63  }
0x33f: {  	s25 =	sadd.s32 $0x6CF8, s18;
	s26 =	sadd.s32 $0xFFFFFAE0, s17  }
0x340: {  	[hbm4b:s26+s2] =	stream.linear.scatter [tilespmem:s25], [sflag:$0x1], $0x80, $0x38;
	[tilespmem:$0x9410] =	vst v63  }
0x341: {  	s28 =	sadd.s32 $0x7D78, s18;
	s29 =	sadd.s32 $0xFFFFFAF0, s17  }
0x342: {  	[hbm4b:s29+s2] =	stream.linear.scatter [tilespmem:s28], [sflag:$0x1], $0x80, $0x38;
	[tilespmem:$0x9410] =	vst v63  }
0x343: {  	s30 =	sadd.s32 $0xFFFFFB00, s17;
	s31 =	sadd.s32 $0xA78, s18  }
0x344: {  	[hbm4b:s30+s2] =	stream.linear.scatter [tilespmem:s31], [sflag:$0x1], $0x80, $0x38;
	[tilespmem:$0x9410] =	vst v63  }
0x345: {  	s21 =	sadd.s32 $0x1AF8, s18;
	s22 =	sadd.s32 $0xFFFFFB10, s17  }
0x346: {  	[hbm4b:s22+s2] =	stream.linear.scatter [tilespmem:s21], [sflag:$0x1], $0x80, $0x38;
	[tilespmem:$0x9410] =	vst v63  }
0x347: {  	s23 =	sadd.s32 $0x2B78, s18;
	s24 =	sadd.s32 $0xFFFFFB20, s17  }
0x348: {  	[hbm4b:s24+s2] =	stream.linear.scatter [tilespmem:s23], [sflag:$0x1], $0x80, $0x38;
	[tilespmem:$0x9410] =	vst v63  }
0x349: {  	s25 =	sadd.s32 $0x3BF8, s18;
	s26 =	sadd.s32 $0xFFFFFB30, s17  }
0x34a: {  	[hbm4b:s26+s2] =	stream.linear.scatter [tilespmem:s25], [sflag:$0x1], $0x80, $0x38;
	[tilespmem:$0x9410] =	vst v63  }
0x34b: {  	s28 =	sadd.s32 $0x4C78, s18;
	s29 =	sadd.s32 $0xFFFFFB40, s17  }
0x34c: {  	[hbm4b:s29+s2] =	stream.linear.scatter [tilespmem:s28], [sflag:$0x1], $0x80, $0x38;
	[tilespmem:$0x9410] =	vst v63  }
0x34d: {  	s30 =	sadd.s32 $0x5CF8, s18;
	s31 =	sadd.s32 $0xFFFFFB50, s17  }
0x34e: {  	[hbm4b:s31+s2] =	stream.linear.scatter [tilespmem:s30], [sflag:$0x1], $0x80, $0x38;
	[tilespmem:$0x9410] =	vst v63  }
0x34f: {  	s21 =	sadd.s32 $0x6D78, s18;
	s22 =	sadd.s32 $0xFFFFFB60, s17  }
0x350: {  	[hbm4b:s22+s2] =	stream.linear.scatter [tilespmem:s21], [sflag:$0x1], $0x80, $0x38;
	[tilespmem:$0x9410] =	vst v63  }
0x351: {  	s23 =	sadd.s32 $0x7DF8, s18;
	s24 =	sadd.s32 $0xFFFFFB70, s17  }
0x352: {  	[hbm4b:s24+s2] =	stream.linear.scatter [tilespmem:s23], [sflag:$0x1], $0x80, $0x38;
	[tilespmem:$0x9410] =	vst v63  }
0x353: {  	s25 =	sadd.s32 $0xFFFFFB80, s17;
	s26 =	sadd.s32 $0xAF8, s18  }
0x354: {  	[hbm4b:s25+s2] =	stream.linear.scatter [tilespmem:s26], [sflag:$0x1], $0x80, $0x38;
	[tilespmem:$0x9410] =	vst v63  }
0x355: {  	s28 =	sadd.s32 $0x1B78, s18;
	s29 =	sadd.s32 $0xFFFFFB90, s17  }
0x356: {  	[hbm4b:s29+s2] =	stream.linear.scatter [tilespmem:s28], [sflag:$0x1], $0x80, $0x38;
	[tilespmem:$0x9410] =	vst v63  }
0x357: {  	s30 =	sadd.s32 $0x2BF8, s18;
	s31 =	sadd.s32 $0xFFFFFBA0, s17  }
0x358: {  	[hbm4b:s31+s2] =	stream.linear.scatter [tilespmem:s30], [sflag:$0x1], $0x80, $0x38;
	[tilespmem:$0x9410] =	vst v63  }
0x359: {  	s21 =	sadd.s32 $0x3C78, s18;
	s22 =	sadd.s32 $0xFFFFFBB0, s17  }
0x35a: {  	[hbm4b:s22+s2] =	stream.linear.scatter [tilespmem:s21], [sflag:$0x1], $0x80, $0x38;
	[tilespmem:$0x9410] =	vst v63  }
0x35b: {  	s23 =	sadd.s32 $0x4CF8, s18;
	s24 =	sadd.s32 $0xFFFFFBC0, s17  }
0x35c: {  	[hbm4b:s24+s2] =	stream.linear.scatter [tilespmem:s23], [sflag:$0x1], $0x80, $0x38;
	[tilespmem:$0x9410] =	vst v63  }
0x35d: {  	s25 =	sadd.s32 $0x5D78, s18;
	s26 =	sadd.s32 $0xFFFFFBD0, s17  }
0x35e: {  	[hbm4b:s26+s2] =	stream.linear.scatter [tilespmem:s25], [sflag:$0x1], $0x80, $0x38;
	[tilespmem:$0x9410] =	vst v63  }
0x35f: {  	s28 =	sadd.s32 $0x6DF8, s18;
	s29 =	sadd.s32 $0xFFFFFBE0, s17  }
0x360: {  	[hbm4b:s29+s2] =	stream.linear.scatter [tilespmem:s28], [sflag:$0x1], $0x80, $0x38;
	[tilespmem:$0x9410] =	vst v63  }
0x361: {  	s30 =	sadd.s32 $0x7E78, s18;
	s31 =	sadd.s32 $0xFFFFFBF0, s17  }
0x362: {  	[hbm4b:s31+s2] =	stream.linear.scatter [tilespmem:s30], [sflag:$0x1], $0x80, $0x38;
	[tilespmem:$0x9410] =	vst v63  }
0x363: {  	s21 =	sadd.s32 $0xFFFFFC00, s17;
	s22 =	sadd.s32 $0xB78, s18  }
0x364: {  	[hbm4b:s21+s2] =	stream.linear.scatter [tilespmem:s22], [sflag:$0x1], $0x80, $0x38;
	[tilespmem:$0x9410] =	vst v63  }
0x365: {  	s23 =	sadd.s32 $0x1BF8, s18;
	s24 =	sadd.s32 $0xFFFFFC10, s17  }
0x366: {  	[hbm4b:s24+s2] =	stream.linear.scatter [tilespmem:s23], [sflag:$0x1], $0x80, $0x38;
	[tilespmem:$0x9410] =	vst v63  }
0x367: {  	s25 =	sadd.s32 $0x2C78, s18;
	s26 =	sadd.s32 $0xFFFFFC20, s17  }
0x368: {  	[hbm4b:s26+s2] =	stream.linear.scatter [tilespmem:s25], [sflag:$0x1], $0x80, $0x38;
	[tilespmem:$0x9410] =	vst v63  }
0x369: {  	s28 =	sadd.s32 $0x3CF8, s18;
	s29 =	sadd.s32 $0xFFFFFC30, s17  }
0x36a: {  	[hbm4b:s29+s2] =	stream.linear.scatter [tilespmem:s28], [sflag:$0x1], $0x80, $0x38;
	[tilespmem:$0x9410] =	vst v63  }
0x36b: {  	s30 =	sadd.s32 $0x4D78, s18;
	s31 =	sadd.s32 $0xFFFFFC40, s17  }
0x36c: {  	[hbm4b:s31+s2] =	stream.linear.scatter [tilespmem:s30], [sflag:$0x1], $0x80, $0x38;
	[tilespmem:$0x9410] =	vst v63  }
0x36d: {  	s21 =	sadd.s32 $0x5DF8, s18;
	s22 =	sadd.s32 $0xFFFFFC50, s17  }
0x36e: {  	[hbm4b:s22+s2] =	stream.linear.scatter [tilespmem:s21], [sflag:$0x1], $0x80, $0x38;
	[tilespmem:$0x9410] =	vst v63  }
0x36f: {  	s23 =	sadd.s32 $0x6E78, s18;
	s24 =	sadd.s32 $0xFFFFFC60, s17  }
0x370: {  	[hbm4b:s24+s2] =	stream.linear.scatter [tilespmem:s23], [sflag:$0x1], $0x80, $0x38;
	[tilespmem:$0x9410] =	vst v63  }
0x371: {  	s25 =	sadd.s32 $0x7EF8, s18;
	s26 =	sadd.s32 $0xFFFFFC70, s17  }
0x372: {  	[hbm4b:s26+s2] =	stream.linear.scatter [tilespmem:s25], [sflag:$0x1], $0x80, $0x38;
	[tilespmem:$0x9410] =	vst v63  }
0x373: {  	s28 =	sadd.s32 $0xFFFFFC80, s17;
	s29 =	sadd.s32 $0xBF8, s18  }
0x374: {  	[hbm4b:s28+s2] =	stream.linear.scatter [tilespmem:s29], [sflag:$0x1], $0x80, $0x38;
	[tilespmem:$0x9410] =	vst v63  }
0x375: {  	s30 =	sadd.s32 $0x1C78, s18;
	s31 =	sadd.s32 $0xFFFFFC90, s17  }
0x376: {  	[hbm4b:s31+s2] =	stream.linear.scatter [tilespmem:s30], [sflag:$0x1], $0x80, $0x38;
	[tilespmem:$0x9410] =	vst v63  }
0x377: {  	s21 =	sadd.s32 $0x2CF8, s18;
	s22 =	sadd.s32 $0xFFFFFCA0, s17  }
0x378: {  	[hbm4b:s22+s2] =	stream.linear.scatter [tilespmem:s21], [sflag:$0x1], $0x80, $0x38;
	[tilespmem:$0x9410] =	vst v63  }
0x379: {  	s23 =	sadd.s32 $0x3D78, s18;
	s24 =	sadd.s32 $0xFFFFFCB0, s17  }
0x37a: {  	[hbm4b:s24+s2] =	stream.linear.scatter [tilespmem:s23], [sflag:$0x1], $0x80, $0x38;
	[tilespmem:$0x9410] =	vst v63  }
0x37b: {  	s25 =	sadd.s32 $0x4DF8, s18;
	s26 =	sadd.s32 $0xFFFFFCC0, s17  }
0x37c: {  	[hbm4b:s26+s2] =	stream.linear.scatter [tilespmem:s25], [sflag:$0x1], $0x80, $0x38;
	[tilespmem:$0x9410] =	vst v63  }
0x37d: {  	s28 =	sadd.s32 $0x5E78, s18;
	s29 =	sadd.s32 $0xFFFFFCD0, s17  }
0x37e: {  	[hbm4b:s29+s2] =	stream.linear.scatter [tilespmem:s28], [sflag:$0x1], $0x80, $0x38;
	[tilespmem:$0x9410] =	vst v63  }
0x37f: {  	s30 =	sadd.s32 $0x6EF8, s18;
	s31 =	sadd.s32 $0xFFFFFCE0, s17  }
0x380: {  	[hbm4b:s31+s2] =	stream.linear.scatter [tilespmem:s30], [sflag:$0x1], $0x80, $0x38;
	[tilespmem:$0x9410] =	vst v63  }
0x381: {  	s21 =	sadd.s32 $0x7F78, s18;
	s22 =	sadd.s32 $0xFFFFFCF0, s17  }
0x382: {  	[hbm4b:s22+s2] =	stream.linear.scatter [tilespmem:s21], [sflag:$0x1], $0x80, $0x38;
	[tilespmem:$0x9410] =	vst v63  }
0x383: {  	s23 =	sadd.s32 $0xFFFFFD00, s17;
	s24 =	sadd.s32 $0xC78, s18  }
0x384: {  	[hbm4b:s23+s2] =	stream.linear.scatter [tilespmem:s24], [sflag:$0x1], $0x80, $0x38;
	[tilespmem:$0x9410] =	vst v63  }
0x385: {  	s25 =	sadd.s32 $0x1CF8, s18;
	s26 =	sadd.s32 $0xFFFFFD10, s17  }
0x386: {  	[hbm4b:s26+s2] =	stream.linear.scatter [tilespmem:s25], [sflag:$0x1], $0x80, $0x38;
	[tilespmem:$0x9410] =	vst v63  }
0x387: {  	s28 =	sadd.s32 $0x2D78, s18;
	s29 =	sadd.s32 $0xFFFFFD20, s17  }
0x388: {  	[hbm4b:s29+s2] =	stream.linear.scatter [tilespmem:s28], [sflag:$0x1], $0x80, $0x38;
	[tilespmem:$0x9410] =	vst v63  }
0x389: {  	s30 =	sadd.s32 $0x3DF8, s18;
	s31 =	sadd.s32 $0xFFFFFD30, s17  }
0x38a: {  	[hbm4b:s31+s2] =	stream.linear.scatter [tilespmem:s30], [sflag:$0x1], $0x80, $0x38;
	[tilespmem:$0x9410] =	vst v63  }
0x38b: {  	s21 =	sadd.s32 $0x4E78, s18;
	s22 =	sadd.s32 $0xFFFFFD40, s17  }
0x38c: {  	[hbm4b:s22+s2] =	stream.linear.scatter [tilespmem:s21], [sflag:$0x1], $0x80, $0x38;
	[tilespmem:$0x9410] =	vst v63  }
0x38d: {  	s23 =	sadd.s32 $0x5EF8, s18;
	s24 =	sadd.s32 $0xFFFFFD50, s17  }
0x38e: {  	[hbm4b:s24+s2] =	stream.linear.scatter [tilespmem:s23], [sflag:$0x1], $0x80, $0x38;
	[tilespmem:$0x9410] =	vst v63  }
0x38f: {  	s25 =	sadd.s32 $0x6F78, s18;
	s26 =	sadd.s32 $0xFFFFFD60, s17  }
0x390: {  	[hbm4b:s26+s2] =	stream.linear.scatter [tilespmem:s25], [sflag:$0x1], $0x80, $0x38;
	[tilespmem:$0x9410] =	vst v63  }
0x391: {  	s28 =	sadd.s32 $0x7FF8, s18;
	s29 =	sadd.s32 $0xFFFFFD70, s17  }
0x392: {  	[hbm4b:s29+s2] =	stream.linear.scatter [tilespmem:s28], [sflag:$0x1], $0x80, $0x38;
	[tilespmem:$0x9410] =	vst v63  }
0x393: {  	s30 =	sadd.s32 $0xFFFFFD80, s17;
	s31 =	sadd.s32 $0xCF8, s18  }
0x394: {  	[hbm4b:s30+s2] =	stream.linear.scatter [tilespmem:s31], [sflag:$0x1], $0x80, $0x38;
	[tilespmem:$0x9410] =	vst v63  }
0x395: {  	s21 =	sadd.s32 $0x1D78, s18;
	s22 =	sadd.s32 $0xFFFFFD90, s17  }
0x396: {  	[hbm4b:s22+s2] =	stream.linear.scatter [tilespmem:s21], [sflag:$0x1], $0x80, $0x38;
	[tilespmem:$0x9410] =	vst v63  }
0x397: {  	s23 =	sadd.s32 $0x2DF8, s18;
	s24 =	sadd.s32 $0xFFFFFDA0, s17  }
0x398: {  	[hbm4b:s24+s2] =	stream.linear.scatter [tilespmem:s23], [sflag:$0x1], $0x80, $0x38;
	[tilespmem:$0x9410] =	vst v63  }
0x399: {  	s25 =	sadd.s32 $0x3E78, s18;
	s26 =	sadd.s32 $0xFFFFFDB0, s17  }
0x39a: {  	[hbm4b:s26+s2] =	stream.linear.scatter [tilespmem:s25], [sflag:$0x1], $0x80, $0x38;
	[tilespmem:$0x9410] =	vst v63  }
0x39b: {  	s28 =	sadd.s32 $0x4EF8, s18;
	s29 =	sadd.s32 $0xFFFFFDC0, s17  }
0x39c: {  	[hbm4b:s29+s2] =	stream.linear.scatter [tilespmem:s28], [sflag:$0x1], $0x80, $0x38;
	[tilespmem:$0x9410] =	vst v63  }
0x39d: {  	s30 =	sadd.s32 $0x5F78, s18;
	s31 =	sadd.s32 $0xFFFFFDD0, s17  }
0x39e: {  	[hbm4b:s31+s2] =	stream.linear.scatter [tilespmem:s30], [sflag:$0x1], $0x80, $0x38;
	[tilespmem:$0x9410] =	vst v63  }
0x39f: {  	s21 =	sadd.s32 $0x6FF8, s18;
	s22 =	sadd.s32 $0xFFFFFDE0, s17  }
0x3a0: {  	[hbm4b:s22+s2] =	stream.linear.scatter [tilespmem:s21], [sflag:$0x1], $0x80, $0x38;
	[tilespmem:$0x9410] =	vst v63  }
0x3a1: {  	s23 =	sadd.s32 $0x8078, s18;
	s24 =	sadd.s32 $0xFFFFFDF0, s17  }
0x3a2: {  	[hbm4b:s24+s2] =	stream.linear.scatter [tilespmem:s23], [sflag:$0x1], $0x80, $0x38;
	[tilespmem:$0x9410] =	vst v63  }
0x3a3: {  	s25 =	sadd.s32 $0xFFFFFE00, s17;
	s26 =	sadd.s32 $0xD78, s18  }
0x3a4: {  	[hbm4b:s25+s2] =	stream.linear.scatter [tilespmem:s26], [sflag:$0x1], $0x80, $0x38;
	[tilespmem:$0x9410] =	vst v63  }
0x3a5: {  	s28 =	sadd.s32 $0x1DF8, s18;
	s29 =	sadd.s32 $0xFFFFFE10, s17  }
0x3a6: {  	[hbm4b:s29+s2] =	stream.linear.scatter [tilespmem:s28], [sflag:$0x1], $0x80, $0x38;
	[tilespmem:$0x9410] =	vst v63  }
0x3a7: {  	s30 =	sadd.s32 $0x2E78, s18;
	s31 =	sadd.s32 $0xFFFFFE20, s17  }
0x3a8: {  	[hbm4b:s31+s2] =	stream.linear.scatter [tilespmem:s30], [sflag:$0x1], $0x80, $0x38;
	[tilespmem:$0x9410] =	vst v63  }
0x3a9: {  	s21 =	sadd.s32 $0x3EF8, s18;
	s22 =	sadd.s32 $0xFFFFFE30, s17  }
0x3aa: {  	[hbm4b:s22+s2] =	stream.linear.scatter [tilespmem:s21], [sflag:$0x1], $0x80, $0x38;
	[tilespmem:$0x9410] =	vst v63  }
0x3ab: {  	s23 =	sadd.s32 $0x4F78, s18;
	s24 =	sadd.s32 $0xFFFFFE40, s17  }
0x3ac: {  	[hbm4b:s24+s2] =	stream.linear.scatter [tilespmem:s23], [sflag:$0x1], $0x80, $0x38;
	[tilespmem:$0x9410] =	vst v63  }
0x3ad: {  	s25 =	sadd.s32 $0x5FF8, s18;
	s26 =	sadd.s32 $0xFFFFFE50, s17  }
0x3ae: {  	[hbm4b:s26+s2] =	stream.linear.scatter [tilespmem:s25], [sflag:$0x1], $0x80, $0x38;
	[tilespmem:$0x9410] =	vst v63  }
0x3af: {  	s28 =	sadd.s32 $0x7078, s18;
	s29 =	sadd.s32 $0xFFFFFE60, s17  }
0x3b0: {  	[hbm4b:s29+s2] =	stream.linear.scatter [tilespmem:s28], [sflag:$0x1], $0x80, $0x38;
	[tilespmem:$0x9410] =	vst v63  }
0x3b1: {  	s30 =	sadd.s32 $0x80F8, s18;
	s31 =	sadd.s32 $0xFFFFFE70, s17  }
0x3b2: {  	[hbm4b:s31+s2] =	stream.linear.scatter [tilespmem:s30], [sflag:$0x1], $0x80, $0x38;
	[tilespmem:$0x9410] =	vst v63  }
0x3b3: {  	s21 =	sadd.s32 $0xFFFFFE80, s17;
	s22 =	sadd.s32 $0xDF8, s18  }
0x3b4: {  	[hbm4b:s21+s2] =	stream.linear.scatter [tilespmem:s22], [sflag:$0x1], $0x80, $0x38;
	[tilespmem:$0x9410] =	vst v63  }
0x3b5: {  	s23 =	sadd.s32 $0x1E78, s18;
	s24 =	sadd.s32 $0xFFFFFE90, s17  }
0x3b6: {  	[hbm4b:s24+s2] =	stream.linear.scatter [tilespmem:s23], [sflag:$0x1], $0x80, $0x38;
	[tilespmem:$0x9410] =	vst v63  }
0x3b7: {  	s25 =	sadd.s32 $0x2EF8, s18;
	s26 =	sadd.s32 $0xFFFFFEA0, s17  }
0x3b8: {  	[hbm4b:s26+s2] =	stream.linear.scatter [tilespmem:s25], [sflag:$0x1], $0x80, $0x38;
	[tilespmem:$0x9410] =	vst v63  }
0x3b9: {  	s28 =	sadd.s32 $0x3F78, s18;
	s29 =	sadd.s32 $0xFFFFFEB0, s17  }
0x3ba: {  	[hbm4b:s29+s2] =	stream.linear.scatter [tilespmem:s28], [sflag:$0x1], $0x80, $0x38;
	[tilespmem:$0x9410] =	vst v63  }
0x3bb: {  	s30 =	sadd.s32 $0x4FF8, s18;
	s31 =	sadd.s32 $0xFFFFFEC0, s17  }
0x3bc: {  	[hbm4b:s31+s2] =	stream.linear.scatter [tilespmem:s30], [sflag:$0x1], $0x80, $0x38;
	[tilespmem:$0x9410] =	vst v63  }
0x3bd: {  	s21 =	sadd.s32 $0x6078, s18;
	s22 =	sadd.s32 $0xFFFFFED0, s17  }
0x3be: {  	[hbm4b:s22+s2] =	stream.linear.scatter [tilespmem:s21], [sflag:$0x1], $0x80, $0x38;
	[tilespmem:$0x9410] =	vst v63  }
0x3bf: {  	s23 =	sadd.s32 $0x70F8, s18;
	s24 =	sadd.s32 $0xFFFFFEE0, s17  }
0x3c0: {  	[hbm4b:s24+s2] =	stream.linear.scatter [tilespmem:s23], [sflag:$0x1], $0x80, $0x38;
	[tilespmem:$0x9410] =	vst v63  }
0x3c1: {  	s25 =	sadd.s32 $0x8178, s18;
	s26 =	sadd.s32 $0xFFFFFEF0, s17  }
0x3c2: {  	[hbm4b:s26+s2] =	stream.linear.scatter [tilespmem:s25], [sflag:$0x1], $0x80, $0x38;
	[tilespmem:$0x9410] =	vst v63  }
0x3c3: {  	s28 =	sadd.s32 $0xFFFFFF00, s17;
	s29 =	sadd.s32 $0xE78, s18  }
0x3c4: {  	[hbm4b:s28+s2] =	stream.linear.scatter [tilespmem:s29], [sflag:$0x1], $0x80, $0x38;
	[tilespmem:$0x9410] =	vst v63  }
0x3c5: {  	s30 =	sadd.s32 $0x1EF8, s18;
	s31 =	sadd.s32 $0xFFFFFF10, s17  }
0x3c6: {  	[hbm4b:s31+s2] =	stream.linear.scatter [tilespmem:s30], [sflag:$0x1], $0x80, $0x38;
	[tilespmem:$0x9410] =	vst v63  }
0x3c7: {  	s21 =	sadd.s32 $0x2F78, s18;
	s22 =	sadd.s32 $0xFFFFFF20, s17  }
0x3c8: {  	[hbm4b:s22+s2] =	stream.linear.scatter [tilespmem:s21], [sflag:$0x1], $0x80, $0x38;
	[tilespmem:$0x9410] =	vst v63  }
0x3c9: {  	s23 =	sadd.s32 $0x3FF8, s18;
	s24 =	sadd.s32 $0xFFFFFF30, s17  }
0x3ca: {  	[hbm4b:s24+s2] =	stream.linear.scatter [tilespmem:s23], [sflag:$0x1], $0x80, $0x38;
	[tilespmem:$0x9410] =	vst v63  }
0x3cb: {  	s25 =	sadd.s32 $0x5078, s18;
	s26 =	sadd.s32 $0xFFFFFF40, s17  }
0x3cc: {  	[hbm4b:s26+s2] =	stream.linear.scatter [tilespmem:s25], [sflag:$0x1], $0x80, $0x38;
	[tilespmem:$0x9410] =	vst v63  }
0x3cd: {  	s28 =	sadd.s32 $0x60F8, s18;
	s29 =	sadd.s32 $0xFFFFFF50, s17  }
0x3ce: {  	[hbm4b:s29+s2] =	stream.linear.scatter [tilespmem:s28], [sflag:$0x1], $0x80, $0x38;
	[tilespmem:$0x9410] =	vst v63  }
0x3cf: {  	s30 =	sadd.s32 $0x7178, s18;
	s31 =	sadd.s32 $0xFFFFFF60, s17  }
0x3d0: {  	[hbm4b:s31+s2] =	stream.linear.scatter [tilespmem:s30], [sflag:$0x1], $0x80, $0x38;
	[tilespmem:$0x9410] =	vst v63  }
0x3d1: {  	s21 =	sadd.s32 $0x81F8, s18;
	s22 =	sadd.s32 $0xFFFFFF70, s17  }
0x3d2: {  	[hbm4b:s22+s2] =	stream.linear.scatter [tilespmem:s21], [sflag:$0x1], $0x80, $0x38;
	[tilespmem:$0x9410] =	vst v63  }
0x3d3: {  	s23 =	sadd.s32 $0xFFFFFF80, s17;
	s24 =	sadd.s32 $0xEF8, s18  }
0x3d4: {  	[hbm4b:s23+s2] =	stream.linear.scatter [tilespmem:s24], [sflag:$0x1], $0x80, $0x38;
	[tilespmem:$0x9410] =	vst v63  }
0x3d5: {  	s25 =	sadd.s32 $0x1F78, s18;
	s26 =	sadd.s32 $0xFFFFFF90, s17  }
0x3d6: {  	[hbm4b:s26+s2] =	stream.linear.scatter [tilespmem:s25], [sflag:$0x1], $0x80, $0x38;
	[tilespmem:$0x9410] =	vst v63  }
0x3d7: {  	s28 =	sadd.s32 $0x2FF8, s18;
	s29 =	sadd.s32 $0xFFFFFFA0, s17  }
0x3d8: {  	[hbm4b:s29+s2] =	stream.linear.scatter [tilespmem:s28], [sflag:$0x1], $0x80, $0x38;
	[tilespmem:$0x9410] =	vst v63  }
0x3d9: {  	s30 =	sadd.s32 $0x4078, s18;
	s31 =	sadd.s32 $0xFFFFFFB0, s17  }
0x3da: {  	[hbm4b:s31+s2] =	stream.linear.scatter [tilespmem:s30], [sflag:$0x1], $0x80, $0x38;
	[tilespmem:$0x9410] =	vst v63  }
0x3db: {  	s20 =	sadd.s32 $0x50F8, s18;
	s21 =	sadd.s32 $0xFFFFFFC0, s17  }
0x3dc: {  	[hbm4b:s21+s2] =	stream.linear.scatter [tilespmem:s20], [sflag:$0x1], $0x80, $0x38;
	[tilespmem:$0x9410] =	vst v63  }
0x3dd: {  	s22 =	sadd.s32 $0x6178, s18;
	s23 =	sadd.s32 $0xFFFFFFD0, s17  }
0x3de: {  	[hbm4b:s23+s2] =	stream.linear.scatter [tilespmem:s22], [sflag:$0x1], $0x80, $0x38;
	[tilespmem:$0x9410] =	vst v63  }
0x3df: {  	s24 =	sadd.s32 $0x71F8, s18;
	s25 =	sadd.s32 $0xFFFFFFE0, s17  }
0x3e0: {  	[hbm4b:s25+s2] =	stream.linear.scatter [tilespmem:s24], [sflag:$0x1], $0x80, $0x38;
	[tilespmem:$0x9410] =	vst v63  }
0x3e1: {  	s26 =	sadd.s32 $0x8278, s18;
	s28 =	sadd.s32 $0xFFFFFFF0, s17  }
0x3e2: {  	[hbm4b:s28+s2] =	stream.linear.scatter [tilespmem:s26], [sflag:$0x1], $0x80, $0x38;
	[tilespmem:$0x9410] =	vst v63  }
0x3e3: {  	s29 =	sadd.s32 $0xF78, s18  }
0x3e4: {  	[hbm4b:s17+s2] =	stream.linear.scatter [tilespmem:s29], [sflag:$0x1], $0x80, $0x38;
	[tilespmem:$0x9410] =	vst v63  }
0x3e5: {  	s30 =	sadd.s32 $0x1FF8, s18;
	s31 =	sadd.s32 $0x10, s17  }
0x3e6: {  	[hbm4b:s31+s2] =	stream.linear.scatter [tilespmem:s30], [sflag:$0x1], $0x80, $0x38;
	[tilespmem:$0x9410] =	vst v63  }
0x3e7: {  	s20 =	sadd.s32 $0x3078, s18;
	s21 =	sadd.s32 $0x20, s17  }
0x3e8: {  	[hbm4b:s21+s2] =	stream.linear.scatter [tilespmem:s20], [sflag:$0x1], $0x80, $0x38;
	[tilespmem:$0x9410] =	vst v63  }
0x3e9: {  	s22 =	sadd.s32 $0x40F8, s18;
	s23 =	sadd.s32 $0x30, s17  }
0x3ea: {  	[hbm4b:s23+s2] =	stream.linear.scatter [tilespmem:s22], [sflag:$0x1], $0x80, $0x38;
	[tilespmem:$0x9410] =	vst v63  }
0x3eb: {  	s24 =	sadd.s32 $0x5178, s18;
	s25 =	sadd.s32 $0x40, s17  }
0x3ec: {  	[hbm4b:s25+s2] =	stream.linear.scatter [tilespmem:s24], [sflag:$0x1], $0x80, $0x38;
	[tilespmem:$0x9410] =	vst v63  }
0x3ed: {  	s26 =	sadd.s32 $0x61F8, s18;
	s28 =	sadd.s32 $0x50, s17  }
0x3ee: {  	[hbm4b:s28+s2] =	stream.linear.scatter [tilespmem:s26], [sflag:$0x1], $0x80, $0x38;
	[tilespmem:$0x9410] =	vst v63  }
0x3ef: {  	p0 =	slt.u32 s16, $0x8;
	s29 =	sadd.s32 $0x7278, s18;
	s30 =	sadd.s32 $0x60, s17  }
0x3f0: {  	[hbm4b:s30+s2] =	stream.linear.scatter [tilespmem:s29], [sflag:$0x1], $0x80, $0x38;
	[tilespmem:$0x9410] =	vst v63  }
0x3f1: {  	s16 =	simm.s32 @!p0 $0x1;
	s18 =	sadd.s32 $0x82F8, s18;
	s31 =	sadd.s32 $0x70, s17  }
0x3f2: {  	[hbm4b:s31+s2] =	stream.linear.scatter [tilespmem:s18], [sflag:$0x1], $0x80, $0x38;
	[tilespmem:$0x9410] =	vst v63  }
0x3f3: {  	_ =	swait.ge @!p0 [sflag:s16], $0x4000  }
0x3f4: {  	[sflag:s16] =	ssyncset.done @!p0 $0x0  }
0x3f5: {  	[sflag:s16] =	ssyncadd.s32 @!p0 $0xFFFFC000  }
0x3f6: {  	_ =	swait.ge [sflag:s4], $0x4000  }
0x3f7: {  	[sflag:s4] =	ssyncset.done $0x0  }
0x3f8: {  	[sflag:s4] =	ssyncadd.s32 $0xFFFFC000  }
0x3f9: {  	_ =	swait.ge [sflag:s4], $0x4000  }
0x3fa: {  	[sflag:s4] =	ssyncset.done $0x0  }
0x3fb: {  	[sflag:s4] =	ssyncadd.s32 $0xFFFFC000  }
0x3fc: {  	_ =	swait.ge [sflag:s4], $0x4000  }
0x3fd: {  	[sflag:s4] =	ssyncset.done $0x0  }
0x3fe: {  	[sflag:s4] =	ssyncadd.s32 $0xFFFFC000  }
0x3ff: {  	_ =	swait.ge [sflag:s4], $0x4000  }
0x400: {  	[sflag:s4] =	ssyncset.done $0x0  }
0x401: {  	[sflag:s4] =	ssyncadd.s32 $0xFFFFC000  }
0x402: {  	_ =	swait.ge [sflag:s4], $0x4000  }
0x403: {  	[sflag:s4] =	ssyncset.done $0x0  }
0x404: {  	[sflag:s4] =	ssyncadd.s32 $0xFFFFC000  }
0x405: {  	_ =	swait.ge [sflag:s4], $0x4000  }
0x406: {  	[sflag:s4] =	ssyncset.done $0x0  }
0x407: {  	s15 =	sadd.s32 $0x1, s15;
	[sflag:s4] =	ssyncadd.s32 $0xFFFFC000  }
0x408: {  	p0 =	sne.s32 s15, s6;
	_ =	swait.ge [sflag:s4], $0x4000  }
.Ltmp10:
0x409: {  	[sflag:s4] =	ssyncset.done $0x0;
	(pc) =	sbr.rel @p0 .LBB2_1-.Ltmp10, $4  }
0x40a: {  	[sflag:s4] =	ssyncadd.s32 $0xFFFFC000  }
0x40b: {  	_ =	swait.ge [sflag:s4], $0x4000  }
0x40c: {  	[sflag:s4] =	ssyncset.done $0x0  }
0x40d: {  	[sflag:s4] =	ssyncadd.s32 $0xFFFFC000  }
0x40e: {  	_ =	sfence.sel $0x180000  }
0x40f: {  	[bflag:$0x0] =	sbarrier.arrive $0xFFFF  }
0x410: {  	p0 =	sne.s32 s0, $0x0;
	_ =	strace $0x90000047  }
0x411: {  	s0 =	sadd.s32 @!p0 $0x100000, s1;
	[bflag:$0x2] =	sbarrier.arrive $0xFFFF  }
0x412: {  	[sflag:s0] =	ssyncadd.tile.s32 @!p0 $0x1;
	_ =	shalt  }
.Lfunc_end2:
_tile_overlayer_lowered:
.L_overlay_start_2:
0x413: {  	(tag) =	ssettag $0x2  }
0x414: {  	s0 =	rddreg [dreg:$0x0];
	s2 =	stileid.u32  }
0x415: {  	s1 =	rddreg [dreg:$0x1];
	p0 =	sne.s32 s2, $0x0  }
0x416: {  	s3 =	rddreg [dreg:$0x2];
	[bflag:$0x3] =	sbarrier.arrive $0xFFFF;
	s2 =	simm.s32 @!p0 $0x1C02  }
0x417: {  	[timem:s3], [sflag:s2] =	dma.local @!p0 [hbm:s0], s1  }
0x418: {  	s0 =	simm.s32 @!p0 $0x2  }
0x419: {  	_ =	swait.ge @!p0 [sflag:s0], s1  }
0x41a: {  	s1 =	ssub.s32 @!p0 $0x0, s1;
	[sflag:s0] =	ssyncset.done @!p0 $0x0  }
0x41b: {  	[sflag:s0] =	ssyncadd.s32 @!p0 s1  }
0x41c: {  	[bflag:$0x3] =	sbarrier.arrive $0xFFFF  }
0x41d: {  	_ =	shalt  }

</sc_bundles>
